<compile_context>
chip_gen: v7x
topology: tpu7x:2x2x1
jax: 0.10.2.dev20260603
libtpu: 0.0.44.dev20260713+nightly
codegen_flags: <defaults>
</compile_context>

<pallas_src>
import dataclasses
import functools

import jax
import jax.numpy as jnp
from jax import lax
from jax.experimental import pallas as pl
from jax.experimental.pallas import tpu as pltpu
from jax.experimental.pallas import tpu_sc as plsc

N_NODES = 10000
N_PAD = 10240
D = 128
DH = D // 2
E_EDGES = 320000
NC = 2
NS = 16
EPT = E_EDGES // NS
K = 80
NCHUNK = 250
EPTP = NCHUNK * K
ROWS_PER_TILE = N_PAD // NS

_MESH = plsc.VectorSubcoreMesh(core_axis_name="c", subcore_axis_name="s")

_SC_PARAMS = pltpu.CompilerParams()
if "needs_layout_passes" in pltpu.CompilerParams.__dataclass_fields__:
    _SC_PARAMS = dataclasses.replace(_SC_PARAMS, needs_layout_passes=False)
_SC_PARAMS = dataclasses.replace(_SC_PARAMS, use_tc_tiling_on_sc=False)



NW = NC * NS
EPW = E_EDGES // NW


@functools.partial(
    pl.kernel,
    out_type=jax.ShapeDtypeStruct((NW, N_NODES), jnp.float32),
    mesh=_MESH,
    scratch_types=[
        pltpu.VMEM((EPW,), jnp.int32),
        pltpu.VMEM((N_NODES,), jnp.float32),
    ],
    compiler_params=_SC_PARAMS,
)
def _sc_hist(dst_hbm, out_hbm, idx_v, hist_v):
    wid = lax.axis_index("s") * NC + lax.axis_index("c")

    zeros16 = jnp.zeros((16,), jnp.float32)

    @pl.loop(0, N_NODES, step=16)
    def _(i):
        hist_v[pl.ds(i, 16)] = zeros16

    pltpu.sync_copy(dst_hbm.at[wid], idx_v)

    ones16 = jnp.ones((16,), jnp.float32)

    @pl.loop(0, EPW, step=16)
    def _(i):
        idx = idx_v[pl.ds(i, 16)]
        plsc.addupdate_scatter(hist_v, [idx], ones16)

    pltpu.sync_copy(hist_v, out_hbm.at[wid])



@functools.partial(
    pl.kernel,
    out_type=jax.ShapeDtypeStruct((NC, N_PAD, DH), jnp.float32),
    mesh=_MESH,
    scratch_types=[
        pltpu.VMEM((EPTP,), jnp.int32),
        pltpu.VMEM((NCHUNK, K), jnp.int32),
        [pltpu.VMEM((K, DH), jnp.float32) for _ in range(8)],
        pltpu.VMEM_SHARED((N_PAD, DH), jnp.float32),
        [pltpu.SemaphoreType.DMA for _ in range(8)],
        [pltpu.SemaphoreType.DMA for _ in range(8)],
    ],
    compiler_params=_SC_PARAMS,
)
def _sc_scatter(src_hbm, dst_hbm, g_hbm, out_hbm,
                src_v, dst_v, bufs, accum, gsems, ssems):
    cid = lax.axis_index("c")
    sid = lax.axis_index("s")

    buf0 = bufs[0]
    NB = 8

    pltpu.sync_copy(src_hbm.at[sid], src_v)
    pltpu.sync_copy(dst_hbm.at[sid], dst_v)

    off16 = jnp.full((16,), cid * N_PAD, jnp.int32)

    @pl.loop(0, EPTP, step=16)
    def _(i):
        src_v[pl.ds(i, 16)] = src_v[pl.ds(i, 16)] + off16

    def start_gather(c, j):
        pltpu.async_copy(g_hbm.at[src_v.at[pl.ds(c * K, K)]], bufs[j],
                         gsems[j])

    def wait_gather(c, j):
        pltpu.make_async_copy(g_hbm.at[src_v.at[pl.ds(c * K, K)]], bufs[j],
                              gsems[j]).wait()

    def start_scatter(c, j):
        pltpu.async_copy(bufs[j], accum.at[dst_v.at[c]], ssems[j], add=True)

    def wait_scatter(c, j):
        pltpu.make_async_copy(bufs[j], accum.at[dst_v.at[c]], ssems[j]).wait()

    for j in range(1, NB):
        start_gather(j, j)

    zeros16 = jnp.zeros((16,), jnp.float32)

    @pl.loop(0, K)
    def _(r):
        @pl.loop(0, DH, step=16)
        def _(l):
            buf0[r, pl.ds(l, 16)] = zeros16

    base = sid * ROWS_PER_TILE

    @pl.loop(0, ROWS_PER_TILE, step=K)
    def _(r):
        pltpu.sync_copy(buf0, accum.at[pl.ds(base + r, K)])

    start_gather(0, 0)

    plsc.subcore_barrier()

    MAIN = (NCHUNK // NB) * NB

    @pl.loop(0, MAIN, step=NB)
    def _(c):
        for j in range(NB):
            wait_gather(c + j, j)
            start_scatter(c + j, j)
        for j in range(NB):
            wait_scatter(c + j, j)

            @pl.when(c + NB + j < NCHUNK)
            def _():
                start_gather(c + NB + j, j)

    for j in range(NCHUNK - MAIN):
        wait_gather(MAIN + j, j)
        start_scatter(MAIN + j, j)
    for j in range(NCHUNK - MAIN):
        wait_scatter(MAIN + j, j)

    plsc.subcore_barrier()

    pltpu.sync_copy(accum.at[pl.ds(base, ROWS_PER_TILE)],
                    out_hbm.at[cid, pl.ds(base, ROWS_PER_TILE)])



_BLK1 = 1280
_GRID1 = 8
_BLK = 1024
_GRID = N_PAD // _BLK


def _layer1_body(hists_ref, x_ref, w_ref, dinv_ref, g_ref):
    deg = jnp.sum(hists_ref[...], axis=0) + 1.0
    dinv = lax.rsqrt(deg)[:, None]
    h = jnp.dot(x_ref[...], w_ref[0], preferred_element_type=jnp.float32)
    dinv_ref[...] = dinv
    g_ref[...] = h * dinv


def _tc_layer1(hists, x, W1s):
    return pl.pallas_call(
        _layer1_body,
        grid=(NC, _GRID1),
        in_specs=[
            pl.BlockSpec((NW, _BLK1), lambda c, i: (0, i)),
            pl.BlockSpec((_BLK1, D), lambda c, i: (i, 0)),
            pl.BlockSpec((1, D, DH), lambda c, i: (c, 0, 0)),
        ],
        out_specs=[
            pl.BlockSpec((_BLK1, 1), lambda c, i: (i, 0)),
            pl.BlockSpec((_BLK1, DH), lambda c, i: (c * _GRID1 + i, 0)),
        ],
        out_shape=[
            jax.ShapeDtypeStruct((N_PAD, 1), jnp.float32),
            jax.ShapeDtypeStruct((NC * N_PAD, DH), jnp.float32),
        ],
    )(hists, x, W1s)


def _mid_body(pa_ref, pb_ref, g1a_ref, g1b_ref, dinv_ref, b1_ref, w2_ref,
              g2_ref):
    dinv = dinv_ref[...]
    b1 = b1_ref[...]
    z_lo = jnp.maximum((pa_ref[0] + g1a_ref[...]) * dinv + b1[:, :DH], 0.0)
    z_hi = jnp.maximum((pb_ref[0] + g1b_ref[...]) * dinv + b1[:, DH:], 0.0)
    w2 = w2_ref[0]
    h2 = (jnp.dot(z_lo, w2[:DH], preferred_element_type=jnp.float32)
          + jnp.dot(z_hi, w2[DH:], preferred_element_type=jnp.float32))
    g2_ref[...] = h2 * dinv


def _tc_mid(p, g1, dinv, b1, W2s):
    return pl.pallas_call(
        _mid_body,
        grid=(NC, _GRID),
        in_specs=[
            pl.BlockSpec((1, _BLK, DH), lambda c, i: (0, i, 0)),
            pl.BlockSpec((1, _BLK, DH), lambda c, i: (1, i, 0)),
            pl.BlockSpec((_BLK, DH), lambda c, i: (i, 0)),
            pl.BlockSpec((_BLK, DH), lambda c, i: (_GRID + i, 0)),
            pl.BlockSpec((_BLK, 1), lambda c, i: (i, 0)),
            pl.BlockSpec((1, D), lambda c, i: (0, 0)),
            pl.BlockSpec((1, D, DH), lambda c, i: (c, 0, 0)),
        ],
        out_specs=pl.BlockSpec((_BLK, DH), lambda c, i: (c * _GRID + i, 0)),
        out_shape=jax.ShapeDtypeStruct((NC * N_PAD, DH), jnp.float32),
    )(p, p, g1, g1, dinv, b1, W2s)


def _out_body(qa_ref, qb_ref, g2a_ref, g2b_ref, dinv_ref, b2_ref, o_ref):
    dinv = dinv_ref[...]
    b2 = b2_ref[...]
    lo = (qa_ref[0] + g2a_ref[...]) * dinv + b2[:, :DH]
    hi = (qb_ref[0] + g2b_ref[...]) * dinv + b2[:, DH:]
    o_ref[...] = jnp.concatenate([lo, hi], axis=1)


def _tc_out(q, g2, dinv, b2):
    return pl.pallas_call(
        _out_body,
        grid=(_GRID,),
        in_specs=[
            pl.BlockSpec((1, _BLK, DH), lambda i: (0, i, 0)),
            pl.BlockSpec((1, _BLK, DH), lambda i: (1, i, 0)),
            pl.BlockSpec((_BLK, DH), lambda i: (i, 0)),
            pl.BlockSpec((_BLK, DH), lambda i: (_GRID + i, 0)),
            pl.BlockSpec((_BLK, 1), lambda i: (i, 0)),
            pl.BlockSpec((1, D), lambda i: (0, 0)),
        ],
        out_specs=pl.BlockSpec((_BLK, D), lambda i: (i, 0)),
        out_shape=jax.ShapeDtypeStruct((N_PAD, D), jnp.float32),
    )(q, q, g2, g2, dinv, b2)



def kernel(x, edge_index, W1, b1, W2, b2):
    src = edge_index[0].reshape(NS, EPT)
    dst = edge_index[1].reshape(NS, NCHUNK, K)
    dst_flat = edge_index[1].reshape(NW, EPW)

    b1r = b1.reshape(1, D)
    b2r = b2.reshape(1, D)
    W1s = jnp.stack([W1[:, :DH], W1[:, DH:]])
    W2s = jnp.stack([W2[:, :DH], W2[:, DH:]])

    hists = _sc_hist(dst_flat)
    dinv, g1 = _tc_layer1(hists, x, W1s)
    p = _sc_scatter(src, dst, g1)
    g2 = _tc_mid(p, g1, dinv, b1r, W2s)
    q = _sc_scatter(src, dst, g2)
    return _tc_out(q, g2, dinv, b2r)[:N_NODES]

# --- scband reference (transcript-rebuilt; emitter-appended) ---
"""Pipeline reference for scband-gnn-22351009809266 (READ-ONLY COPY).

The authoritative reference and input builder live on the scoring server;
editing this copy changes nothing except your own understanding.
"""

import jax, jax.numpy as jnp
import numpy as np

N = 10000
E = 320000
D_IN = 128
D_H = 128
D_OUT = 128


def setup_inputs(seed: int = 0) -> dict:
    key = jax.random.key(seed)
    k1, k2, k3, k4, k5 = jax.random.split(key, 5)
    x = jax.random.normal(k1, (N, D_IN), dtype=jnp.float32)
    edge_index = jax.random.randint(k2, (2, E), 0, N, dtype=jnp.int32)
    W1 = jax.random.normal(k3, (D_IN, D_H), dtype=jnp.float32) * (1.0 / np.sqrt(D_IN))
    b1 = jnp.zeros((D_H,), dtype=jnp.float32)
    W2 = jax.random.normal(k4, (D_H, D_OUT), dtype=jnp.float32) * (1.0 / np.sqrt(D_H))
    b2 = jnp.zeros((D_OUT,), dtype=jnp.float32)
    return {"x": x, "edge_index": edge_index, "W1": W1, "b1": b1, "W2": W2, "b2": b2}


def gcn_conv(x, edge_index, W, b):
    # GCNConv: out = D^{-1/2} (A + I) D^{-1/2} X W + b
    num_nodes = x.shape[0]
    loop = jnp.arange(num_nodes, dtype=edge_index.dtype)
    src = jnp.concatenate([edge_index[0], loop])
    dst = jnp.concatenate([edge_index[1], loop])
    deg = jnp.zeros((num_nodes,), dtype=x.dtype).at[dst].add(1.0)
    dinv = jnp.where(deg > 0, jax.lax.rsqrt(deg), 0.0)
    norm = dinv[src] * dinv[dst]
    h = x @ W
    msg = h[src] * norm[:, None]
    out = jax.ops.segment_sum(msg, dst, num_segments=num_nodes)
    return out + b


def reference(x, edge_index, W1, b1, W2, b2):
    h = gcn_conv(x, edge_index, W1, b1)
    h = jax.nn.relu(h)
    out = gcn_conv(h, edge_index, W2, b2)
    return out

if __name__ == "__main__":
    import jax
    _d = setup_inputs()
    print(jax.jit(kernel)(*tuple(_d.values())))

</pallas_src>

<mosaic_0001>
#map = affine_map<(d0, d1) -> (0, 0)>
module attributes {stable_mosaic.version = 14 : i64} {
  func.func @_sc_hist(%arg0: i32, %arg1: i32, %arg2: memref<32x10000xi32, #tpu.memory_space<hbm>>, %arg3: memref<32x10000xf32, #tpu.memory_space<hbm>>, %arg4: memref<10000xi32, #tpu.memory_space<vmem>>, %arg5: memref<10000xf32, #tpu.memory_space<vmem>>) attributes {dimension_semantics = [#tpu.dimension_semantics<core_parallel>, #tpu.dimension_semantics<subcore_parallel>], iteration_bounds = array<i64: 2, 16>, scalar_prefetch = 0 : i64, scratch_operands = 2 : i64, tpu.core_type = #tpu.core_type<sc_vector_subcore>, window_params = [{transform_indices = #map}, {transform_indices = #map}]} {
    %mul3A = arith.constant 2 : i32
    %mul3A_0 = arith.muli %arg1, %mul3A : i32
    %add3A = arith.addi %mul3A_0, %arg0 : i32
    %broadcast_in_dim3A = arith.constant 0.000000e+00 : f32
    %broadcast_in_dim3A_1 = vector.broadcast %broadcast_in_dim3A : f32 to vector<16xf32>
    %scan3A = arith.constant 0 : i32
    %scan3A_2 = arith.constant 625 : i32
    %scan3A_3 = arith.addi %scan3A, %scan3A_2 : i32
    %scan3A_4 = arith.constant 1 : i32
    scf.for %scan3A_13 = %scan3A to %scan3A_3 step %scan3A_4  : i32 {
      %mul3A_14 = arith.constant 16 : i32
      %mul3A_15 = arith.muli %scan3A_13, %mul3A_14 : i32
      %add3A_16 = arith.constant 0 : i32
      %add3A_17 = arith.addi %add3A_16, %mul3A_15 : i32
      %swap3A = arith.index_cast %add3A_17 : i32 to index
      %swap3A_18 = tpu.vector_load %arg5[%swap3A] {strides = array<i32>} : memref<10000xf32, #tpu.memory_space<vmem>>, vector<16xf32>,
      tpu.vector_store %arg5[%swap3A], %broadcast_in_dim3A_1 {strides = array<i32>} : memref<10000xf32, #tpu.memory_space<vmem>>, vector<16xf32>,
    }
    %scan3A_5 = arith.constant 625 : i32
    "tpu.region"() ({
      %run_scoped3A = tpu.sem_alloc : memref<!tpu.dma_semaphore, #tpu.memory_space<semaphore_mem>>
      %dma_start3A = arith.constant 0 : i32
      %dma_start3A_13 = tpu.memref_slice %arg2[%add3A, %dma_start3A] : memref<32x10000xi32, #tpu.memory_space<hbm>> -> memref<1x10000xi32, #tpu.memory_space<hbm>>
      %dma_start3A_14 = tpu.memref_squeeze %dma_start3A_13 : memref<1x10000xi32, #tpu.memory_space<hbm>> -> memref<10000xi32, #tpu.memory_space<hbm>>
      %dma_start3A_15 = arith.constant 0 : i32
      %dma_start3A_16 = tpu.memref_slice %arg2[%add3A, %dma_start3A_15] : memref<32x10000xi32, #tpu.memory_space<hbm>> -> memref<1x10000xi32, #tpu.memory_space<hbm>>
      %dma_start3A_17 = tpu.memref_squeeze %dma_start3A_16 : memref<1x10000xi32, #tpu.memory_space<hbm>> -> memref<10000xi32, #tpu.memory_space<hbm>>
      tpu.enqueue_dma source(%dma_start3A_17 : memref<10000xi32, #tpu.memory_space<hbm>>) target(%arg4 : memref<10000xi32, #tpu.memory_space<vmem>>) target_semaphore(%run_scoped3A : memref<!tpu.dma_semaphore, #tpu.memory_space<semaphore_mem>>)
      %dma_wait3A = arith.constant 0 : i32
      %dma_wait3A_18 = tpu.memref_slice %arg2[%add3A, %dma_wait3A] : memref<32x10000xi32, #tpu.memory_space<hbm>> -> memref<1x10000xi32, #tpu.memory_space<hbm>>
      %dma_wait3A_19 = tpu.memref_squeeze %dma_wait3A_18 : memref<1x10000xi32, #tpu.memory_space<hbm>> -> memref<10000xi32, #tpu.memory_space<hbm>>
      %dma_wait3A_20 = arith.constant 0 : i32
      %dma_wait3A_21 = tpu.memref_slice %arg2[%add3A, %dma_wait3A_20] : memref<32x10000xi32, #tpu.memory_space<hbm>> -> memref<1x10000xi32, #tpu.memory_space<hbm>>
      %dma_wait3A_22 = tpu.memref_squeeze %dma_wait3A_21 : memref<1x10000xi32, #tpu.memory_space<hbm>> -> memref<10000xi32, #tpu.memory_space<hbm>>
      tpu.wait_dma2 semaphore(%run_scoped3A : memref<!tpu.dma_semaphore, #tpu.memory_space<semaphore_mem>>) src(%dma_wait3A_22 : memref<10000xi32, #tpu.memory_space<hbm>>) dst(%arg4 : memref<10000xi32, #tpu.memory_space<vmem>>)
      tpu.yield
    }) : () -> ()
    %broadcast_in_dim3A_6 = arith.constant 1.000000e+00 : f32
    %broadcast_in_dim3A_7 = vector.broadcast %broadcast_in_dim3A_6 : f32 to vector<16xf32>
    %scan3A_8 = arith.constant 0 : i32
    %scan3A_9 = arith.constant 625 : i32
    %scan3A_10 = arith.addi %scan3A_8, %scan3A_9 : i32
    %scan3A_11 = arith.constant 1 : i32
    scf.for %scan3A_13 = %scan3A_8 to %scan3A_10 step %scan3A_11  : i32 {
      %mul3A_14 = arith.constant 16 : i32
      %mul3A_15 = arith.muli %scan3A_13, %mul3A_14 : i32
      %add3A_16 = arith.constant 0 : i32
      %add3A_17 = arith.addi %add3A_16, %mul3A_15 : i32
      %get3A = arith.index_cast %add3A_17 : i32 to index
      %get3A_18 = tpu.vector_load %arg4[%get3A] {strides = array<i32>} : memref<10000xi32, #tpu.memory_space<vmem>>, vector<16xi32>,
      tpu.vector_store_idx %arg5[%get3A_18], %broadcast_in_dim3A_7 {add = true} : memref<10000xf32, #tpu.memory_space<vmem>>[vector<16xi32>], vector<16xf32>,
    }
    %scan3A_12 = arith.constant 625 : i32
    "tpu.region"() ({
      %run_scoped3A = tpu.sem_alloc : memref<!tpu.dma_semaphore, #tpu.memory_space<semaphore_mem>>
      %dma_start3A = arith.constant 0 : i32
      %dma_start3A_13 = tpu.memref_slice %arg3[%add3A, %dma_start3A] : memref<32x10000xf32, #tpu.memory_space<hbm>> -> memref<1x10000xf32, #tpu.memory_space<hbm>>
      %dma_start3A_14 = tpu.memref_squeeze %dma_start3A_13 : memref<1x10000xf32, #tpu.memory_space<hbm>> -> memref<10000xf32, #tpu.memory_space<hbm>>
      %dma_start3A_15 = arith.constant 0 : i32
      %dma_start3A_16 = tpu.memref_slice %arg3[%add3A, %dma_start3A_15] : memref<32x10000xf32, #tpu.memory_space<hbm>> -> memref<1x10000xf32, #tpu.memory_space<hbm>>
      %dma_start3A_17 = tpu.memref_squeeze %dma_start3A_16 : memref<1x10000xf32, #tpu.memory_space<hbm>> -> memref<10000xf32, #tpu.memory_space<hbm>>
      tpu.enqueue_dma source(%arg5 : memref<10000xf32, #tpu.memory_space<vmem>>) target(%dma_start3A_17 : memref<10000xf32, #tpu.memory_space<hbm>>) target_semaphore(%run_scoped3A : memref<!tpu.dma_semaphore, #tpu.memory_space<semaphore_mem>>)
      %dma_wait3A = arith.constant 0 : i32
      %dma_wait3A_18 = tpu.memref_slice %arg3[%add3A, %dma_wait3A] : memref<32x10000xf32, #tpu.memory_space<hbm>> -> memref<1x10000xf32, #tpu.memory_space<hbm>>
      %dma_wait3A_19 = tpu.memref_squeeze %dma_wait3A_18 : memref<1x10000xf32, #tpu.memory_space<hbm>> -> memref<10000xf32, #tpu.memory_space<hbm>>
      %dma_wait3A_20 = arith.constant 0 : i32
      %dma_wait3A_21 = tpu.memref_slice %arg3[%add3A, %dma_wait3A_20] : memref<32x10000xf32, #tpu.memory_space<hbm>> -> memref<1x10000xf32, #tpu.memory_space<hbm>>
      %dma_wait3A_22 = tpu.memref_squeeze %dma_wait3A_21 : memref<1x10000xf32, #tpu.memory_space<hbm>> -> memref<10000xf32, #tpu.memory_space<hbm>>
      tpu.wait_dma2 semaphore(%run_scoped3A : memref<!tpu.dma_semaphore, #tpu.memory_space<semaphore_mem>>) src(%arg5 : memref<10000xf32, #tpu.memory_space<vmem>>) dst(%dma_wait3A_22 : memref<10000xf32, #tpu.memory_space<hbm>>)
      tpu.yield
    }) : () -> ()
    return
  }
}

#map = affine_map<(d0, d1) -> (0, 0)>
#map1 = affine_map<(d0, d1) -> (0, 0, 0)>
module attributes {stable_mosaic.version = 14 : i64} {
  func.func @_sc_scatter(%arg0: i32, %arg1: i32, %arg2: memref<16x20000xi32, #tpu.memory_space<hbm>>, %arg3: memref<16x250x80xi32, #tpu.memory_space<hbm>>, %arg4: memref<20480x64xf32, #tpu.memory_space<hbm>>, %arg5: memref<2x10240x64xf32, #tpu.memory_space<hbm>>, %arg6: memref<20000xi32, #tpu.memory_space<vmem>>, %arg7: memref<250x80xi32, #tpu.memory_space<vmem>>, %arg8: memref<80x64xf32, #tpu.memory_space<vmem>>, %arg9: memref<80x64xf32, #tpu.memory_space<vmem>>, %arg10: memref<80x64xf32, #tpu.memory_space<vmem>>, %arg11: memref<80x64xf32, #tpu.memory_space<vmem>>, %arg12: memref<80x64xf32, #tpu.memory_space<vmem>>, %arg13: memref<80x64xf32, #tpu.memory_space<vmem>>, %arg14: memref<80x64xf32, #tpu.memory_space<vmem>>, %arg15: memref<80x64xf32, #tpu.memory_space<vmem>>, %arg16: memref<10240x64xf32, #tpu.memory_space<vmem_shared>>, %arg17: memref<!tpu.dma_semaphore, #tpu.memory_space<semaphore_mem>>, %arg18: memref<!tpu.dma_semaphore, #tpu.memory_space<semaphore_mem>>, %arg19: memref<!tpu.dma_semaphore, #tpu.memory_space<semaphore_mem>>, %arg20: memref<!tpu.dma_semaphore, #tpu.memory_space<semaphore_mem>>, %arg21: memref<!tpu.dma_semaphore, #tpu.memory_space<semaphore_mem>>, %arg22: memref<!tpu.dma_semaphore, #tpu.memory_space<semaphore_mem>>, %arg23: memref<!tpu.dma_semaphore, #tpu.memory_space<semaphore_mem>>, %arg24: memref<!tpu.dma_semaphore, #tpu.memory_space<semaphore_mem>>, %arg25: memref<!tpu.dma_semaphore, #tpu.memory_space<semaphore_mem>>, %arg26: memref<!tpu.dma_semaphore, #tpu.memory_space<semaphore_mem>>, %arg27: memref<!tpu.dma_semaphore, #tpu.memory_space<semaphore_mem>>, %arg28: memref<!tpu.dma_semaphore, #tpu.memory_space<semaphore_mem>>, %arg29: memref<!tpu.dma_semaphore, #tpu.memory_space<semaphore_mem>>, %arg30: memref<!tpu.dma_semaphore, #tpu.memory_space<semaphore_mem>>, %arg31: memref<!tpu.dma_semaphore, #tpu.memory_space<semaphore_mem>>, %arg32: memref<!tpu.dma_semaphore, #tpu.memory_space<semaphore_mem>>) attributes {dimension_semantics = [#tpu.dimension_semantics<core_parallel>, #tpu.dimension_semantics<subcore_parallel>], iteration_bounds = array<i64: 2, 16>, scalar_prefetch = 0 : i64, scratch_operands = 27 : i64, tpu.core_type = #tpu.core_type<sc_vector_subcore>, window_params = [{transform_indices = #map}, {transform_indices = #map1}, {transform_indices = #map}, {transform_indices = #map1}]} {
    "tpu.region"() ({
      %run_scoped3A = tpu.sem_alloc : memref<!tpu.dma_semaphore, #tpu.memory_space<semaphore_mem>>
      %dma_start3A_101 = arith.constant 0 : i32
      %dma_start3A_102 = tpu.memref_slice %arg2[%arg1, %dma_start3A_101] : memref<16x20000xi32, #tpu.memory_space<hbm>> -> memref<1x20000xi32, #tpu.memory_space<hbm>>
      %dma_start3A_103 = tpu.memref_squeeze %dma_start3A_102 : memref<1x20000xi32, #tpu.memory_space<hbm>> -> memref<20000xi32, #tpu.memory_space<hbm>>
      %dma_start3A_104 = arith.constant 0 : i32
      %dma_start3A_105 = tpu.memref_slice %arg2[%arg1, %dma_start3A_104] : memref<16x20000xi32, #tpu.memory_space<hbm>> -> memref<1x20000xi32, #tpu.memory_space<hbm>>
      %dma_start3A_106 = tpu.memref_squeeze %dma_start3A_105 : memref<1x20000xi32, #tpu.memory_space<hbm>> -> memref<20000xi32, #tpu.memory_space<hbm>>
      tpu.enqueue_dma source(%dma_start3A_106 : memref<20000xi32, #tpu.memory_space<hbm>>) target(%arg6 : memref<20000xi32, #tpu.memory_space<vmem>>) target_semaphore(%run_scoped3A : memref<!tpu.dma_semaphore, #tpu.memory_space<semaphore_mem>>)
      %dma_wait3A_107 = arith.constant 0 : i32
      %dma_wait3A_108 = tpu.memref_slice %arg2[%arg1, %dma_wait3A_107] : memref<16x20000xi32, #tpu.memory_space<hbm>> -> memref<1x20000xi32, #tpu.memory_space<hbm>>
      %dma_wait3A_109 = tpu.memref_squeeze %dma_wait3A_108 : memref<1x20000xi32, #tpu.memory_space<hbm>> -> memref<20000xi32, #tpu.memory_space<hbm>>
      %dma_wait3A_110 = arith.constant 0 : i32
      %dma_wait3A_111 = tpu.memref_slice %arg2[%arg1, %dma_wait3A_110] : memref<16x20000xi32, #tpu.memory_space<hbm>> -> memref<1x20000xi32, #tpu.memory_space<hbm>>
      %dma_wait3A_112 = tpu.memref_squeeze %dma_wait3A_111 : memref<1x20000xi32, #tpu.memory_space<hbm>> -> memref<20000xi32, #tpu.memory_space<hbm>>
      tpu.wait_dma2 semaphore(%run_scoped3A : memref<!tpu.dma_semaphore, #tpu.memory_space<semaphore_mem>>) src(%dma_wait3A_112 : memref<20000xi32, #tpu.memory_space<hbm>>) dst(%arg6 : memref<20000xi32, #tpu.memory_space<vmem>>)
      tpu.yield
    }) : () -> ()
    "tpu.region"() ({
      %run_scoped3A = tpu.sem_alloc : memref<!tpu.dma_semaphore, #tpu.memory_space<semaphore_mem>>
      %dma_start3A_101 = arith.constant 0 : i32
      %dma_start3A_102 = arith.constant 0 : i32
      %dma_start3A_103 = tpu.memref_slice %arg3[%arg1, %dma_start3A_101, %dma_start3A_102] : memref<16x250x80xi32, #tpu.memory_space<hbm>> -> memref<1x250x80xi32, #tpu.memory_space<hbm>>
      %dma_start3A_104 = tpu.memref_squeeze %dma_start3A_103 : memref<1x250x80xi32, #tpu.memory_space<hbm>> -> memref<250x80xi32, #tpu.memory_space<hbm>>
      %dma_start3A_105 = arith.constant 0 : i32
      %dma_start3A_106 = arith.constant 0 : i32
      %dma_start3A_107 = tpu.memref_slice %arg3[%arg1, %dma_start3A_105, %dma_start3A_106] : memref<16x250x80xi32, #tpu.memory_space<hbm>> -> memref<1x250x80xi32, #tpu.memory_space<hbm>>
      %dma_start3A_108 = tpu.memref_squeeze %dma_start3A_107 : memref<1x250x80xi32, #tpu.memory_space<hbm>> -> memref<250x80xi32, #tpu.memory_space<hbm>>
      tpu.enqueue_dma source(%dma_start3A_108 : memref<250x80xi32, #tpu.memory_space<hbm>>) target(%arg7 : memref<250x80xi32, #tpu.memory_space<vmem>>) target_semaphore(%run_scoped3A : memref<!tpu.dma_semaphore, #tpu.memory_space<semaphore_mem>>)
      %dma_wait3A_109 = arith.constant 0 : i32
      %dma_wait3A_110 = arith.constant 0 : i32
      %dma_wait3A_111 = tpu.memref_slice %arg3[%arg1, %dma_wait3A_109, %dma_wait3A_110] : memref<16x250x80xi32, #tpu.memory_space<hbm>> -> memref<1x250x80xi32, #tpu.memory_space<hbm>>
      %dma_wait3A_112 = tpu.memref_squeeze %dma_wait3A_111 : memref<1x250x80xi32, #tpu.memory_space<hbm>> -> memref<250x80xi32, #tpu.memory_space<hbm>>
      %dma_wait3A_113 = arith.constant 0 : i32
      %dma_wait3A_114 = arith.constant 0 : i32
      %dma_wait3A_115 = tpu.memref_slice %arg3[%arg1, %dma_wait3A_113, %dma_wait3A_114] : memref<16x250x80xi32, #tpu.memory_space<hbm>> -> memref<1x250x80xi32, #tpu.memory_space<hbm>>
      %dma_wait3A_116 = tpu.memref_squeeze %dma_wait3A_115 : memref<1x250x80xi32, #tpu.memory_space<hbm>> -> memref<250x80xi32, #tpu.memory_space<hbm>>
      tpu.wait_dma2 semaphore(%run_scoped3A : memref<!tpu.dma_semaphore, #tpu.memory_space<semaphore_mem>>) src(%dma_wait3A_116 : memref<250x80xi32, #tpu.memory_space<hbm>>) dst(%arg7 : memref<250x80xi32, #tpu.memory_space<vmem>>)
      tpu.yield
    }) : () -> ()
    %mul3A = arith.constant 10240 : i32
    %mul3A_0 = arith.muli %arg0, %mul3A : i32
    %broadcast_in_dim3A = vector.broadcast %mul3A_0 : i32 to vector<16xi32>
    %scan3A = arith.constant 0 : i32
    %scan3A_1 = arith.constant 1250 : i32
    %scan3A_2 = arith.addi %scan3A, %scan3A_1 : i32
    %scan3A_3 = arith.constant 1 : i32
    scf.for %scan3A_101 = %scan3A to %scan3A_2 step %scan3A_3  : i32 {
      %mul3A_102 = arith.constant 16 : i32
      %mul3A_103 = arith.muli %scan3A_101, %mul3A_102 : i32
      %add3A = arith.constant 0 : i32
      %add3A_104 = arith.addi %add3A, %mul3A_103 : i32
      %get3A = arith.index_cast %add3A_104 : i32 to index
      %get3A_105 = tpu.vector_load %arg6[%get3A] {strides = array<i32>} : memref<20000xi32, #tpu.memory_space<vmem>>, vector<16xi32>,
      %add3A_106 = arith.addi %get3A_105, %broadcast_in_dim3A : vector<16xi32>
      %swap3A = arith.index_cast %add3A_104 : i32 to index
      %swap3A_107 = tpu.vector_load %arg6[%swap3A] {strides = array<i32>} : memref<20000xi32, #tpu.memory_space<vmem>>, vector<16xi32>,
      tpu.vector_store %arg6[%swap3A], %add3A_106 {strides = array<i32>} : memref<20000xi32, #tpu.memory_space<vmem>>, vector<16xi32>,
    }
    %scan3A_4 = arith.constant 1250 : i32
    %dma_start3A = arith.constant 80 : i32
    %dma_start3A_5 = tpu.memref_slice %arg6[%dma_start3A] : memref<20000xi32, #tpu.memory_space<vmem>> -> memref<80xi32, #tpu.memory_space<vmem>>
    %dma_start3A_6 = arith.constant 0 : i32
    %dma_start3A_7 = arith.constant 0 : i32
    %dma_start3A_8 = tpu.memref_slice %arg4[%dma_start3A_6, %dma_start3A_7] : memref<20480x64xf32, #tpu.memory_space<hbm>> -> memref<20480x64xf32, #tpu.memory_space<hbm>>
    tpu.enqueue_indirect_dma source(%dma_start3A_8 : memref<20480x64xf32, #tpu.memory_space<hbm>>) target(%arg9 : memref<80x64xf32, #tpu.memory_space<vmem>>) offsets(%dma_start3A_5 : memref<80xi32, #tpu.memory_space<vmem>>) semaphore(%arg18 : memref<!tpu.dma_semaphore, #tpu.memory_space<semaphore_mem>>)
    %dma_start3A_9 = arith.constant 160 : i32
    %dma_start3A_10 = tpu.memref_slice %arg6[%dma_start3A_9] : memref<20000xi32, #tpu.memory_space<vmem>> -> memref<80xi32, #tpu.memory_space<vmem>>
    %dma_start3A_11 = arith.constant 0 : i32
    %dma_start3A_12 = arith.constant 0 : i32
    %dma_start3A_13 = tpu.memref_slice %arg4[%dma_start3A_11, %dma_start3A_12] : memref<20480x64xf32, #tpu.memory_space<hbm>> -> memref<20480x64xf32, #tpu.memory_space<hbm>>
    tpu.enqueue_indirect_dma source(%dma_start3A_13 : memref<20480x64xf32, #tpu.memory_space<hbm>>) target(%arg10 : memref<80x64xf32, #tpu.memory_space<vmem>>) offsets(%dma_start3A_10 : memref<80xi32, #tpu.memory_space<vmem>>) semaphore(%arg19 : memref<!tpu.dma_semaphore, #tpu.memory_space<semaphore_mem>>)
    %dma_start3A_14 = arith.constant 240 : i32
    %dma_start3A_15 = tpu.memref_slice %arg6[%dma_start3A_14] : memref<20000xi32, #tpu.memory_space<vmem>> -> memref<80xi32, #tpu.memory_space<vmem>>
    %dma_start3A_16 = arith.constant 0 : i32
    %dma_start3A_17 = arith.constant 0 : i32
    %dma_start3A_18 = tpu.memref_slice %arg4[%dma_start3A_16, %dma_start3A_17] : memref<20480x64xf32, #tpu.memory_space<hbm>> -> memref<20480x64xf32, #tpu.memory_space<hbm>>
    tpu.enqueue_indirect_dma source(%dma_start3A_18 : memref<20480x64xf32, #tpu.memory_space<hbm>>) target(%arg11 : memref<80x64xf32, #tpu.memory_space<vmem>>) offsets(%dma_start3A_15 : memref<80xi32, #tpu.memory_space<vmem>>) semaphore(%arg20 : memref<!tpu.dma_semaphore, #tpu.memory_space<semaphore_mem>>)
    %dma_start3A_19 = arith.constant 320 : i32
    %dma_start3A_20 = tpu.memref_slice %arg6[%dma_start3A_19] : memref<20000xi32, #tpu.memory_space<vmem>> -> memref<80xi32, #tpu.memory_space<vmem>>
    %dma_start3A_21 = arith.constant 0 : i32
    %dma_start3A_22 = arith.constant 0 : i32
    %dma_start3A_23 = tpu.memref_slice %arg4[%dma_start3A_21, %dma_start3A_22] : memref<20480x64xf32, #tpu.memory_space<hbm>> -> memref<20480x64xf32, #tpu.memory_space<hbm>>
    tpu.enqueue_indirect_dma source(%dma_start3A_23 : memref<20480x64xf32, #tpu.memory_space<hbm>>) target(%arg12 : memref<80x64xf32, #tpu.memory_space<vmem>>) offsets(%dma_start3A_20 : memref<80xi32, #tpu.memory_space<vmem>>) semaphore(%arg21 : memref<!tpu.dma_semaphore, #tpu.memory_space<semaphore_mem>>)
    %dma_start3A_24 = arith.constant 400 : i32
    %dma_start3A_25 = tpu.memref_slice %arg6[%dma_start3A_24] : memref<20000xi32, #tpu.memory_space<vmem>> -> memref<80xi32, #tpu.memory_space<vmem>>
    %dma_start3A_26 = arith.constant 0 : i32
    %dma_start3A_27 = arith.constant 0 : i32
    %dma_start3A_28 = tpu.memref_slice %arg4[%dma_start3A_26, %dma_start3A_27] : memref<20480x64xf32, #tpu.memory_space<hbm>> -> memref<20480x64xf32, #tpu.memory_space<hbm>>
    tpu.enqueue_indirect_dma source(%dma_start3A_28 : memref<20480x64xf32, #tpu.memory_space<hbm>>) target(%arg13 : memref<80x64xf32, #tpu.memory_space<vmem>>) offsets(%dma_start3A_25 : memref<80xi32, #tpu.memory_space<vmem>>) semaphore(%arg22 : memref<!tpu.dma_semaphore, #tpu.memory_space<semaphore_mem>>)
    %dma_start3A_29 = arith.constant 480 : i32
    %dma_start3A_30 = tpu.memref_slice %arg6[%dma_start3A_29] : memref<20000xi32, #tpu.memory_space<vmem>> -> memref<80xi32, #tpu.memory_space<vmem>>
    %dma_start3A_31 = arith.constant 0 : i32
    %dma_start3A_32 = arith.constant 0 : i32
    %dma_start3A_33 = tpu.memref_slice %arg4[%dma_start3A_31, %dma_start3A_32] : memref<20480x64xf32, #tpu.memory_space<hbm>> -> memref<20480x64xf32, #tpu.memory_space<hbm>>
    tpu.enqueue_indirect_dma source(%dma_start3A_33 : memref<20480x64xf32, #tpu.memory_space<hbm>>) target(%arg14 : memref<80x64xf32, #tpu.memory_space<vmem>>) offsets(%dma_start3A_30 : memref<80xi32, #tpu.memory_space<vmem>>) semaphore(%arg23 : memref<!tpu.dma_semaphore, #tpu.memory_space<semaphore_mem>>)
    %dma_start3A_34 = arith.constant 560 : i32
    %dma_start3A_35 = tpu.memref_slice %arg6[%dma_start3A_34] : memref<20000xi32, #tpu.memory_space<vmem>> -> memref<80xi32, #tpu.memory_space<vmem>>
    %dma_start3A_36 = arith.constant 0 : i32
    %dma_start3A_37 = arith.constant 0 : i32
    %dma_start3A_38 = tpu.memref_slice %arg4[%dma_start3A_36, %dma_start3A_37] : memref<20480x64xf32, #tpu.memory_space<hbm>> -> memref<20480x64xf32, #tpu.memory_space<hbm>>
    tpu.enqueue_indirect_dma source(%dma_start3A_38 : memref<20480x64xf32, #tpu.memory_space<hbm>>) target(%arg15 : memref<80x64xf32, #tpu.memory_space<vmem>>) offsets(%dma_start3A_35 : memref<80xi32, #tpu.memory_space<vmem>>) semaphore(%arg24 : memref<!tpu.dma_semaphore, #tpu.memory_space<semaphore_mem>>)
    %broadcast_in_dim3A_39 = arith.constant 0.000000e+00 : f32
    %broadcast_in_dim3A_40 = vector.broadcast %broadcast_in_dim3A_39 : f32 to vector<16xf32>
    %scan3A_41 = arith.constant 0 : i32
    %scan3A_42 = arith.constant 80 : i32
    %scan3A_43 = arith.addi %scan3A_41, %scan3A_42 : i32
    %scan3A_44 = arith.constant 1 : i32
    scf.for %scan3A_101 = %scan3A_41 to %scan3A_43 step %scan3A_44  : i32 {
      %mul3A_102 = arith.constant 1 : i32
      %mul3A_103 = arith.muli %scan3A_101, %mul3A_102 : i32
      %add3A = arith.constant 0 : i32
      %add3A_104 = arith.addi %add3A, %mul3A_103 : i32
      %scan3A_105 = arith.constant 0 : i32
      %scan3A_106 = arith.constant 4 : i32
      %scan3A_107 = arith.addi %scan3A_105, %scan3A_106 : i32
      %scan3A_108 = arith.constant 1 : i32
      scf.for %scan3A_110 = %scan3A_105 to %scan3A_107 step %scan3A_108  : i32 {
        %mul3A_111 = arith.constant 16 : i32
        %mul3A_112 = arith.muli %scan3A_110, %mul3A_111 : i32
        %add3A_113 = arith.constant 0 : i32
        %add3A_114 = arith.addi %add3A_113, %mul3A_112 : i32
        %swap3A = arith.index_cast %add3A_104 : i32 to index
        %swap3A_115 = arith.index_cast %add3A_114 : i32 to index
        %swap3A_116 = tpu.vector_load %arg8[%swap3A, %swap3A_115] {strides = array<i32>} : memref<80x64xf32, #tpu.memory_space<vmem>>, vector<16xf32>,
        tpu.vector_store %arg8[%swap3A, %swap3A_115], %broadcast_in_dim3A_40 {strides = array<i32>} : memref<80x64xf32, #tpu.memory_space<vmem>>, vector<16xf32>,
      }
      %scan3A_109 = arith.constant 4 : i32
    }
    %scan3A_45 = arith.constant 80 : i32
    %mul3A_46 = arith.constant 640 : i32
    %mul3A_47 = arith.muli %arg1, %mul3A_46 : i32
    %scan3A_48 = arith.constant 0 : i32
    %scan3A_49 = arith.constant 8 : i32
    %scan3A_50 = arith.addi %scan3A_48, %scan3A_49 : i32
    %scan3A_51 = arith.constant 1 : i32
    scf.for %scan3A_101 = %scan3A_48 to %scan3A_50 step %scan3A_51  : i32 {
      %mul3A_102 = arith.constant 80 : i32
      %mul3A_103 = arith.muli %scan3A_101, %mul3A_102 : i32
      %add3A = arith.constant 0 : i32
      %add3A_104 = arith.addi %add3A, %mul3A_103 : i32
      %add3A_105 = arith.addi %mul3A_47, %add3A_104 : i32
      "tpu.region"() ({
        %run_scoped3A = tpu.sem_alloc : memref<!tpu.dma_semaphore, #tpu.memory_space<semaphore_mem>>
        %dma_start3A_106 = arith.constant 0 : i32
        %dma_start3A_107 = tpu.memref_slice %arg16[%add3A_105, %dma_start3A_106] : memref<10240x64xf32, #tpu.memory_space<vmem_shared>> -> memref<80x64xf32, #tpu.memory_space<vmem_shared>>
        %dma_start3A_108 = arith.constant 0 : i32
        %dma_start3A_109 = tpu.memref_slice %arg16[%add3A_105, %dma_start3A_108] : memref<10240x64xf32, #tpu.memory_space<vmem_shared>> -> memref<80x64xf32, #tpu.memory_space<vmem_shared>>
        tpu.enqueue_dma source(%arg8 : memref<80x64xf32, #tpu.memory_space<vmem>>) target(%dma_start3A_109 : memref<80x64xf32, #tpu.memory_space<vmem_shared>>) target_semaphore(%run_scoped3A : memref<!tpu.dma_semaphore, #tpu.memory_space<semaphore_mem>>)
        %dma_wait3A_110 = arith.constant 0 : i32
        %dma_wait3A_111 = tpu.memref_slice %arg16[%add3A_105, %dma_wait3A_110] : memref<10240x64xf32, #tpu.memory_space<vmem_shared>> -> memref<80x64xf32, #tpu.memory_space<vmem_shared>>
        %dma_wait3A_112 = arith.constant 0 : i32
        %dma_wait3A_113 = tpu.memref_slice %arg16[%add3A_105, %dma_wait3A_112] : memref<10240x64xf32, #tpu.memory_space<vmem_shared>> -> memref<80x64xf32, #tpu.memory_space<vmem_shared>>
        tpu.wait_dma2 semaphore(%run_scoped3A : memref<!tpu.dma_semaphore, #tpu.memory_space<semaphore_mem>>) src(%arg8 : memref<80x64xf32, #tpu.memory_space<vmem>>) dst(%dma_wait3A_113 : memref<80x64xf32, #tpu.memory_space<vmem_shared>>)
        tpu.yield
      }) : () -> ()
    }
    %scan3A_52 = arith.constant 8 : i32
    %dma_start3A_53 = arith.constant 0 : i32
    %dma_start3A_54 = tpu.memref_slice %arg6[%dma_start3A_53] : memref<20000xi32, #tpu.memory_space<vmem>> -> memref<80xi32, #tpu.memory_space<vmem>>
    %dma_start3A_55 = arith.constant 0 : i32
    %dma_start3A_56 = arith.constant 0 : i32
    %dma_start3A_57 = tpu.memref_slice %arg4[%dma_start3A_55, %dma_start3A_56] : memref<20480x64xf32, #tpu.memory_space<hbm>> -> memref<20480x64xf32, #tpu.memory_space<hbm>>
    tpu.enqueue_indirect_dma source(%dma_start3A_57 : memref<20480x64xf32, #tpu.memory_space<hbm>>) target(%arg8 : memref<80x64xf32, #tpu.memory_space<vmem>>) offsets(%dma_start3A_54 : memref<80xi32, #tpu.memory_space<vmem>>) semaphore(%arg17 : memref<!tpu.dma_semaphore, #tpu.memory_space<semaphore_mem>>)
    %barrier3A = arith.constant 0 : index
    tpu.barrier barrier_id(%barrier3A)
    %scan3A_58 = arith.constant 0 : i32
    %scan3A_59 = arith.constant 31 : i32
    %scan3A_60 = arith.addi %scan3A_58, %scan3A_59 : i32
    %scan3A_61 = arith.constant 1 : i32
    scf.for %scan3A_101 = %scan3A_58 to %scan3A_60 step %scan3A_61  : i32 {
      %mul3A_102 = arith.constant 8 : i32
      %mul3A_103 = arith.muli %scan3A_101, %mul3A_102 : i32
      %add3A = arith.constant 0 : i32
      %add3A_104 = arith.addi %add3A, %mul3A_103 : i32
      %add3A_105 = arith.constant 0 : i32
      %add3A_106 = arith.addi %add3A_104, %add3A_105 : i32
      %mul3A_107 = arith.constant 80 : i32
      %mul3A_108 = arith.muli %add3A_106, %mul3A_107 : i32
      %dma_wait3A_109 = tpu.memref_slice %arg6[%mul3A_108] : memref<20000xi32, #tpu.memory_space<vmem>> -> memref<80xi32, #tpu.memory_space<vmem>>
      %dma_wait3A_110 = arith.constant 0 : i32
      %dma_wait3A_111 = arith.constant 0 : i32
      %dma_wait3A_112 = tpu.memref_slice %arg4[%dma_wait3A_110, %dma_wait3A_111] : memref<20480x64xf32, #tpu.memory_space<hbm>> -> memref<20480x64xf32, #tpu.memory_space<hbm>>
      tpu.wait_indirect_dma semaphore(%arg17 : memref<!tpu.dma_semaphore, #tpu.memory_space<semaphore_mem>>) src(%dma_wait3A_112 : memref<20480x64xf32, #tpu.memory_space<hbm>>) dst(%arg8 : memref<80x64xf32, #tpu.memory_space<vmem>>)
      %add3A_113 = arith.constant 0 : i32
      %add3A_114 = arith.addi %add3A_104, %add3A_113 : i32
      %dma_start3A_115 = arith.constant 0 : i32
      %dma_start3A_116 = tpu.memref_slice %arg7[%add3A_114, %dma_start3A_115] : memref<250x80xi32, #tpu.memory_space<vmem>> -> memref<1x80xi32, #tpu.memory_space<vmem>>
      %dma_start3A_117 = tpu.memref_squeeze %dma_start3A_116 : memref<1x80xi32, #tpu.memory_space<vmem>> -> memref<80xi32, #tpu.memory_space<vmem>>
      %dma_start3A_118 = arith.constant 0 : i32
      %dma_start3A_119 = arith.constant 0 : i32
      %dma_start3A_120 = tpu.memref_slice %arg16[%dma_start3A_118, %dma_start3A_119] : memref<10240x64xf32, #tpu.memory_space<vmem_shared>> -> memref<10240x64xf32, #tpu.memory_space<vmem_shared>>
      tpu.enqueue_indirect_dma source(%arg8 : memref<80x64xf32, #tpu.memory_space<vmem>>) target(%dma_start3A_120 : memref<10240x64xf32, #tpu.memory_space<vmem_shared>>) offsets(%dma_start3A_117 : memref<80xi32, #tpu.memory_space<vmem>>) semaphore(%arg25 : memref<!tpu.dma_semaphore, #tpu.memory_space<semaphore_mem>>) {add = true}
      %add3A_121 = arith.constant 1 : i32
      %add3A_122 = arith.addi %add3A_104, %add3A_121 : i32
      %mul3A_123 = arith.constant 80 : i32
      %mul3A_124 = arith.muli %add3A_122, %mul3A_123 : i32
      %dma_wait3A_125 = tpu.memref_slice %arg6[%mul3A_124] : memref<20000xi32, #tpu.memory_space<vmem>> -> memref<80xi32, #tpu.memory_space<vmem>>
      %dma_wait3A_126 = arith.constant 0 : i32
      %dma_wait3A_127 = arith.constant 0 : i32
      %dma_wait3A_128 = tpu.memref_slice %arg4[%dma_wait3A_126, %dma_wait3A_127] : memref<20480x64xf32, #tpu.memory_space<hbm>> -> memref<20480x64xf32, #tpu.memory_space<hbm>>
      tpu.wait_indirect_dma semaphore(%arg18 : memref<!tpu.dma_semaphore, #tpu.memory_space<semaphore_mem>>) src(%dma_wait3A_128 : memref<20480x64xf32, #tpu.memory_space<hbm>>) dst(%arg9 : memref<80x64xf32, #tpu.memory_space<vmem>>)
      %add3A_129 = arith.constant 1 : i32
      %add3A_130 = arith.addi %add3A_104, %add3A_129 : i32
      %dma_start3A_131 = arith.constant 0 : i32
      %dma_start3A_132 = tpu.memref_slice %arg7[%add3A_130, %dma_start3A_131] : memref<250x80xi32, #tpu.memory_space<vmem>> -> memref<1x80xi32, #tpu.memory_space<vmem>>
      %dma_start3A_133 = tpu.memref_squeeze %dma_start3A_132 : memref<1x80xi32, #tpu.memory_space<vmem>> -> memref<80xi32, #tpu.memory_space<vmem>>
      %dma_start3A_134 = arith.constant 0 : i32
      %dma_start3A_135 = arith.constant 0 : i32
      %dma_start3A_136 = tpu.memref_slice %arg16[%dma_start3A_134, %dma_start3A_135] : memref<10240x64xf32, #tpu.memory_space<vmem_shared>> -> memref<10240x64xf32, #tpu.memory_space<vmem_shared>>
      tpu.enqueue_indirect_dma source(%arg9 : memref<80x64xf32, #tpu.memory_space<vmem>>) target(%dma_start3A_136 : memref<10240x64xf32, #tpu.memory_space<vmem_shared>>) offsets(%dma_start3A_133 : memref<80xi32, #tpu.memory_space<vmem>>) semaphore(%arg26 : memref<!tpu.dma_semaphore, #tpu.memory_space<semaphore_mem>>) {add = true}
      %add3A_137 = arith.constant 2 : i32
      %add3A_138 = arith.addi %add3A_104, %add3A_137 : i32
      %mul3A_139 = arith.constant 80 : i32
      %mul3A_140 = arith.muli %add3A_138, %mul3A_139 : i32
      %dma_wait3A_141 = tpu.memref_slice %arg6[%mul3A_140] : memref<20000xi32, #tpu.memory_space<vmem>> -> memref<80xi32, #tpu.memory_space<vmem>>
      %dma_wait3A_142 = arith.constant 0 : i32
      %dma_wait3A_143 = arith.constant 0 : i32
      %dma_wait3A_144 = tpu.memref_slice %arg4[%dma_wait3A_142, %dma_wait3A_143] : memref<20480x64xf32, #tpu.memory_space<hbm>> -> memref<20480x64xf32, #tpu.memory_space<hbm>>
      tpu.wait_indirect_dma semaphore(%arg19 : memref<!tpu.dma_semaphore, #tpu.memory_space<semaphore_mem>>) src(%dma_wait3A_144 : memref<20480x64xf32, #tpu.memory_space<hbm>>) dst(%arg10 : memref<80x64xf32, #tpu.memory_space<vmem>>)
      %add3A_145 = arith.constant 2 : i32
      %add3A_146 = arith.addi %add3A_104, %add3A_145 : i32
      %dma_start3A_147 = arith.constant 0 : i32
      %dma_start3A_148 = tpu.memref_slice %arg7[%add3A_146, %dma_start3A_147] : memref<250x80xi32, #tpu.memory_space<vmem>> -> memref<1x80xi32, #tpu.memory_space<vmem>>
      %dma_start3A_149 = tpu.memref_squeeze %dma_start3A_148 : memref<1x80xi32, #tpu.memory_space<vmem>> -> memref<80xi32, #tpu.memory_space<vmem>>
      %dma_start3A_150 = arith.constant 0 : i32
      %dma_start3A_151 = arith.constant 0 : i32
      %dma_start3A_152 = tpu.memref_slice %arg16[%dma_start3A_150, %dma_start3A_151] : memref<10240x64xf32, #tpu.memory_space<vmem_shared>> -> memref<10240x64xf32, #tpu.memory_space<vmem_shared>>
      tpu.enqueue_indirect_dma source(%arg10 : memref<80x64xf32, #tpu.memory_space<vmem>>) target(%dma_start3A_152 : memref<10240x64xf32, #tpu.memory_space<vmem_shared>>) offsets(%dma_start3A_149 : memref<80xi32, #tpu.memory_space<vmem>>) semaphore(%arg27 : memref<!tpu.dma_semaphore, #tpu.memory_space<semaphore_mem>>) {add = true}
      %add3A_153 = arith.constant 3 : i32
      %add3A_154 = arith.addi %add3A_104, %add3A_153 : i32
      %mul3A_155 = arith.constant 80 : i32
      %mul3A_156 = arith.muli %add3A_154, %mul3A_155 : i32
      %dma_wait3A_157 = tpu.memref_slice %arg6[%mul3A_156] : memref<20000xi32, #tpu.memory_space<vmem>> -> memref<80xi32, #tpu.memory_space<vmem>>
      %dma_wait3A_158 = arith.constant 0 : i32
      %dma_wait3A_159 = arith.constant 0 : i32
      %dma_wait3A_160 = tpu.memref_slice %arg4[%dma_wait3A_158, %dma_wait3A_159] : memref<20480x64xf32, #tpu.memory_space<hbm>> -> memref<20480x64xf32, #tpu.memory_space<hbm>>
      tpu.wait_indirect_dma semaphore(%arg20 : memref<!tpu.dma_semaphore, #tpu.memory_space<semaphore_mem>>) src(%dma_wait3A_160 : memref<20480x64xf32, #tpu.memory_space<hbm>>) dst(%arg11 : memref<80x64xf32, #tpu.memory_space<vmem>>)
      %add3A_161 = arith.constant 3 : i32
      %add3A_162 = arith.addi %add3A_104, %add3A_161 : i32
      %dma_start3A_163 = arith.constant 0 : i32
      %dma_start3A_164 = tpu.memref_slice %arg7[%add3A_162, %dma_start3A_163] : memref<250x80xi32, #tpu.memory_space<vmem>> -> memref<1x80xi32, #tpu.memory_space<vmem>>
      %dma_start3A_165 = tpu.memref_squeeze %dma_start3A_164 : memref<1x80xi32, #tpu.memory_space<vmem>> -> memref<80xi32, #tpu.memory_space<vmem>>
      %dma_start3A_166 = arith.constant 0 : i32
      %dma_start3A_167 = arith.constant 0 : i32
      %dma_start3A_168 = tpu.memref_slice %arg16[%dma_start3A_166, %dma_start3A_167] : memref<10240x64xf32, #tpu.memory_space<vmem_shared>> -> memref<10240x64xf32, #tpu.memory_space<vmem_shared>>
      tpu.enqueue_indirect_dma source(%arg11 : memref<80x64xf32, #tpu.memory_space<vmem>>) target(%dma_start3A_168 : memref<10240x64xf32, #tpu.memory_space<vmem_shared>>) offsets(%dma_start3A_165 : memref<80xi32, #tpu.memory_space<vmem>>) semaphore(%arg28 : memref<!tpu.dma_semaphore, #tpu.memory_space<semaphore_mem>>) {add = true}
      %add3A_169 = arith.constant 4 : i32
      %add3A_170 = arith.addi %add3A_104, %add3A_169 : i32
      %mul3A_171 = arith.constant 80 : i32
      %mul3A_172 = arith.muli %add3A_170, %mul3A_171 : i32
      %dma_wait3A_173 = tpu.memref_slice %arg6[%mul3A_172] : memref<20000xi32, #tpu.memory_space<vmem>> -> memref<80xi32, #tpu.memory_space<vmem>>
      %dma_wait3A_174 = arith.constant 0 : i32
      %dma_wait3A_175 = arith.constant 0 : i32
      %dma_wait3A_176 = tpu.memref_slice %arg4[%dma_wait3A_174, %dma_wait3A_175] : memref<20480x64xf32, #tpu.memory_space<hbm>> -> memref<20480x64xf32, #tpu.memory_space<hbm>>
      tpu.wait_indirect_dma semaphore(%arg21 : memref<!tpu.dma_semaphore, #tpu.memory_space<semaphore_mem>>) src(%dma_wait3A_176 : memref<20480x64xf32, #tpu.memory_space<hbm>>) dst(%arg12 : memref<80x64xf32, #tpu.memory_space<vmem>>)
      %add3A_177 = arith.constant 4 : i32
      %add3A_178 = arith.addi %add3A_104, %add3A_177 : i32
      %dma_start3A_179 = arith.constant 0 : i32
      %dma_start3A_180 = tpu.memref_slice %arg7[%add3A_178, %dma_start3A_179] : memref<250x80xi32, #tpu.memory_space<vmem>> -> memref<1x80xi32, #tpu.memory_space<vmem>>
      %dma_start3A_181 = tpu.memref_squeeze %dma_start3A_180 : memref<1x80xi32, #tpu.memory_space<vmem>> -> memref<80xi32, #tpu.memory_space<vmem>>
      %dma_start3A_182 = arith.constant 0 : i32
      %dma_start3A_183 = arith.constant 0 : i32
      %dma_start3A_184 = tpu.memref_slice %arg16[%dma_start3A_182, %dma_start3A_183] : memref<10240x64xf32, #tpu.memory_space<vmem_shared>> -> memref<10240x64xf32, #tpu.memory_space<vmem_shared>>
      tpu.enqueue_indirect_dma source(%arg12 : memref<80x64xf32, #tpu.memory_space<vmem>>) target(%dma_start3A_184 : memref<10240x64xf32, #tpu.memory_space<vmem_shared>>) offsets(%dma_start3A_181 : memref<80xi32, #tpu.memory_space<vmem>>) semaphore(%arg29 : memref<!tpu.dma_semaphore, #tpu.memory_space<semaphore_mem>>) {add = true}
      %add3A_185 = arith.constant 5 : i32
      %add3A_186 = arith.addi %add3A_104, %add3A_185 : i32
      %mul3A_187 = arith.constant 80 : i32
      %mul3A_188 = arith.muli %add3A_186, %mul3A_187 : i32
      %dma_wait3A_189 = tpu.memref_slice %arg6[%mul3A_188] : memref<20000xi32, #tpu.memory_space<vmem>> -> memref<80xi32, #tpu.memory_space<vmem>>
      %dma_wait3A_190 = arith.constant 0 : i32
      %dma_wait3A_191 = arith.constant 0 : i32
      %dma_wait3A_192 = tpu.memref_slice %arg4[%dma_wait3A_190, %dma_wait3A_191] : memref<20480x64xf32, #tpu.memory_space<hbm>> -> memref<20480x64xf32, #tpu.memory_space<hbm>>
      tpu.wait_indirect_dma semaphore(%arg22 : memref<!tpu.dma_semaphore, #tpu.memory_space<semaphore_mem>>) src(%dma_wait3A_192 : memref<20480x64xf32, #tpu.memory_space<hbm>>) dst(%arg13 : memref<80x64xf32, #tpu.memory_space<vmem>>)
      %add3A_193 = arith.constant 5 : i32
      %add3A_194 = arith.addi %add3A_104, %add3A_193 : i32
      %dma_start3A_195 = arith.constant 0 : i32
      %dma_start3A_196 = tpu.memref_slice %arg7[%add3A_194, %dma_start3A_195] : memref<250x80xi32, #tpu.memory_space<vmem>> -> memref<1x80xi32, #tpu.memory_space<vmem>>
      %dma_start3A_197 = tpu.memref_squeeze %dma_start3A_196 : memref<1x80xi32, #tpu.memory_space<vmem>> -> memref<80xi32, #tpu.memory_space<vmem>>
      %dma_start3A_198 = arith.constant 0 : i32
      %dma_start3A_199 = arith.constant 0 : i32
      %dma_start3A_200 = tpu.memref_slice %arg16[%dma_start3A_198, %dma_start3A_199] : memref<10240x64xf32, #tpu.memory_space<vmem_shared>> -> memref<10240x64xf32, #tpu.memory_space<vmem_shared>>
      tpu.enqueue_indirect_dma source(%arg13 : memref<80x64xf32, #tpu.memory_space<vmem>>) target(%dma_start3A_200 : memref<10240x64xf32, #tpu.memory_space<vmem_shared>>) offsets(%dma_start3A_197 : memref<80xi32, #tpu.memory_space<vmem>>) semaphore(%arg30 : memref<!tpu.dma_semaphore, #tpu.memory_space<semaphore_mem>>) {add = true}
      %add3A_201 = arith.constant 6 : i32
      %add3A_202 = arith.addi %add3A_104, %add3A_201 : i32
      %mul3A_203 = arith.constant 80 : i32
      %mul3A_204 = arith.muli %add3A_202, %mul3A_203 : i32
      %dma_wait3A_205 = tpu.memref_slice %arg6[%mul3A_204] : memref<20000xi32, #tpu.memory_space<vmem>> -> memref<80xi32, #tpu.memory_space<vmem>>
      %dma_wait3A_206 = arith.constant 0 : i32
      %dma_wait3A_207 = arith.constant 0 : i32
      %dma_wait3A_208 = tpu.memref_slice %arg4[%dma_wait3A_206, %dma_wait3A_207] : memref<20480x64xf32, #tpu.memory_space<hbm>> -> memref<20480x64xf32, #tpu.memory_space<hbm>>
      tpu.wait_indirect_dma semaphore(%arg23 : memref<!tpu.dma_semaphore, #tpu.memory_space<semaphore_mem>>) src(%dma_wait3A_208 : memref<20480x64xf32, #tpu.memory_space<hbm>>) dst(%arg14 : memref<80x64xf32, #tpu.memory_space<vmem>>)
      %add3A_209 = arith.constant 6 : i32
      %add3A_210 = arith.addi %add3A_104, %add3A_209 : i32
      %dma_start3A_211 = arith.constant 0 : i32
      %dma_start3A_212 = tpu.memref_slice %arg7[%add3A_210, %dma_start3A_211] : memref<250x80xi32, #tpu.memory_space<vmem>> -> memref<1x80xi32, #tpu.memory_space<vmem>>
      %dma_start3A_213 = tpu.memref_squeeze %dma_start3A_212 : memref<1x80xi32, #tpu.memory_space<vmem>> -> memref<80xi32, #tpu.memory_space<vmem>>
      %dma_start3A_214 = arith.constant 0 : i32
      %dma_start3A_215 = arith.constant 0 : i32
      %dma_start3A_216 = tpu.memref_slice %arg16[%dma_start3A_214, %dma_start3A_215] : memref<10240x64xf32, #tpu.memory_space<vmem_shared>> -> memref<10240x64xf32, #tpu.memory_space<vmem_shared>>
      tpu.enqueue_indirect_dma source(%arg14 : memref<80x64xf32, #tpu.memory_space<vmem>>) target(%dma_start3A_216 : memref<10240x64xf32, #tpu.memory_space<vmem_shared>>) offsets(%dma_start3A_213 : memref<80xi32, #tpu.memory_space<vmem>>) semaphore(%arg31 : memref<!tpu.dma_semaphore, #tpu.memory_space<semaphore_mem>>) {add = true}
      %add3A_217 = arith.constant 7 : i32
      %add3A_218 = arith.addi %add3A_104, %add3A_217 : i32
      %mul3A_219 = arith.constant 80 : i32
      %mul3A_220 = arith.muli %add3A_218, %mul3A_219 : i32
      %dma_wait3A_221 = tpu.memref_slice %arg6[%mul3A_220] : memref<20000xi32, #tpu.memory_space<vmem>> -> memref<80xi32, #tpu.memory_space<vmem>>
      %dma_wait3A_222 = arith.constant 0 : i32
      %dma_wait3A_223 = arith.constant 0 : i32
      %dma_wait3A_224 = tpu.memref_slice %arg4[%dma_wait3A_222, %dma_wait3A_223] : memref<20480x64xf32, #tpu.memory_space<hbm>> -> memref<20480x64xf32, #tpu.memory_space<hbm>>
      tpu.wait_indirect_dma semaphore(%arg24 : memref<!tpu.dma_semaphore, #tpu.memory_space<semaphore_mem>>) src(%dma_wait3A_224 : memref<20480x64xf32, #tpu.memory_space<hbm>>) dst(%arg15 : memref<80x64xf32, #tpu.memory_space<vmem>>)
      %add3A_225 = arith.constant 7 : i32
      %add3A_226 = arith.addi %add3A_104, %add3A_225 : i32
      %dma_start3A_227 = arith.constant 0 : i32
      %dma_start3A_228 = tpu.memref_slice %arg7[%add3A_226, %dma_start3A_227] : memref<250x80xi32, #tpu.memory_space<vmem>> -> memref<1x80xi32, #tpu.memory_space<vmem>>
      %dma_start3A_229 = tpu.memref_squeeze %dma_start3A_228 : memref<1x80xi32, #tpu.memory_space<vmem>> -> memref<80xi32, #tpu.memory_space<vmem>>
      %dma_start3A_230 = arith.constant 0 : i32
      %dma_start3A_231 = arith.constant 0 : i32
      %dma_start3A_232 = tpu.memref_slice %arg16[%dma_start3A_230, %dma_start3A_231] : memref<10240x64xf32, #tpu.memory_space<vmem_shared>> -> memref<10240x64xf32, #tpu.memory_space<vmem_shared>>
      tpu.enqueue_indirect_dma source(%arg15 : memref<80x64xf32, #tpu.memory_space<vmem>>) target(%dma_start3A_232 : memref<10240x64xf32, #tpu.memory_space<vmem_shared>>) offsets(%dma_start3A_229 : memref<80xi32, #tpu.memory_space<vmem>>) semaphore(%arg32 : memref<!tpu.dma_semaphore, #tpu.memory_space<semaphore_mem>>) {add = true}
      %add3A_233 = arith.constant 0 : i32
      %add3A_234 = arith.addi %add3A_104, %add3A_233 : i32
      %dma_wait3A_235 = arith.constant 0 : i32
      %dma_wait3A_236 = tpu.memref_slice %arg7[%add3A_234, %dma_wait3A_235] : memref<250x80xi32, #tpu.memory_space<vmem>> -> memref<1x80xi32, #tpu.memory_space<vmem>>
      %dma_wait3A_237 = tpu.memref_squeeze %dma_wait3A_236 : memref<1x80xi32, #tpu.memory_space<vmem>> -> memref<80xi32, #tpu.memory_space<vmem>>
      %dma_wait3A_238 = arith.constant 0 : i32
      %dma_wait3A_239 = arith.constant 0 : i32
      %dma_wait3A_240 = tpu.memref_slice %arg16[%dma_wait3A_238, %dma_wait3A_239] : memref<10240x64xf32, #tpu.memory_space<vmem_shared>> -> memref<10240x64xf32, #tpu.memory_space<vmem_shared>>
      tpu.wait_indirect_dma semaphore(%arg25 : memref<!tpu.dma_semaphore, #tpu.memory_space<semaphore_mem>>) src(%arg8 : memref<80x64xf32, #tpu.memory_space<vmem>>) dst(%dma_wait3A_240 : memref<10240x64xf32, #tpu.memory_space<vmem_shared>>)
      %add3A_241 = arith.constant 8 : i32
      %add3A_242 = arith.addi %add3A_104, %add3A_241 : i32
      %add3A_243 = arith.constant 0 : i32
      %add3A_244 = arith.addi %add3A_242, %add3A_243 : i32
      %lt3A = arith.constant 250 : i32
      %lt3A_245 = arith.cmpi slt, %add3A_244, %lt3A : i32
      %convert_element_type3A = arith.extui %lt3A_245 : i1 to i32
      %cond3A = arith.constant 0 : i32
      %cond3A_246 = arith.cmpi ne, %convert_element_type3A, %cond3A : i32
      scf.if %cond3A_246 {
        %add3A_366 = arith.constant 8 : i32
        %add3A_367 = arith.addi %add3A_104, %add3A_366 : i32
        %add3A_368 = arith.constant 0 : i32
        %add3A_369 = arith.addi %add3A_367, %add3A_368 : i32
        %mul3A_370 = arith.constant 80 : i32
        %mul3A_371 = arith.muli %add3A_369, %mul3A_370 : i32
        %dma_start3A_372 = tpu.memref_slice %arg6[%mul3A_371] : memref<20000xi32, #tpu.memory_space<vmem>> -> memref<80xi32, #tpu.memory_space<vmem>>
        %dma_start3A_373 = arith.constant 0 : i32
        %dma_start3A_374 = arith.constant 0 : i32
        %dma_start3A_375 = tpu.memref_slice %arg4[%dma_start3A_373, %dma_start3A_374] : memref<20480x64xf32, #tpu.memory_space<hbm>> -> memref<20480x64xf32, #tpu.memory_space<hbm>>
        tpu.enqueue_indirect_dma source(%dma_start3A_375 : memref<20480x64xf32, #tpu.memory_space<hbm>>) target(%arg8 : memref<80x64xf32, #tpu.memory_space<vmem>>) offsets(%dma_start3A_372 : memref<80xi32, #tpu.memory_space<vmem>>) semaphore(%arg17 : memref<!tpu.dma_semaphore, #tpu.memory_space<semaphore_mem>>)
      } else {
      }
      %add3A_247 = arith.constant 1 : i32
      %add3A_248 = arith.addi %add3A_104, %add3A_247 : i32
      %dma_wait3A_249 = arith.constant 0 : i32
      %dma_wait3A_250 = tpu.memref_slice %arg7[%add3A_248, %dma_wait3A_249] : memref<250x80xi32, #tpu.memory_space<vmem>> -> memref<1x80xi32, #tpu.memory_space<vmem>>
      %dma_wait3A_251 = tpu.memref_squeeze %dma_wait3A_250 : memref<1x80xi32, #tpu.memory_space<vmem>> -> memref<80xi32, #tpu.memory_space<vmem>>
      %dma_wait3A_252 = arith.constant 0 : i32
      %dma_wait3A_253 = arith.constant 0 : i32
      %dma_wait3A_254 = tpu.memref_slice %arg16[%dma_wait3A_252, %dma_wait3A_253] : memref<10240x64xf32, #tpu.memory_space<vmem_shared>> -> memref<10240x64xf32, #tpu.memory_space<vmem_shared>>
      tpu.wait_indirect_dma semaphore(%arg26 : memref<!tpu.dma_semaphore, #tpu.memory_space<semaphore_mem>>) src(%arg9 : memref<80x64xf32, #tpu.memory_space<vmem>>) dst(%dma_wait3A_254 : memref<10240x64xf32, #tpu.memory_space<vmem_shared>>)
      %add3A_255 = arith.constant 8 : i32
      %add3A_256 = arith.addi %add3A_104, %add3A_255 : i32
      %add3A_257 = arith.constant 1 : i32
      %add3A_258 = arith.addi %add3A_256, %add3A_257 : i32
      %lt3A_259 = arith.constant 250 : i32
      %lt3A_260 = arith.cmpi slt, %add3A_258, %lt3A_259 : i32
      %convert_element_type3A_261 = arith.extui %lt3A_260 : i1 to i32
      %cond3A_262 = arith.constant 0 : i32
      %cond3A_263 = arith.cmpi ne, %convert_element_type3A_261, %cond3A_262 : i32
      scf.if %cond3A_263 {
        %add3A_366 = arith.constant 8 : i32
        %add3A_367 = arith.addi %add3A_104, %add3A_366 : i32
        %add3A_368 = arith.constant 1 : i32
        %add3A_369 = arith.addi %add3A_367, %add3A_368 : i32
        %mul3A_370 = arith.constant 80 : i32
        %mul3A_371 = arith.muli %add3A_369, %mul3A_370 : i32
        %dma_start3A_372 = tpu.memref_slice %arg6[%mul3A_371] : memref<20000xi32, #tpu.memory_space<vmem>> -> memref<80xi32, #tpu.memory_space<vmem>>
        %dma_start3A_373 = arith.constant 0 : i32
        %dma_start3A_374 = arith.constant 0 : i32
        %dma_start3A_375 = tpu.memref_slice %arg4[%dma_start3A_373, %dma_start3A_374] : memref<20480x64xf32, #tpu.memory_space<hbm>> -> memref<20480x64xf32, #tpu.memory_space<hbm>>
        tpu.enqueue_indirect_dma source(%dma_start3A_375 : memref<20480x64xf32, #tpu.memory_space<hbm>>) target(%arg9 : memref<80x64xf32, #tpu.memory_space<vmem>>) offsets(%dma_start3A_372 : memref<80xi32, #tpu.memory_space<vmem>>) semaphore(%arg18 : memref<!tpu.dma_semaphore, #tpu.memory_space<semaphore_mem>>)
      } else {
      }
      %add3A_264 = arith.constant 2 : i32
      %add3A_265 = arith.addi %add3A_104, %add3A_264 : i32
      %dma_wait3A_266 = arith.constant 0 : i32
      %dma_wait3A_267 = tpu.memref_slice %arg7[%add3A_265, %dma_wait3A_266] : memref<250x80xi32, #tpu.memory_space<vmem>> -> memref<1x80xi32, #tpu.memory_space<vmem>>
      %dma_wait3A_268 = tpu.memref_squeeze %dma_wait3A_267 : memref<1x80xi32, #tpu.memory_space<vmem>> -> memref<80xi32, #tpu.memory_space<vmem>>
      %dma_wait3A_269 = arith.constant 0 : i32
      %dma_wait3A_270 = arith.constant 0 : i32
      %dma_wait3A_271 = tpu.memref_slice %arg16[%dma_wait3A_269, %dma_wait3A_270] : memref<10240x64xf32, #tpu.memory_space<vmem_shared>> -> memref<10240x64xf32, #tpu.memory_space<vmem_shared>>
      tpu.wait_indirect_dma semaphore(%arg27 : memref<!tpu.dma_semaphore, #tpu.memory_space<semaphore_mem>>) src(%arg10 : memref<80x64xf32, #tpu.memory_space<vmem>>) dst(%dma_wait3A_271 : memref<10240x64xf32, #tpu.memory_space<vmem_shared>>)
      %add3A_272 = arith.constant 8 : i32
      %add3A_273 = arith.addi %add3A_104, %add3A_272 : i32
      %add3A_274 = arith.constant 2 : i32
      %add3A_275 = arith.addi %add3A_273, %add3A_274 : i32
      %lt3A_276 = arith.constant 250 : i32
      %lt3A_277 = arith.cmpi slt, %add3A_275, %lt3A_276 : i32
      %convert_element_type3A_278 = arith.extui %lt3A_277 : i1 to i32
      %cond3A_279 = arith.constant 0 : i32
      %cond3A_280 = arith.cmpi ne, %convert_element_type3A_278, %cond3A_279 : i32
      scf.if %cond3A_280 {
        %add3A_366 = arith.constant 8 : i32
        %add3A_367 = arith.addi %add3A_104, %add3A_366 : i32
        %add3A_368 = arith.constant 2 : i32
        %add3A_369 = arith.addi %add3A_367, %add3A_368 : i32
        %mul3A_370 = arith.constant 80 : i32
        %mul3A_371 = arith.muli %add3A_369, %mul3A_370 : i32
        %dma_start3A_372 = tpu.memref_slice %arg6[%mul3A_371] : memref<20000xi32, #tpu.memory_space<vmem>> -> memref<80xi32, #tpu.memory_space<vmem>>
        %dma_start3A_373 = arith.constant 0 : i32
        %dma_start3A_374 = arith.constant 0 : i32
        %dma_start3A_375 = tpu.memref_slice %arg4[%dma_start3A_373, %dma_start3A_374] : memref<20480x64xf32, #tpu.memory_space<hbm>> -> memref<20480x64xf32, #tpu.memory_space<hbm>>
        tpu.enqueue_indirect_dma source(%dma_start3A_375 : memref<20480x64xf32, #tpu.memory_space<hbm>>) target(%arg10 : memref<80x64xf32, #tpu.memory_space<vmem>>) offsets(%dma_start3A_372 : memref<80xi32, #tpu.memory_space<vmem>>) semaphore(%arg19 : memref<!tpu.dma_semaphore, #tpu.memory_space<semaphore_mem>>)
      } else {
      }
      %add3A_281 = arith.constant 3 : i32
      %add3A_282 = arith.addi %add3A_104, %add3A_281 : i32
      %dma_wait3A_283 = arith.constant 0 : i32
      %dma_wait3A_284 = tpu.memref_slice %arg7[%add3A_282, %dma_wait3A_283] : memref<250x80xi32, #tpu.memory_space<vmem>> -> memref<1x80xi32, #tpu.memory_space<vmem>>
      %dma_wait3A_285 = tpu.memref_squeeze %dma_wait3A_284 : memref<1x80xi32, #tpu.memory_space<vmem>> -> memref<80xi32, #tpu.memory_space<vmem>>
      %dma_wait3A_286 = arith.constant 0 : i32
      %dma_wait3A_287 = arith.constant 0 : i32
      %dma_wait3A_288 = tpu.memref_slice %arg16[%dma_wait3A_286, %dma_wait3A_287] : memref<10240x64xf32, #tpu.memory_space<vmem_shared>> -> memref<10240x64xf32, #tpu.memory_space<vmem_shared>>
      tpu.wait_indirect_dma semaphore(%arg28 : memref<!tpu.dma_semaphore, #tpu.memory_space<semaphore_mem>>) src(%arg11 : memref<80x64xf32, #tpu.memory_space<vmem>>) dst(%dma_wait3A_288 : memref<10240x64xf32, #tpu.memory_space<vmem_shared>>)
      %add3A_289 = arith.constant 8 : i32
      %add3A_290 = arith.addi %add3A_104, %add3A_289 : i32
      %add3A_291 = arith.constant 3 : i32
      %add3A_292 = arith.addi %add3A_290, %add3A_291 : i32
      %lt3A_293 = arith.constant 250 : i32
      %lt3A_294 = arith.cmpi slt, %add3A_292, %lt3A_293 : i32
      %convert_element_type3A_295 = arith.extui %lt3A_294 : i1 to i32
      %cond3A_296 = arith.constant 0 : i32
      %cond3A_297 = arith.cmpi ne, %convert_element_type3A_295, %cond3A_296 : i32
      scf.if %cond3A_297 {
        %add3A_366 = arith.constant 8 : i32
        %add3A_367 = arith.addi %add3A_104, %add3A_366 : i32
        %add3A_368 = arith.constant 3 : i32
        %add3A_369 = arith.addi %add3A_367, %add3A_368 : i32
        %mul3A_370 = arith.constant 80 : i32
        %mul3A_371 = arith.muli %add3A_369, %mul3A_370 : i32
        %dma_start3A_372 = tpu.memref_slice %arg6[%mul3A_371] : memref<20000xi32, #tpu.memory_space<vmem>> -> memref<80xi32, #tpu.memory_space<vmem>>
        %dma_start3A_373 = arith.constant 0 : i32
        %dma_start3A_374 = arith.constant 0 : i32
        %dma_start3A_375 = tpu.memref_slice %arg4[%dma_start3A_373, %dma_start3A_374] : memref<20480x64xf32, #tpu.memory_space<hbm>> -> memref<20480x64xf32, #tpu.memory_space<hbm>>
        tpu.enqueue_indirect_dma source(%dma_start3A_375 : memref<20480x64xf32, #tpu.memory_space<hbm>>) target(%arg11 : memref<80x64xf32, #tpu.memory_space<vmem>>) offsets(%dma_start3A_372 : memref<80xi32, #tpu.memory_space<vmem>>) semaphore(%arg20 : memref<!tpu.dma_semaphore, #tpu.memory_space<semaphore_mem>>)
      } else {
      }
      %add3A_298 = arith.constant 4 : i32
      %add3A_299 = arith.addi %add3A_104, %add3A_298 : i32
      %dma_wait3A_300 = arith.constant 0 : i32
      %dma_wait3A_301 = tpu.memref_slice %arg7[%add3A_299, %dma_wait3A_300] : memref<250x80xi32, #tpu.memory_space<vmem>> -> memref<1x80xi32, #tpu.memory_space<vmem>>
      %dma_wait3A_302 = tpu.memref_squeeze %dma_wait3A_301 : memref<1x80xi32, #tpu.memory_space<vmem>> -> memref<80xi32, #tpu.memory_space<vmem>>
      %dma_wait3A_303 = arith.constant 0 : i32
      %dma_wait3A_304 = arith.constant 0 : i32
      %dma_wait3A_305 = tpu.memref_slice %arg16[%dma_wait3A_303, %dma_wait3A_304] : memref<10240x64xf32, #tpu.memory_space<vmem_shared>> -> memref<10240x64xf32, #tpu.memory_space<vmem_shared>>
      tpu.wait_indirect_dma semaphore(%arg29 : memref<!tpu.dma_semaphore, #tpu.memory_space<semaphore_mem>>) src(%arg12 : memref<80x64xf32, #tpu.memory_space<vmem>>) dst(%dma_wait3A_305 : memref<10240x64xf32, #tpu.memory_space<vmem_shared>>)
      %add3A_306 = arith.constant 8 : i32
      %add3A_307 = arith.addi %add3A_104, %add3A_306 : i32
      %add3A_308 = arith.constant 4 : i32
      %add3A_309 = arith.addi %add3A_307, %add3A_308 : i32
      %lt3A_310 = arith.constant 250 : i32
      %lt3A_311 = arith.cmpi slt, %add3A_309, %lt3A_310 : i32
      %convert_element_type3A_312 = arith.extui %lt3A_311 : i1 to i32
      %cond3A_313 = arith.constant 0 : i32
      %cond3A_314 = arith.cmpi ne, %convert_element_type3A_312, %cond3A_313 : i32
      scf.if %cond3A_314 {
        %add3A_366 = arith.constant 8 : i32
        %add3A_367 = arith.addi %add3A_104, %add3A_366 : i32
        %add3A_368 = arith.constant 4 : i32
        %add3A_369 = arith.addi %add3A_367, %add3A_368 : i32
        %mul3A_370 = arith.constant 80 : i32
        %mul3A_371 = arith.muli %add3A_369, %mul3A_370 : i32
        %dma_start3A_372 = tpu.memref_slice %arg6[%mul3A_371] : memref<20000xi32, #tpu.memory_space<vmem>> -> memref<80xi32, #tpu.memory_space<vmem>>
        %dma_start3A_373 = arith.constant 0 : i32
        %dma_start3A_374 = arith.constant 0 : i32
        %dma_start3A_375 = tpu.memref_slice %arg4[%dma_start3A_373, %dma_start3A_374] : memref<20480x64xf32, #tpu.memory_space<hbm>> -> memref<20480x64xf32, #tpu.memory_space<hbm>>
        tpu.enqueue_indirect_dma source(%dma_start3A_375 : memref<20480x64xf32, #tpu.memory_space<hbm>>) target(%arg12 : memref<80x64xf32, #tpu.memory_space<vmem>>) offsets(%dma_start3A_372 : memref<80xi32, #tpu.memory_space<vmem>>) semaphore(%arg21 : memref<!tpu.dma_semaphore, #tpu.memory_space<semaphore_mem>>)
      } else {
      }
      %add3A_315 = arith.constant 5 : i32
      %add3A_316 = arith.addi %add3A_104, %add3A_315 : i32
      %dma_wait3A_317 = arith.constant 0 : i32
      %dma_wait3A_318 = tpu.memref_slice %arg7[%add3A_316, %dma_wait3A_317] : memref<250x80xi32, #tpu.memory_space<vmem>> -> memref<1x80xi32, #tpu.memory_space<vmem>>
      %dma_wait3A_319 = tpu.memref_squeeze %dma_wait3A_318 : memref<1x80xi32, #tpu.memory_space<vmem>> -> memref<80xi32, #tpu.memory_space<vmem>>
      %dma_wait3A_320 = arith.constant 0 : i32
      %dma_wait3A_321 = arith.constant 0 : i32
      %dma_wait3A_322 = tpu.memref_slice %arg16[%dma_wait3A_320, %dma_wait3A_321] : memref<10240x64xf32, #tpu.memory_space<vmem_shared>> -> memref<10240x64xf32, #tpu.memory_space<vmem_shared>>
      tpu.wait_indirect_dma semaphore(%arg30 : memref<!tpu.dma_semaphore, #tpu.memory_space<semaphore_mem>>) src(%arg13 : memref<80x64xf32, #tpu.memory_space<vmem>>) dst(%dma_wait3A_322 : memref<10240x64xf32, #tpu.memory_space<vmem_shared>>)
      %add3A_323 = arith.constant 8 : i32
      %add3A_324 = arith.addi %add3A_104, %add3A_323 : i32
      %add3A_325 = arith.constant 5 : i32
      %add3A_326 = arith.addi %add3A_324, %add3A_325 : i32
      %lt3A_327 = arith.constant 250 : i32
      %lt3A_328 = arith.cmpi slt, %add3A_326, %lt3A_327 : i32
      %convert_element_type3A_329 = arith.extui %lt3A_328 : i1 to i32
      %cond3A_330 = arith.constant 0 : i32
      %cond3A_331 = arith.cmpi ne, %convert_element_type3A_329, %cond3A_330 : i32
      scf.if %cond3A_331 {
        %add3A_366 = arith.constant 8 : i32
        %add3A_367 = arith.addi %add3A_104, %add3A_366 : i32
        %add3A_368 = arith.constant 5 : i32
        %add3A_369 = arith.addi %add3A_367, %add3A_368 : i32
        %mul3A_370 = arith.constant 80 : i32
        %mul3A_371 = arith.muli %add3A_369, %mul3A_370 : i32
        %dma_start3A_372 = tpu.memref_slice %arg6[%mul3A_371] : memref<20000xi32, #tpu.memory_space<vmem>> -> memref<80xi32, #tpu.memory_space<vmem>>
        %dma_start3A_373 = arith.constant 0 : i32
        %dma_start3A_374 = arith.constant 0 : i32
        %dma_start3A_375 = tpu.memref_slice %arg4[%dma_start3A_373, %dma_start3A_374] : memref<20480x64xf32, #tpu.memory_space<hbm>> -> memref<20480x64xf32, #tpu.memory_space<hbm>>
        tpu.enqueue_indirect_dma source(%dma_start3A_375 : memref<20480x64xf32, #tpu.memory_space<hbm>>) target(%arg13 : memref<80x64xf32, #tpu.memory_space<vmem>>) offsets(%dma_start3A_372 : memref<80xi32, #tpu.memory_space<vmem>>) semaphore(%arg22 : memref<!tpu.dma_semaphore, #tpu.memory_space<semaphore_mem>>)
      } else {
      }
      %add3A_332 = arith.constant 6 : i32
      %add3A_333 = arith.addi %add3A_104, %add3A_332 : i32
      %dma_wait3A_334 = arith.constant 0 : i32
      %dma_wait3A_335 = tpu.memref_slice %arg7[%add3A_333, %dma_wait3A_334] : memref<250x80xi32, #tpu.memory_space<vmem>> -> memref<1x80xi32, #tpu.memory_space<vmem>>
      %dma_wait3A_336 = tpu.memref_squeeze %dma_wait3A_335 : memref<1x80xi32, #tpu.memory_space<vmem>> -> memref<80xi32, #tpu.memory_space<vmem>>
      %dma_wait3A_337 = arith.constant 0 : i32
      %dma_wait3A_338 = arith.constant 0 : i32
      %dma_wait3A_339 = tpu.memref_slice %arg16[%dma_wait3A_337, %dma_wait3A_338] : memref<10240x64xf32, #tpu.memory_space<vmem_shared>> -> memref<10240x64xf32, #tpu.memory_space<vmem_shared>>
      tpu.wait_indirect_dma semaphore(%arg31 : memref<!tpu.dma_semaphore, #tpu.memory_space<semaphore_mem>>) src(%arg14 : memref<80x64xf32, #tpu.memory_space<vmem>>) dst(%dma_wait3A_339 : memref<10240x64xf32, #tpu.memory_space<vmem_shared>>)
      %add3A_340 = arith.constant 8 : i32
      %add3A_341 = arith.addi %add3A_104, %add3A_340 : i32
      %add3A_342 = arith.constant 6 : i32
      %add3A_343 = arith.addi %add3A_341, %add3A_342 : i32
      %lt3A_344 = arith.constant 250 : i32
      %lt3A_345 = arith.cmpi slt, %add3A_343, %lt3A_344 : i32
      %convert_element_type3A_346 = arith.extui %lt3A_345 : i1 to i32
      %cond3A_347 = arith.constant 0 : i32
      %cond3A_348 = arith.cmpi ne, %convert_element_type3A_346, %cond3A_347 : i32
      scf.if %cond3A_348 {
        %add3A_366 = arith.constant 8 : i32
        %add3A_367 = arith.addi %add3A_104, %add3A_366 : i32
        %add3A_368 = arith.constant 6 : i32
        %add3A_369 = arith.addi %add3A_367, %add3A_368 : i32
        %mul3A_370 = arith.constant 80 : i32
        %mul3A_371 = arith.muli %add3A_369, %mul3A_370 : i32
        %dma_start3A_372 = tpu.memref_slice %arg6[%mul3A_371] : memref<20000xi32, #tpu.memory_space<vmem>> -> memref<80xi32, #tpu.memory_space<vmem>>
        %dma_start3A_373 = arith.constant 0 : i32
        %dma_start3A_374 = arith.constant 0 : i32
        %dma_start3A_375 = tpu.memref_slice %arg4[%dma_start3A_373, %dma_start3A_374] : memref<20480x64xf32, #tpu.memory_space<hbm>> -> memref<20480x64xf32, #tpu.memory_space<hbm>>
        tpu.enqueue_indirect_dma source(%dma_start3A_375 : memref<20480x64xf32, #tpu.memory_space<hbm>>) target(%arg14 : memref<80x64xf32, #tpu.memory_space<vmem>>) offsets(%dma_start3A_372 : memref<80xi32, #tpu.memory_space<vmem>>) semaphore(%arg23 : memref<!tpu.dma_semaphore, #tpu.memory_space<semaphore_mem>>)
      } else {
      }
      %add3A_349 = arith.constant 7 : i32
      %add3A_350 = arith.addi %add3A_104, %add3A_349 : i32
      %dma_wait3A_351 = arith.constant 0 : i32
      %dma_wait3A_352 = tpu.memref_slice %arg7[%add3A_350, %dma_wait3A_351] : memref<250x80xi32, #tpu.memory_space<vmem>> -> memref<1x80xi32, #tpu.memory_space<vmem>>
      %dma_wait3A_353 = tpu.memref_squeeze %dma_wait3A_352 : memref<1x80xi32, #tpu.memory_space<vmem>> -> memref<80xi32, #tpu.memory_space<vmem>>
      %dma_wait3A_354 = arith.constant 0 : i32
      %dma_wait3A_355 = arith.constant 0 : i32
      %dma_wait3A_356 = tpu.memref_slice %arg16[%dma_wait3A_354, %dma_wait3A_355] : memref<10240x64xf32, #tpu.memory_space<vmem_shared>> -> memref<10240x64xf32, #tpu.memory_space<vmem_shared>>
      tpu.wait_indirect_dma semaphore(%arg32 : memref<!tpu.dma_semaphore, #tpu.memory_space<semaphore_mem>>) src(%arg15 : memref<80x64xf32, #tpu.memory_space<vmem>>) dst(%dma_wait3A_356 : memref<10240x64xf32, #tpu.memory_space<vmem_shared>>)
      %add3A_357 = arith.constant 8 : i32
      %add3A_358 = arith.addi %add3A_104, %add3A_357 : i32
      %add3A_359 = arith.constant 7 : i32
      %add3A_360 = arith.addi %add3A_358, %add3A_359 : i32
      %lt3A_361 = arith.constant 250 : i32
      %lt3A_362 = arith.cmpi slt, %add3A_360, %lt3A_361 : i32
      %convert_element_type3A_363 = arith.extui %lt3A_362 : i1 to i32
      %cond3A_364 = arith.constant 0 : i32
      %cond3A_365 = arith.cmpi ne, %convert_element_type3A_363, %cond3A_364 : i32
      scf.if %cond3A_365 {
        %add3A_366 = arith.constant 8 : i32
        %add3A_367 = arith.addi %add3A_104, %add3A_366 : i32
        %add3A_368 = arith.constant 7 : i32
        %add3A_369 = arith.addi %add3A_367, %add3A_368 : i32
        %mul3A_370 = arith.constant 80 : i32
        %mul3A_371 = arith.muli %add3A_369, %mul3A_370 : i32
        %dma_start3A_372 = tpu.memref_slice %arg6[%mul3A_371] : memref<20000xi32, #tpu.memory_space<vmem>> -> memref<80xi32, #tpu.memory_space<vmem>>
        %dma_start3A_373 = arith.constant 0 : i32
        %dma_start3A_374 = arith.constant 0 : i32
        %dma_start3A_375 = tpu.memref_slice %arg4[%dma_start3A_373, %dma_start3A_374] : memref<20480x64xf32, #tpu.memory_space<hbm>> -> memref<20480x64xf32, #tpu.memory_space<hbm>>
        tpu.enqueue_indirect_dma source(%dma_start3A_375 : memref<20480x64xf32, #tpu.memory_space<hbm>>) target(%arg15 : memref<80x64xf32, #tpu.memory_space<vmem>>) offsets(%dma_start3A_372 : memref<80xi32, #tpu.memory_space<vmem>>) semaphore(%arg24 : memref<!tpu.dma_semaphore, #tpu.memory_space<semaphore_mem>>)
      } else {
      }
    }
    %scan3A_62 = arith.constant 31 : i32
    %dma_wait3A = arith.constant 19840 : i32
    %dma_wait3A_63 = tpu.memref_slice %arg6[%dma_wait3A] : memref<20000xi32, #tpu.memory_space<vmem>> -> memref<80xi32, #tpu.memory_space<vmem>>
    %dma_wait3A_64 = arith.constant 0 : i32
    %dma_wait3A_65 = arith.constant 0 : i32
    %dma_wait3A_66 = tpu.memref_slice %arg4[%dma_wait3A_64, %dma_wait3A_65] : memref<20480x64xf32, #tpu.memory_space<hbm>> -> memref<20480x64xf32, #tpu.memory_space<hbm>>
    tpu.wait_indirect_dma semaphore(%arg17 : memref<!tpu.dma_semaphore, #tpu.memory_space<semaphore_mem>>) src(%dma_wait3A_66 : memref<20480x64xf32, #tpu.memory_space<hbm>>) dst(%arg8 : memref<80x64xf32, #tpu.memory_space<vmem>>)
    %dma_start3A_67 = arith.constant 248 : i32
    %dma_start3A_68 = arith.constant 0 : i32
    %dma_start3A_69 = tpu.memref_slice %arg7[%dma_start3A_67, %dma_start3A_68] : memref<250x80xi32, #tpu.memory_space<vmem>> -> memref<1x80xi32, #tpu.memory_space<vmem>>
    %dma_start3A_70 = tpu.memref_squeeze %dma_start3A_69 : memref<1x80xi32, #tpu.memory_space<vmem>> -> memref<80xi32, #tpu.memory_space<vmem>>
    %dma_start3A_71 = arith.constant 0 : i32
    %dma_start3A_72 = arith.constant 0 : i32
    %dma_start3A_73 = tpu.memref_slice %arg16[%dma_start3A_71, %dma_start3A_72] : memref<10240x64xf32, #tpu.memory_space<vmem_shared>> -> memref<10240x64xf32, #tpu.memory_space<vmem_shared>>
    tpu.enqueue_indirect_dma source(%arg8 : memref<80x64xf32, #tpu.memory_space<vmem>>) target(%dma_start3A_73 : memref<10240x64xf32, #tpu.memory_space<vmem_shared>>) offsets(%dma_start3A_70 : memref<80xi32, #tpu.memory_space<vmem>>) semaphore(%arg25 : memref<!tpu.dma_semaphore, #tpu.memory_space<semaphore_mem>>) {add = true}
    %dma_wait3A_74 = arith.constant 19920 : i32
    %dma_wait3A_75 = tpu.memref_slice %arg6[%dma_wait3A_74] : memref<20000xi32, #tpu.memory_space<vmem>> -> memref<80xi32, #tpu.memory_space<vmem>>
    %dma_wait3A_76 = arith.constant 0 : i32
    %dma_wait3A_77 = arith.constant 0 : i32
    %dma_wait3A_78 = tpu.memref_slice %arg4[%dma_wait3A_76, %dma_wait3A_77] : memref<20480x64xf32, #tpu.memory_space<hbm>> -> memref<20480x64xf32, #tpu.memory_space<hbm>>
    tpu.wait_indirect_dma semaphore(%arg18 : memref<!tpu.dma_semaphore, #tpu.memory_space<semaphore_mem>>) src(%dma_wait3A_78 : memref<20480x64xf32, #tpu.memory_space<hbm>>) dst(%arg9 : memref<80x64xf32, #tpu.memory_space<vmem>>)
    %dma_start3A_79 = arith.constant 249 : i32
    %dma_start3A_80 = arith.constant 0 : i32
    %dma_start3A_81 = tpu.memref_slice %arg7[%dma_start3A_79, %dma_start3A_80] : memref<250x80xi32, #tpu.memory_space<vmem>> -> memref<1x80xi32, #tpu.memory_space<vmem>>
    %dma_start3A_82 = tpu.memref_squeeze %dma_start3A_81 : memref<1x80xi32, #tpu.memory_space<vmem>> -> memref<80xi32, #tpu.memory_space<vmem>>
    %dma_start3A_83 = arith.constant 0 : i32
    %dma_start3A_84 = arith.constant 0 : i32
    %dma_start3A_85 = tpu.memref_slice %arg16[%dma_start3A_83, %dma_start3A_84] : memref<10240x64xf32, #tpu.memory_space<vmem_shared>> -> memref<10240x64xf32, #tpu.memory_space<vmem_shared>>
    tpu.enqueue_indirect_dma source(%arg9 : memref<80x64xf32, #tpu.memory_space<vmem>>) target(%dma_start3A_85 : memref<10240x64xf32, #tpu.memory_space<vmem_shared>>) offsets(%dma_start3A_82 : memref<80xi32, #tpu.memory_space<vmem>>) semaphore(%arg26 : memref<!tpu.dma_semaphore, #tpu.memory_space<semaphore_mem>>) {add = true}
    %dma_wait3A_86 = arith.constant 248 : i32
    %dma_wait3A_87 = arith.constant 0 : i32
    %dma_wait3A_88 = tpu.memref_slice %arg7[%dma_wait3A_86, %dma_wait3A_87] : memref<250x80xi32, #tpu.memory_space<vmem>> -> memref<1x80xi32, #tpu.memory_space<vmem>>
    %dma_wait3A_89 = tpu.memref_squeeze %dma_wait3A_88 : memref<1x80xi32, #tpu.memory_space<vmem>> -> memref<80xi32, #tpu.memory_space<vmem>>
    %dma_wait3A_90 = arith.constant 0 : i32
    %dma_wait3A_91 = arith.constant 0 : i32
    %dma_wait3A_92 = tpu.memref_slice %arg16[%dma_wait3A_90, %dma_wait3A_91] : memref<10240x64xf32, #tpu.memory_space<vmem_shared>> -> memref<10240x64xf32, #tpu.memory_space<vmem_shared>>
    tpu.wait_indirect_dma semaphore(%arg25 : memref<!tpu.dma_semaphore, #tpu.memory_space<semaphore_mem>>) src(%arg8 : memref<80x64xf32, #tpu.memory_space<vmem>>) dst(%dma_wait3A_92 : memref<10240x64xf32, #tpu.memory_space<vmem_shared>>)
    %dma_wait3A_93 = arith.constant 249 : i32
    %dma_wait3A_94 = arith.constant 0 : i32
    %dma_wait3A_95 = tpu.memref_slice %arg7[%dma_wait3A_93, %dma_wait3A_94] : memref<250x80xi32, #tpu.memory_space<vmem>> -> memref<1x80xi32, #tpu.memory_space<vmem>>
    %dma_wait3A_96 = tpu.memref_squeeze %dma_wait3A_95 : memref<1x80xi32, #tpu.memory_space<vmem>> -> memref<80xi32, #tpu.memory_space<vmem>>
    %dma_wait3A_97 = arith.constant 0 : i32
    %dma_wait3A_98 = arith.constant 0 : i32
    %dma_wait3A_99 = tpu.memref_slice %arg16[%dma_wait3A_97, %dma_wait3A_98] : memref<10240x64xf32, #tpu.memory_space<vmem_shared>> -> memref<10240x64xf32, #tpu.memory_space<vmem_shared>>
    tpu.wait_indirect_dma semaphore(%arg26 : memref<!tpu.dma_semaphore, #tpu.memory_space<semaphore_mem>>) src(%arg9 : memref<80x64xf32, #tpu.memory_space<vmem>>) dst(%dma_wait3A_99 : memref<10240x64xf32, #tpu.memory_space<vmem_shared>>)
    %barrier3A_100 = arith.constant 0 : index
    tpu.barrier barrier_id(%barrier3A_100)
    "tpu.region"() ({
      %run_scoped3A = tpu.sem_alloc : memref<!tpu.dma_semaphore, #tpu.memory_space<semaphore_mem>>
      %dma_start3A_101 = arith.constant 0 : i32
      %dma_start3A_102 = tpu.memref_slice %arg5[%arg0, %mul3A_47, %dma_start3A_101] : memref<2x10240x64xf32, #tpu.memory_space<hbm>> -> memref<1x640x64xf32, #tpu.memory_space<hbm>>
      %dma_start3A_103 = tpu.memref_squeeze %dma_start3A_102 : memref<1x640x64xf32, #tpu.memory_space<hbm>> -> memref<640x64xf32, #tpu.memory_space<hbm>>
      %dma_start3A_104 = arith.constant 0 : i32
      %dma_start3A_105 = tpu.memref_slice %arg16[%mul3A_47, %dma_start3A_104] : memref<10240x64xf32, #tpu.memory_space<vmem_shared>> -> memref<640x64xf32, #tpu.memory_space<vmem_shared>>
      tpu.enqueue_dma source(%dma_start3A_105 : memref<640x64xf32, #tpu.memory_space<vmem_shared>>) target(%dma_start3A_103 : memref<640x64xf32, #tpu.memory_space<hbm>>) target_semaphore(%run_scoped3A : memref<!tpu.dma_semaphore, #tpu.memory_space<semaphore_mem>>)
      %dma_wait3A_106 = arith.constant 0 : i32
      %dma_wait3A_107 = tpu.memref_slice %arg5[%arg0, %mul3A_47, %dma_wait3A_106] : memref<2x10240x64xf32, #tpu.memory_space<hbm>> -> memref<1x640x64xf32, #tpu.memory_space<hbm>>
      %dma_wait3A_108 = tpu.memref_squeeze %dma_wait3A_107 : memref<1x640x64xf32, #tpu.memory_space<hbm>> -> memref<640x64xf32, #tpu.memory_space<hbm>>
      %dma_wait3A_109 = arith.constant 0 : i32
      %dma_wait3A_110 = tpu.memref_slice %arg16[%mul3A_47, %dma_wait3A_109] : memref<10240x64xf32, #tpu.memory_space<vmem_shared>> -> memref<640x64xf32, #tpu.memory_space<vmem_shared>>
      tpu.wait_dma2 semaphore(%run_scoped3A : memref<!tpu.dma_semaphore, #tpu.memory_space<semaphore_mem>>) src(%dma_wait3A_110 : memref<640x64xf32, #tpu.memory_space<vmem_shared>>) dst(%dma_wait3A_108 : memref<640x64xf32, #tpu.memory_space<hbm>>)
      tpu.yield
    }) : () -> ()
    return
  }
}

#map = affine_map<(d0, d1) -> (0, 0)>
#map1 = affine_map<(d0, d1) -> (0, 0, 0)>
module attributes {stable_mosaic.version = 14 : i64} {
  func.func @_sc_scatter(%arg0: i32, %arg1: i32, %arg2: memref<16x20000xi32, #tpu.memory_space<hbm>>, %arg3: memref<16x250x80xi32, #tpu.memory_space<hbm>>, %arg4: memref<20480x64xf32, #tpu.memory_space<hbm>>, %arg5: memref<2x10240x64xf32, #tpu.memory_space<hbm>>, %arg6: memref<20000xi32, #tpu.memory_space<vmem>>, %arg7: memref<250x80xi32, #tpu.memory_space<vmem>>, %arg8: memref<80x64xf32, #tpu.memory_space<vmem>>, %arg9: memref<80x64xf32, #tpu.memory_space<vmem>>, %arg10: memref<80x64xf32, #tpu.memory_space<vmem>>, %arg11: memref<80x64xf32, #tpu.memory_space<vmem>>, %arg12: memref<80x64xf32, #tpu.memory_space<vmem>>, %arg13: memref<80x64xf32, #tpu.memory_space<vmem>>, %arg14: memref<80x64xf32, #tpu.memory_space<vmem>>, %arg15: memref<80x64xf32, #tpu.memory_space<vmem>>, %arg16: memref<10240x64xf32, #tpu.memory_space<vmem_shared>>, %arg17: memref<!tpu.dma_semaphore, #tpu.memory_space<semaphore_mem>>, %arg18: memref<!tpu.dma_semaphore, #tpu.memory_space<semaphore_mem>>, %arg19: memref<!tpu.dma_semaphore, #tpu.memory_space<semaphore_mem>>, %arg20: memref<!tpu.dma_semaphore, #tpu.memory_space<semaphore_mem>>, %arg21: memref<!tpu.dma_semaphore, #tpu.memory_space<semaphore_mem>>, %arg22: memref<!tpu.dma_semaphore, #tpu.memory_space<semaphore_mem>>, %arg23: memref<!tpu.dma_semaphore, #tpu.memory_space<semaphore_mem>>, %arg24: memref<!tpu.dma_semaphore, #tpu.memory_space<semaphore_mem>>, %arg25: memref<!tpu.dma_semaphore, #tpu.memory_space<semaphore_mem>>, %arg26: memref<!tpu.dma_semaphore, #tpu.memory_space<semaphore_mem>>, %arg27: memref<!tpu.dma_semaphore, #tpu.memory_space<semaphore_mem>>, %arg28: memref<!tpu.dma_semaphore, #tpu.memory_space<semaphore_mem>>, %arg29: memref<!tpu.dma_semaphore, #tpu.memory_space<semaphore_mem>>, %arg30: memref<!tpu.dma_semaphore, #tpu.memory_space<semaphore_mem>>, %arg31: memref<!tpu.dma_semaphore, #tpu.memory_space<semaphore_mem>>, %arg32: memref<!tpu.dma_semaphore, #tpu.memory_space<semaphore_mem>>) attributes {dimension_semantics = [#tpu.dimension_semantics<core_parallel>, #tpu.dimension_semantics<subcore_parallel>], iteration_bounds = array<i64: 2, 16>, scalar_prefetch = 0 : i64, scratch_operands = 27 : i64, tpu.core_type = #tpu.core_type<sc_vector_subcore>, window_params = [{transform_indices = #map}, {transform_indices = #map1}, {transform_indices = #map}, {transform_indices = #map1}]} {
    "tpu.region"() ({
      %run_scoped3A = tpu.sem_alloc : memref<!tpu.dma_semaphore, #tpu.memory_space<semaphore_mem>>
      %dma_start3A_101 = arith.constant 0 : i32
      %dma_start3A_102 = tpu.memref_slice %arg2[%arg1, %dma_start3A_101] : memref<16x20000xi32, #tpu.memory_space<hbm>> -> memref<1x20000xi32, #tpu.memory_space<hbm>>
      %dma_start3A_103 = tpu.memref_squeeze %dma_start3A_102 : memref<1x20000xi32, #tpu.memory_space<hbm>> -> memref<20000xi32, #tpu.memory_space<hbm>>
      %dma_start3A_104 = arith.constant 0 : i32
      %dma_start3A_105 = tpu.memref_slice %arg2[%arg1, %dma_start3A_104] : memref<16x20000xi32, #tpu.memory_space<hbm>> -> memref<1x20000xi32, #tpu.memory_space<hbm>>
      %dma_start3A_106 = tpu.memref_squeeze %dma_start3A_105 : memref<1x20000xi32, #tpu.memory_space<hbm>> -> memref<20000xi32, #tpu.memory_space<hbm>>
      tpu.enqueue_dma source(%dma_start3A_106 : memref<20000xi32, #tpu.memory_space<hbm>>) target(%arg6 : memref<20000xi32, #tpu.memory_space<vmem>>) target_semaphore(%run_scoped3A : memref<!tpu.dma_semaphore, #tpu.memory_space<semaphore_mem>>)
      %dma_wait3A_107 = arith.constant 0 : i32
      %dma_wait3A_108 = tpu.memref_slice %arg2[%arg1, %dma_wait3A_107] : memref<16x20000xi32, #tpu.memory_space<hbm>> -> memref<1x20000xi32, #tpu.memory_space<hbm>>
      %dma_wait3A_109 = tpu.memref_squeeze %dma_wait3A_108 : memref<1x20000xi32, #tpu.memory_space<hbm>> -> memref<20000xi32, #tpu.memory_space<hbm>>
      %dma_wait3A_110 = arith.constant 0 : i32
      %dma_wait3A_111 = tpu.memref_slice %arg2[%arg1, %dma_wait3A_110] : memref<16x20000xi32, #tpu.memory_space<hbm>> -> memref<1x20000xi32, #tpu.memory_space<hbm>>
      %dma_wait3A_112 = tpu.memref_squeeze %dma_wait3A_111 : memref<1x20000xi32, #tpu.memory_space<hbm>> -> memref<20000xi32, #tpu.memory_space<hbm>>
      tpu.wait_dma2 semaphore(%run_scoped3A : memref<!tpu.dma_semaphore, #tpu.memory_space<semaphore_mem>>) src(%dma_wait3A_112 : memref<20000xi32, #tpu.memory_space<hbm>>) dst(%arg6 : memref<20000xi32, #tpu.memory_space<vmem>>)
      tpu.yield
    }) : () -> ()
    "tpu.region"() ({
      %run_scoped3A = tpu.sem_alloc : memref<!tpu.dma_semaphore, #tpu.memory_space<semaphore_mem>>
      %dma_start3A_101 = arith.constant 0 : i32
      %dma_start3A_102 = arith.constant 0 : i32
      %dma_start3A_103 = tpu.memref_slice %arg3[%arg1, %dma_start3A_101, %dma_start3A_102] : memref<16x250x80xi32, #tpu.memory_space<hbm>> -> memref<1x250x80xi32, #tpu.memory_space<hbm>>
      %dma_start3A_104 = tpu.memref_squeeze %dma_start3A_103 : memref<1x250x80xi32, #tpu.memory_space<hbm>> -> memref<250x80xi32, #tpu.memory_space<hbm>>
      %dma_start3A_105 = arith.constant 0 : i32
      %dma_start3A_106 = arith.constant 0 : i32
      %dma_start3A_107 = tpu.memref_slice %arg3[%arg1, %dma_start3A_105, %dma_start3A_106] : memref<16x250x80xi32, #tpu.memory_space<hbm>> -> memref<1x250x80xi32, #tpu.memory_space<hbm>>
      %dma_start3A_108 = tpu.memref_squeeze %dma_start3A_107 : memref<1x250x80xi32, #tpu.memory_space<hbm>> -> memref<250x80xi32, #tpu.memory_space<hbm>>
      tpu.enqueue_dma source(%dma_start3A_108 : memref<250x80xi32, #tpu.memory_space<hbm>>) target(%arg7 : memref<250x80xi32, #tpu.memory_space<vmem>>) target_semaphore(%run_scoped3A : memref<!tpu.dma_semaphore, #tpu.memory_space<semaphore_mem>>)
      %dma_wait3A_109 = arith.constant 0 : i32
      %dma_wait3A_110 = arith.constant 0 : i32
      %dma_wait3A_111 = tpu.memref_slice %arg3[%arg1, %dma_wait3A_109, %dma_wait3A_110] : memref<16x250x80xi32, #tpu.memory_space<hbm>> -> memref<1x250x80xi32, #tpu.memory_space<hbm>>
      %dma_wait3A_112 = tpu.memref_squeeze %dma_wait3A_111 : memref<1x250x80xi32, #tpu.memory_space<hbm>> -> memref<250x80xi32, #tpu.memory_space<hbm>>
      %dma_wait3A_113 = arith.constant 0 : i32
      %dma_wait3A_114 = arith.constant 0 : i32
      %dma_wait3A_115 = tpu.memref_slice %arg3[%arg1, %dma_wait3A_113, %dma_wait3A_114] : memref<16x250x80xi32, #tpu.memory_space<hbm>> -> memref<1x250x80xi32, #tpu.memory_space<hbm>>
      %dma_wait3A_116 = tpu.memref_squeeze %dma_wait3A_115 : memref<1x250x80xi32, #tpu.memory_space<hbm>> -> memref<250x80xi32, #tpu.memory_space<hbm>>
      tpu.wait_dma2 semaphore(%run_scoped3A : memref<!tpu.dma_semaphore, #tpu.memory_space<semaphore_mem>>) src(%dma_wait3A_116 : memref<250x80xi32, #tpu.memory_space<hbm>>) dst(%arg7 : memref<250x80xi32, #tpu.memory_space<vmem>>)
      tpu.yield
    }) : () -> ()
    %mul3A = arith.constant 10240 : i32
    %mul3A_0 = arith.muli %arg0, %mul3A : i32
    %broadcast_in_dim3A = vector.broadcast %mul3A_0 : i32 to vector<16xi32>
    %scan3A = arith.constant 0 : i32
    %scan3A_1 = arith.constant 1250 : i32
    %scan3A_2 = arith.addi %scan3A, %scan3A_1 : i32
    %scan3A_3 = arith.constant 1 : i32
    scf.for %scan3A_101 = %scan3A to %scan3A_2 step %scan3A_3  : i32 {
      %mul3A_102 = arith.constant 16 : i32
      %mul3A_103 = arith.muli %scan3A_101, %mul3A_102 : i32
      %add3A = arith.constant 0 : i32
      %add3A_104 = arith.addi %add3A, %mul3A_103 : i32
      %get3A = arith.index_cast %add3A_104 : i32 to index
      %get3A_105 = tpu.vector_load %arg6[%get3A] {strides = array<i32>} : memref<20000xi32, #tpu.memory_space<vmem>>, vector<16xi32>,
      %add3A_106 = arith.addi %get3A_105, %broadcast_in_dim3A : vector<16xi32>
      %swap3A = arith.index_cast %add3A_104 : i32 to index
      %swap3A_107 = tpu.vector_load %arg6[%swap3A] {strides = array<i32>} : memref<20000xi32, #tpu.memory_space<vmem>>, vector<16xi32>,
      tpu.vector_store %arg6[%swap3A], %add3A_106 {strides = array<i32>} : memref<20000xi32, #tpu.memory_space<vmem>>, vector<16xi32>,
    }
    %scan3A_4 = arith.constant 1250 : i32
    %dma_start3A = arith.constant 80 : i32
    %dma_start3A_5 = tpu.memref_slice %arg6[%dma_start3A] : memref<20000xi32, #tpu.memory_space<vmem>> -> memref<80xi32, #tpu.memory_space<vmem>>
    %dma_start3A_6 = arith.constant 0 : i32
    %dma_start3A_7 = arith.constant 0 : i32
    %dma_start3A_8 = tpu.memref_slice %arg4[%dma_start3A_6, %dma_start3A_7] : memref<20480x64xf32, #tpu.memory_space<hbm>> -> memref<20480x64xf32, #tpu.memory_space<hbm>>
    tpu.enqueue_indirect_dma source(%dma_start3A_8 : memref<20480x64xf32, #tpu.memory_space<hbm>>) target(%arg9 : memref<80x64xf32, #tpu.memory_space<vmem>>) offsets(%dma_start3A_5 : memref<80xi32, #tpu.memory_space<vmem>>) semaphore(%arg18 : memref<!tpu.dma_semaphore, #tpu.memory_space<semaphore_mem>>)
    %dma_start3A_9 = arith.constant 160 : i32
    %dma_start3A_10 = tpu.memref_slice %arg6[%dma_start3A_9] : memref<20000xi32, #tpu.memory_space<vmem>> -> memref<80xi32, #tpu.memory_space<vmem>>
    %dma_start3A_11 = arith.constant 0 : i32
    %dma_start3A_12 = arith.constant 0 : i32
    %dma_start3A_13 = tpu.memref_slice %arg4[%dma_start3A_11, %dma_start3A_12] : memref<20480x64xf32, #tpu.memory_space<hbm>> -> memref<20480x64xf32, #tpu.memory_space<hbm>>
    tpu.enqueue_indirect_dma source(%dma_start3A_13 : memref<20480x64xf32, #tpu.memory_space<hbm>>) target(%arg10 : memref<80x64xf32, #tpu.memory_space<vmem>>) offsets(%dma_start3A_10 : memref<80xi32, #tpu.memory_space<vmem>>) semaphore(%arg19 : memref<!tpu.dma_semaphore, #tpu.memory_space<semaphore_mem>>)
    %dma_start3A_14 = arith.constant 240 : i32
    %dma_start3A_15 = tpu.memref_slice %arg6[%dma_start3A_14] : memref<20000xi32, #tpu.memory_space<vmem>> -> memref<80xi32, #tpu.memory_space<vmem>>
    %dma_start3A_16 = arith.constant 0 : i32
    %dma_start3A_17 = arith.constant 0 : i32
    %dma_start3A_18 = tpu.memref_slice %arg4[%dma_start3A_16, %dma_start3A_17] : memref<20480x64xf32, #tpu.memory_space<hbm>> -> memref<20480x64xf32, #tpu.memory_space<hbm>>
    tpu.enqueue_indirect_dma source(%dma_start3A_18 : memref<20480x64xf32, #tpu.memory_space<hbm>>) target(%arg11 : memref<80x64xf32, #tpu.memory_space<vmem>>) offsets(%dma_start3A_15 : memref<80xi32, #tpu.memory_space<vmem>>) semaphore(%arg20 : memref<!tpu.dma_semaphore, #tpu.memory_space<semaphore_mem>>)
    %dma_start3A_19 = arith.constant 320 : i32
    %dma_start3A_20 = tpu.memref_slice %arg6[%dma_start3A_19] : memref<20000xi32, #tpu.memory_space<vmem>> -> memref<80xi32, #tpu.memory_space<vmem>>
    %dma_start3A_21 = arith.constant 0 : i32
    %dma_start3A_22 = arith.constant 0 : i32
    %dma_start3A_23 = tpu.memref_slice %arg4[%dma_start3A_21, %dma_start3A_22] : memref<20480x64xf32, #tpu.memory_space<hbm>> -> memref<20480x64xf32, #tpu.memory_space<hbm>>
    tpu.enqueue_indirect_dma source(%dma_start3A_23 : memref<20480x64xf32, #tpu.memory_space<hbm>>) target(%arg12 : memref<80x64xf32, #tpu.memory_space<vmem>>) offsets(%dma_start3A_20 : memref<80xi32, #tpu.memory_space<vmem>>) semaphore(%arg21 : memref<!tpu.dma_semaphore, #tpu.memory_space<semaphore_mem>>)
    %dma_start3A_24 = arith.constant 400 : i32
    %dma_start3A_25 = tpu.memref_slice %arg6[%dma_start3A_24] : memref<20000xi32, #tpu.memory_space<vmem>> -> memref<80xi32, #tpu.memory_space<vmem>>
    %dma_start3A_26 = arith.constant 0 : i32
    %dma_start3A_27 = arith.constant 0 : i32
    %dma_start3A_28 = tpu.memref_slice %arg4[%dma_start3A_26, %dma_start3A_27] : memref<20480x64xf32, #tpu.memory_space<hbm>> -> memref<20480x64xf32, #tpu.memory_space<hbm>>
    tpu.enqueue_indirect_dma source(%dma_start3A_28 : memref<20480x64xf32, #tpu.memory_space<hbm>>) target(%arg13 : memref<80x64xf32, #tpu.memory_space<vmem>>) offsets(%dma_start3A_25 : memref<80xi32, #tpu.memory_space<vmem>>) semaphore(%arg22 : memref<!tpu.dma_semaphore, #tpu.memory_space<semaphore_mem>>)
    %dma_start3A_29 = arith.constant 480 : i32
    %dma_start3A_30 = tpu.memref_slice %arg6[%dma_start3A_29] : memref<20000xi32, #tpu.memory_space<vmem>> -> memref<80xi32, #tpu.memory_space<vmem>>
    %dma_start3A_31 = arith.constant 0 : i32
    %dma_start3A_32 = arith.constant 0 : i32
    %dma_start3A_33 = tpu.memref_slice %arg4[%dma_start3A_31, %dma_start3A_32] : memref<20480x64xf32, #tpu.memory_space<hbm>> -> memref<20480x64xf32, #tpu.memory_space<hbm>>
    tpu.enqueue_indirect_dma source(%dma_start3A_33 : memref<20480x64xf32, #tpu.memory_space<hbm>>) target(%arg14 : memref<80x64xf32, #tpu.memory_space<vmem>>) offsets(%dma_start3A_30 : memref<80xi32, #tpu.memory_space<vmem>>) semaphore(%arg23 : memref<!tpu.dma_semaphore, #tpu.memory_space<semaphore_mem>>)
    %dma_start3A_34 = arith.constant 560 : i32
    %dma_start3A_35 = tpu.memref_slice %arg6[%dma_start3A_34] : memref<20000xi32, #tpu.memory_space<vmem>> -> memref<80xi32, #tpu.memory_space<vmem>>
    %dma_start3A_36 = arith.constant 0 : i32
    %dma_start3A_37 = arith.constant 0 : i32
    %dma_start3A_38 = tpu.memref_slice %arg4[%dma_start3A_36, %dma_start3A_37] : memref<20480x64xf32, #tpu.memory_space<hbm>> -> memref<20480x64xf32, #tpu.memory_space<hbm>>
    tpu.enqueue_indirect_dma source(%dma_start3A_38 : memref<20480x64xf32, #tpu.memory_space<hbm>>) target(%arg15 : memref<80x64xf32, #tpu.memory_space<vmem>>) offsets(%dma_start3A_35 : memref<80xi32, #tpu.memory_space<vmem>>) semaphore(%arg24 : memref<!tpu.dma_semaphore, #tpu.memory_space<semaphore_mem>>)
    %broadcast_in_dim3A_39 = arith.constant 0.000000e+00 : f32
    %broadcast_in_dim3A_40 = vector.broadcast %broadcast_in_dim3A_39 : f32 to vector<16xf32>
    %scan3A_41 = arith.constant 0 : i32
    %scan3A_42 = arith.constant 80 : i32
    %scan3A_43 = arith.addi %scan3A_41, %scan3A_42 : i32
    %scan3A_44 = arith.constant 1 : i32
    scf.for %scan3A_101 = %scan3A_41 to %scan3A_43 step %scan3A_44  : i32 {
      %mul3A_102 = arith.constant 1 : i32
      %mul3A_103 = arith.muli %scan3A_101, %mul3A_102 : i32
      %add3A = arith.constant 0 : i32
      %add3A_104 = arith.addi %add3A, %mul3A_103 : i32
      %scan3A_105 = arith.constant 0 : i32
      %scan3A_106 = arith.constant 4 : i32
      %scan3A_107 = arith.addi %scan3A_105, %scan3A_106 : i32
      %scan3A_108 = arith.constant 1 : i32
      scf.for %scan3A_110 = %scan3A_105 to %scan3A_107 step %scan3A_108  : i32 {
        %mul3A_111 = arith.constant 16 : i32
        %mul3A_112 = arith.muli %scan3A_110, %mul3A_111 : i32
        %add3A_113 = arith.constant 0 : i32
        %add3A_114 = arith.addi %add3A_113, %mul3A_112 : i32
        %swap3A = arith.index_cast %add3A_104 : i32 to index
        %swap3A_115 = arith.index_cast %add3A_114 : i32 to index
        %swap3A_116 = tpu.vector_load %arg8[%swap3A, %swap3A_115] {strides = array<i32>} : memref<80x64xf32, #tpu.memory_space<vmem>>, vector<16xf32>,
        tpu.vector_store %arg8[%swap3A, %swap3A_115], %broadcast_in_dim3A_40 {strides = array<i32>} : memref<80x64xf32, #tpu.memory_space<vmem>>, vector<16xf32>,
      }
      %scan3A_109 = arith.constant 4 : i32
    }
    %scan3A_45 = arith.constant 80 : i32
    %mul3A_46 = arith.constant 640 : i32
    %mul3A_47 = arith.muli %arg1, %mul3A_46 : i32
    %scan3A_48 = arith.constant 0 : i32
    %scan3A_49 = arith.constant 8 : i32
    %scan3A_50 = arith.addi %scan3A_48, %scan3A_49 : i32
    %scan3A_51 = arith.constant 1 : i32
    scf.for %scan3A_101 = %scan3A_48 to %scan3A_50 step %scan3A_51  : i32 {
      %mul3A_102 = arith.constant 80 : i32
      %mul3A_103 = arith.muli %scan3A_101, %mul3A_102 : i32
      %add3A = arith.constant 0 : i32
      %add3A_104 = arith.addi %add3A, %mul3A_103 : i32
      %add3A_105 = arith.addi %mul3A_47, %add3A_104 : i32
      "tpu.region"() ({
        %run_scoped3A = tpu.sem_alloc : memref<!tpu.dma_semaphore, #tpu.memory_space<semaphore_mem>>
        %dma_start3A_106 = arith.constant 0 : i32
        %dma_start3A_107 = tpu.memref_slice %arg16[%add3A_105, %dma_start3A_106] : memref<10240x64xf32, #tpu.memory_space<vmem_shared>> -> memref<80x64xf32, #tpu.memory_space<vmem_shared>>
        %dma_start3A_108 = arith.constant 0 : i32
        %dma_start3A_109 = tpu.memref_slice %arg16[%add3A_105, %dma_start3A_108] : memref<10240x64xf32, #tpu.memory_space<vmem_shared>> -> memref<80x64xf32, #tpu.memory_space<vmem_shared>>
        tpu.enqueue_dma source(%arg8 : memref<80x64xf32, #tpu.memory_space<vmem>>) target(%dma_start3A_109 : memref<80x64xf32, #tpu.memory_space<vmem_shared>>) target_semaphore(%run_scoped3A : memref<!tpu.dma_semaphore, #tpu.memory_space<semaphore_mem>>)
        %dma_wait3A_110 = arith.constant 0 : i32
        %dma_wait3A_111 = tpu.memref_slice %arg16[%add3A_105, %dma_wait3A_110] : memref<10240x64xf32, #tpu.memory_space<vmem_shared>> -> memref<80x64xf32, #tpu.memory_space<vmem_shared>>
        %dma_wait3A_112 = arith.constant 0 : i32
        %dma_wait3A_113 = tpu.memref_slice %arg16[%add3A_105, %dma_wait3A_112] : memref<10240x64xf32, #tpu.memory_space<vmem_shared>> -> memref<80x64xf32, #tpu.memory_space<vmem_shared>>
        tpu.wait_dma2 semaphore(%run_scoped3A : memref<!tpu.dma_semaphore, #tpu.memory_space<semaphore_mem>>) src(%arg8 : memref<80x64xf32, #tpu.memory_space<vmem>>) dst(%dma_wait3A_113 : memref<80x64xf32, #tpu.memory_space<vmem_shared>>)
        tpu.yield
      }) : () -> ()
    }
    %scan3A_52 = arith.constant 8 : i32
    %dma_start3A_53 = arith.constant 0 : i32
    %dma_start3A_54 = tpu.memref_slice %arg6[%dma_start3A_53] : memref<20000xi32, #tpu.memory_space<vmem>> -> memref<80xi32, #tpu.memory_space<vmem>>
    %dma_start3A_55 = arith.constant 0 : i32
    %dma_start3A_56 = arith.constant 0 : i32
    %dma_start3A_57 = tpu.memref_slice %arg4[%dma_start3A_55, %dma_start3A_56] : memref<20480x64xf32, #tpu.memory_space<hbm>> -> memref<20480x64xf32, #tpu.memory_space<hbm>>
    tpu.enqueue_indirect_dma source(%dma_start3A_57 : memref<20480x64xf32, #tpu.memory_space<hbm>>) target(%arg8 : memref<80x64xf32, #tpu.memory_space<vmem>>) offsets(%dma_start3A_54 : memref<80xi32, #tpu.memory_space<vmem>>) semaphore(%arg17 : memref<!tpu.dma_semaphore, #tpu.memory_space<semaphore_mem>>)
    %barrier3A = arith.constant 0 : index
    tpu.barrier barrier_id(%barrier3A)
    %scan3A_58 = arith.constant 0 : i32
    %scan3A_59 = arith.constant 31 : i32
    %scan3A_60 = arith.addi %scan3A_58, %scan3A_59 : i32
    %scan3A_61 = arith.constant 1 : i32
    scf.for %scan3A_101 = %scan3A_58 to %scan3A_60 step %scan3A_61  : i32 {
      %mul3A_102 = arith.constant 8 : i32
      %mul3A_103 = arith.muli %scan3A_101, %mul3A_102 : i32
      %add3A = arith.constant 0 : i32
      %add3A_104 = arith.addi %add3A, %mul3A_103 : i32
      %add3A_105 = arith.constant 0 : i32
      %add3A_106 = arith.addi %add3A_104, %add3A_105 : i32
      %mul3A_107 = arith.constant 80 : i32
      %mul3A_108 = arith.muli %add3A_106, %mul3A_107 : i32
      %dma_wait3A_109 = tpu.memref_slice %arg6[%mul3A_108] : memref<20000xi32, #tpu.memory_space<vmem>> -> memref<80xi32, #tpu.memory_space<vmem>>
      %dma_wait3A_110 = arith.constant 0 : i32
      %dma_wait3A_111 = arith.constant 0 : i32
      %dma_wait3A_112 = tpu.memref_slice %arg4[%dma_wait3A_110, %dma_wait3A_111] : memref<20480x64xf32, #tpu.memory_space<hbm>> -> memref<20480x64xf32, #tpu.memory_space<hbm>>
      tpu.wait_indirect_dma semaphore(%arg17 : memref<!tpu.dma_semaphore, #tpu.memory_space<semaphore_mem>>) src(%dma_wait3A_112 : memref<20480x64xf32, #tpu.memory_space<hbm>>) dst(%arg8 : memref<80x64xf32, #tpu.memory_space<vmem>>)
      %add3A_113 = arith.constant 0 : i32
      %add3A_114 = arith.addi %add3A_104, %add3A_113 : i32
      %dma_start3A_115 = arith.constant 0 : i32
      %dma_start3A_116 = tpu.memref_slice %arg7[%add3A_114, %dma_start3A_115] : memref<250x80xi32, #tpu.memory_space<vmem>> -> memref<1x80xi32, #tpu.memory_space<vmem>>
      %dma_start3A_117 = tpu.memref_squeeze %dma_start3A_116 : memref<1x80xi32, #tpu.memory_space<vmem>> -> memref<80xi32, #tpu.memory_space<vmem>>
      %dma_start3A_118 = arith.constant 0 : i32
      %dma_start3A_119 = arith.constant 0 : i32
      %dma_start3A_120 = tpu.memref_slice %arg16[%dma_start3A_118, %dma_start3A_119] : memref<10240x64xf32, #tpu.memory_space<vmem_shared>> -> memref<10240x64xf32, #tpu.memory_space<vmem_shared>>
      tpu.enqueue_indirect_dma source(%arg8 : memref<80x64xf32, #tpu.memory_space<vmem>>) target(%dma_start3A_120 : memref<10240x64xf32, #tpu.memory_space<vmem_shared>>) offsets(%dma_start3A_117 : memref<80xi32, #tpu.memory_space<vmem>>) semaphore(%arg25 : memref<!tpu.dma_semaphore, #tpu.memory_space<semaphore_mem>>) {add = true}
      %add3A_121 = arith.constant 1 : i32
      %add3A_122 = arith.addi %add3A_104, %add3A_121 : i32
      %mul3A_123 = arith.constant 80 : i32
      %mul3A_124 = arith.muli %add3A_122, %mul3A_123 : i32
      %dma_wait3A_125 = tpu.memref_slice %arg6[%mul3A_124] : memref<20000xi32, #tpu.memory_space<vmem>> -> memref<80xi32, #tpu.memory_space<vmem>>
      %dma_wait3A_126 = arith.constant 0 : i32
      %dma_wait3A_127 = arith.constant 0 : i32
      %dma_wait3A_128 = tpu.memref_slice %arg4[%dma_wait3A_126, %dma_wait3A_127] : memref<20480x64xf32, #tpu.memory_space<hbm>> -> memref<20480x64xf32, #tpu.memory_space<hbm>>
      tpu.wait_indirect_dma semaphore(%arg18 : memref<!tpu.dma_semaphore, #tpu.memory_space<semaphore_mem>>) src(%dma_wait3A_128 : memref<20480x64xf32, #tpu.memory_space<hbm>>) dst(%arg9 : memref<80x64xf32, #tpu.memory_space<vmem>>)
      %add3A_129 = arith.constant 1 : i32
      %add3A_130 = arith.addi %add3A_104, %add3A_129 : i32
      %dma_start3A_131 = arith.constant 0 : i32
      %dma_start3A_132 = tpu.memref_slice %arg7[%add3A_130, %dma_start3A_131] : memref<250x80xi32, #tpu.memory_space<vmem>> -> memref<1x80xi32, #tpu.memory_space<vmem>>
      %dma_start3A_133 = tpu.memref_squeeze %dma_start3A_132 : memref<1x80xi32, #tpu.memory_space<vmem>> -> memref<80xi32, #tpu.memory_space<vmem>>
      %dma_start3A_134 = arith.constant 0 : i32
      %dma_start3A_135 = arith.constant 0 : i32
      %dma_start3A_136 = tpu.memref_slice %arg16[%dma_start3A_134, %dma_start3A_135] : memref<10240x64xf32, #tpu.memory_space<vmem_shared>> -> memref<10240x64xf32, #tpu.memory_space<vmem_shared>>
      tpu.enqueue_indirect_dma source(%arg9 : memref<80x64xf32, #tpu.memory_space<vmem>>) target(%dma_start3A_136 : memref<10240x64xf32, #tpu.memory_space<vmem_shared>>) offsets(%dma_start3A_133 : memref<80xi32, #tpu.memory_space<vmem>>) semaphore(%arg26 : memref<!tpu.dma_semaphore, #tpu.memory_space<semaphore_mem>>) {add = true}
      %add3A_137 = arith.constant 2 : i32
      %add3A_138 = arith.addi %add3A_104, %add3A_137 : i32
      %mul3A_139 = arith.constant 80 : i32
      %mul3A_140 = arith.muli %add3A_138, %mul3A_139 : i32
      %dma_wait3A_141 = tpu.memref_slice %arg6[%mul3A_140] : memref<20000xi32, #tpu.memory_space<vmem>> -> memref<80xi32, #tpu.memory_space<vmem>>
      %dma_wait3A_142 = arith.constant 0 : i32
      %dma_wait3A_143 = arith.constant 0 : i32
      %dma_wait3A_144 = tpu.memref_slice %arg4[%dma_wait3A_142, %dma_wait3A_143] : memref<20480x64xf32, #tpu.memory_space<hbm>> -> memref<20480x64xf32, #tpu.memory_space<hbm>>
      tpu.wait_indirect_dma semaphore(%arg19 : memref<!tpu.dma_semaphore, #tpu.memory_space<semaphore_mem>>) src(%dma_wait3A_144 : memref<20480x64xf32, #tpu.memory_space<hbm>>) dst(%arg10 : memref<80x64xf32, #tpu.memory_space<vmem>>)
      %add3A_145 = arith.constant 2 : i32
      %add3A_146 = arith.addi %add3A_104, %add3A_145 : i32
      %dma_start3A_147 = arith.constant 0 : i32
      %dma_start3A_148 = tpu.memref_slice %arg7[%add3A_146, %dma_start3A_147] : memref<250x80xi32, #tpu.memory_space<vmem>> -> memref<1x80xi32, #tpu.memory_space<vmem>>
      %dma_start3A_149 = tpu.memref_squeeze %dma_start3A_148 : memref<1x80xi32, #tpu.memory_space<vmem>> -> memref<80xi32, #tpu.memory_space<vmem>>
      %dma_start3A_150 = arith.constant 0 : i32
      %dma_start3A_151 = arith.constant 0 : i32
      %dma_start3A_152 = tpu.memref_slice %arg16[%dma_start3A_150, %dma_start3A_151] : memref<10240x64xf32, #tpu.memory_space<vmem_shared>> -> memref<10240x64xf32, #tpu.memory_space<vmem_shared>>
      tpu.enqueue_indirect_dma source(%arg10 : memref<80x64xf32, #tpu.memory_space<vmem>>) target(%dma_start3A_152 : memref<10240x64xf32, #tpu.memory_space<vmem_shared>>) offsets(%dma_start3A_149 : memref<80xi32, #tpu.memory_space<vmem>>) semaphore(%arg27 : memref<!tpu.dma_semaphore, #tpu.memory_space<semaphore_mem>>) {add = true}
      %add3A_153 = arith.constant 3 : i32
      %add3A_154 = arith.addi %add3A_104, %add3A_153 : i32
      %mul3A_155 = arith.constant 80 : i32
      %mul3A_156 = arith.muli %add3A_154, %mul3A_155 : i32
      %dma_wait3A_157 = tpu.memref_slice %arg6[%mul3A_156] : memref<20000xi32, #tpu.memory_space<vmem>> -> memref<80xi32, #tpu.memory_space<vmem>>
      %dma_wait3A_158 = arith.constant 0 : i32
      %dma_wait3A_159 = arith.constant 0 : i32
      %dma_wait3A_160 = tpu.memref_slice %arg4[%dma_wait3A_158, %dma_wait3A_159] : memref<20480x64xf32, #tpu.memory_space<hbm>> -> memref<20480x64xf32, #tpu.memory_space<hbm>>
      tpu.wait_indirect_dma semaphore(%arg20 : memref<!tpu.dma_semaphore, #tpu.memory_space<semaphore_mem>>) src(%dma_wait3A_160 : memref<20480x64xf32, #tpu.memory_space<hbm>>) dst(%arg11 : memref<80x64xf32, #tpu.memory_space<vmem>>)
      %add3A_161 = arith.constant 3 : i32
      %add3A_162 = arith.addi %add3A_104, %add3A_161 : i32
      %dma_start3A_163 = arith.constant 0 : i32
      %dma_start3A_164 = tpu.memref_slice %arg7[%add3A_162, %dma_start3A_163] : memref<250x80xi32, #tpu.memory_space<vmem>> -> memref<1x80xi32, #tpu.memory_space<vmem>>
      %dma_start3A_165 = tpu.memref_squeeze %dma_start3A_164 : memref<1x80xi32, #tpu.memory_space<vmem>> -> memref<80xi32, #tpu.memory_space<vmem>>
      %dma_start3A_166 = arith.constant 0 : i32
      %dma_start3A_167 = arith.constant 0 : i32
      %dma_start3A_168 = tpu.memref_slice %arg16[%dma_start3A_166, %dma_start3A_167] : memref<10240x64xf32, #tpu.memory_space<vmem_shared>> -> memref<10240x64xf32, #tpu.memory_space<vmem_shared>>
      tpu.enqueue_indirect_dma source(%arg11 : memref<80x64xf32, #tpu.memory_space<vmem>>) target(%dma_start3A_168 : memref<10240x64xf32, #tpu.memory_space<vmem_shared>>) offsets(%dma_start3A_165 : memref<80xi32, #tpu.memory_space<vmem>>) semaphore(%arg28 : memref<!tpu.dma_semaphore, #tpu.memory_space<semaphore_mem>>) {add = true}
      %add3A_169 = arith.constant 4 : i32
      %add3A_170 = arith.addi %add3A_104, %add3A_169 : i32
      %mul3A_171 = arith.constant 80 : i32
      %mul3A_172 = arith.muli %add3A_170, %mul3A_171 : i32
      %dma_wait3A_173 = tpu.memref_slice %arg6[%mul3A_172] : memref<20000xi32, #tpu.memory_space<vmem>> -> memref<80xi32, #tpu.memory_space<vmem>>
      %dma_wait3A_174 = arith.constant 0 : i32
      %dma_wait3A_175 = arith.constant 0 : i32
      %dma_wait3A_176 = tpu.memref_slice %arg4[%dma_wait3A_174, %dma_wait3A_175] : memref<20480x64xf32, #tpu.memory_space<hbm>> -> memref<20480x64xf32, #tpu.memory_space<hbm>>
      tpu.wait_indirect_dma semaphore(%arg21 : memref<!tpu.dma_semaphore, #tpu.memory_space<semaphore_mem>>) src(%dma_wait3A_176 : memref<20480x64xf32, #tpu.memory_space<hbm>>) dst(%arg12 : memref<80x64xf32, #tpu.memory_space<vmem>>)
      %add3A_177 = arith.constant 4 : i32
      %add3A_178 = arith.addi %add3A_104, %add3A_177 : i32
      %dma_start3A_179 = arith.constant 0 : i32
      %dma_start3A_180 = tpu.memref_slice %arg7[%add3A_178, %dma_start3A_179] : memref<250x80xi32, #tpu.memory_space<vmem>> -> memref<1x80xi32, #tpu.memory_space<vmem>>
      %dma_start3A_181 = tpu.memref_squeeze %dma_start3A_180 : memref<1x80xi32, #tpu.memory_space<vmem>> -> memref<80xi32, #tpu.memory_space<vmem>>
      %dma_start3A_182 = arith.constant 0 : i32
      %dma_start3A_183 = arith.constant 0 : i32
      %dma_start3A_184 = tpu.memref_slice %arg16[%dma_start3A_182, %dma_start3A_183] : memref<10240x64xf32, #tpu.memory_space<vmem_shared>> -> memref<10240x64xf32, #tpu.memory_space<vmem_shared>>
      tpu.enqueue_indirect_dma source(%arg12 : memref<80x64xf32, #tpu.memory_space<vmem>>) target(%dma_start3A_184 : memref<10240x64xf32, #tpu.memory_space<vmem_shared>>) offsets(%dma_start3A_181 : memref<80xi32, #tpu.memory_space<vmem>>) semaphore(%arg29 : memref<!tpu.dma_semaphore, #tpu.memory_space<semaphore_mem>>) {add = true}
      %add3A_185 = arith.constant 5 : i32
      %add3A_186 = arith.addi %add3A_104, %add3A_185 : i32
      %mul3A_187 = arith.constant 80 : i32
      %mul3A_188 = arith.muli %add3A_186, %mul3A_187 : i32
      %dma_wait3A_189 = tpu.memref_slice %arg6[%mul3A_188] : memref<20000xi32, #tpu.memory_space<vmem>> -> memref<80xi32, #tpu.memory_space<vmem>>
      %dma_wait3A_190 = arith.constant 0 : i32
      %dma_wait3A_191 = arith.constant 0 : i32
      %dma_wait3A_192 = tpu.memref_slice %arg4[%dma_wait3A_190, %dma_wait3A_191] : memref<20480x64xf32, #tpu.memory_space<hbm>> -> memref<20480x64xf32, #tpu.memory_space<hbm>>
      tpu.wait_indirect_dma semaphore(%arg22 : memref<!tpu.dma_semaphore, #tpu.memory_space<semaphore_mem>>) src(%dma_wait3A_192 : memref<20480x64xf32, #tpu.memory_space<hbm>>) dst(%arg13 : memref<80x64xf32, #tpu.memory_space<vmem>>)
      %add3A_193 = arith.constant 5 : i32
      %add3A_194 = arith.addi %add3A_104, %add3A_193 : i32
      %dma_start3A_195 = arith.constant 0 : i32
      %dma_start3A_196 = tpu.memref_slice %arg7[%add3A_194, %dma_start3A_195] : memref<250x80xi32, #tpu.memory_space<vmem>> -> memref<1x80xi32, #tpu.memory_space<vmem>>
      %dma_start3A_197 = tpu.memref_squeeze %dma_start3A_196 : memref<1x80xi32, #tpu.memory_space<vmem>> -> memref<80xi32, #tpu.memory_space<vmem>>
      %dma_start3A_198 = arith.constant 0 : i32
      %dma_start3A_199 = arith.constant 0 : i32
      %dma_start3A_200 = tpu.memref_slice %arg16[%dma_start3A_198, %dma_start3A_199] : memref<10240x64xf32, #tpu.memory_space<vmem_shared>> -> memref<10240x64xf32, #tpu.memory_space<vmem_shared>>
      tpu.enqueue_indirect_dma source(%arg13 : memref<80x64xf32, #tpu.memory_space<vmem>>) target(%dma_start3A_200 : memref<10240x64xf32, #tpu.memory_space<vmem_shared>>) offsets(%dma_start3A_197 : memref<80xi32, #tpu.memory_space<vmem>>) semaphore(%arg30 : memref<!tpu.dma_semaphore, #tpu.memory_space<semaphore_mem>>) {add = true}
      %add3A_201 = arith.constant 6 : i32
      %add3A_202 = arith.addi %add3A_104, %add3A_201 : i32
      %mul3A_203 = arith.constant 80 : i32
      %mul3A_204 = arith.muli %add3A_202, %mul3A_203 : i32
      %dma_wait3A_205 = tpu.memref_slice %arg6[%mul3A_204] : memref<20000xi32, #tpu.memory_space<vmem>> -> memref<80xi32, #tpu.memory_space<vmem>>
      %dma_wait3A_206 = arith.constant 0 : i32
      %dma_wait3A_207 = arith.constant 0 : i32
      %dma_wait3A_208 = tpu.memref_slice %arg4[%dma_wait3A_206, %dma_wait3A_207] : memref<20480x64xf32, #tpu.memory_space<hbm>> -> memref<20480x64xf32, #tpu.memory_space<hbm>>
      tpu.wait_indirect_dma semaphore(%arg23 : memref<!tpu.dma_semaphore, #tpu.memory_space<semaphore_mem>>) src(%dma_wait3A_208 : memref<20480x64xf32, #tpu.memory_space<hbm>>) dst(%arg14 : memref<80x64xf32, #tpu.memory_space<vmem>>)
      %add3A_209 = arith.constant 6 : i32
      %add3A_210 = arith.addi %add3A_104, %add3A_209 : i32
      %dma_start3A_211 = arith.constant 0 : i32
      %dma_start3A_212 = tpu.memref_slice %arg7[%add3A_210, %dma_start3A_211] : memref<250x80xi32, #tpu.memory_space<vmem>> -> memref<1x80xi32, #tpu.memory_space<vmem>>
      %dma_start3A_213 = tpu.memref_squeeze %dma_start3A_212 : memref<1x80xi32, #tpu.memory_space<vmem>> -> memref<80xi32, #tpu.memory_space<vmem>>
      %dma_start3A_214 = arith.constant 0 : i32
      %dma_start3A_215 = arith.constant 0 : i32
      %dma_start3A_216 = tpu.memref_slice %arg16[%dma_start3A_214, %dma_start3A_215] : memref<10240x64xf32, #tpu.memory_space<vmem_shared>> -> memref<10240x64xf32, #tpu.memory_space<vmem_shared>>
      tpu.enqueue_indirect_dma source(%arg14 : memref<80x64xf32, #tpu.memory_space<vmem>>) target(%dma_start3A_216 : memref<10240x64xf32, #tpu.memory_space<vmem_shared>>) offsets(%dma_start3A_213 : memref<80xi32, #tpu.memory_space<vmem>>) semaphore(%arg31 : memref<!tpu.dma_semaphore, #tpu.memory_space<semaphore_mem>>) {add = true}
      %add3A_217 = arith.constant 7 : i32
      %add3A_218 = arith.addi %add3A_104, %add3A_217 : i32
      %mul3A_219 = arith.constant 80 : i32
      %mul3A_220 = arith.muli %add3A_218, %mul3A_219 : i32
      %dma_wait3A_221 = tpu.memref_slice %arg6[%mul3A_220] : memref<20000xi32, #tpu.memory_space<vmem>> -> memref<80xi32, #tpu.memory_space<vmem>>
      %dma_wait3A_222 = arith.constant 0 : i32
      %dma_wait3A_223 = arith.constant 0 : i32
      %dma_wait3A_224 = tpu.memref_slice %arg4[%dma_wait3A_222, %dma_wait3A_223] : memref<20480x64xf32, #tpu.memory_space<hbm>> -> memref<20480x64xf32, #tpu.memory_space<hbm>>
      tpu.wait_indirect_dma semaphore(%arg24 : memref<!tpu.dma_semaphore, #tpu.memory_space<semaphore_mem>>) src(%dma_wait3A_224 : memref<20480x64xf32, #tpu.memory_space<hbm>>) dst(%arg15 : memref<80x64xf32, #tpu.memory_space<vmem>>)
      %add3A_225 = arith.constant 7 : i32
      %add3A_226 = arith.addi %add3A_104, %add3A_225 : i32
      %dma_start3A_227 = arith.constant 0 : i32
      %dma_start3A_228 = tpu.memref_slice %arg7[%add3A_226, %dma_start3A_227] : memref<250x80xi32, #tpu.memory_space<vmem>> -> memref<1x80xi32, #tpu.memory_space<vmem>>
      %dma_start3A_229 = tpu.memref_squeeze %dma_start3A_228 : memref<1x80xi32, #tpu.memory_space<vmem>> -> memref<80xi32, #tpu.memory_space<vmem>>
      %dma_start3A_230 = arith.constant 0 : i32
      %dma_start3A_231 = arith.constant 0 : i32
      %dma_start3A_232 = tpu.memref_slice %arg16[%dma_start3A_230, %dma_start3A_231] : memref<10240x64xf32, #tpu.memory_space<vmem_shared>> -> memref<10240x64xf32, #tpu.memory_space<vmem_shared>>
      tpu.enqueue_indirect_dma source(%arg15 : memref<80x64xf32, #tpu.memory_space<vmem>>) target(%dma_start3A_232 : memref<10240x64xf32, #tpu.memory_space<vmem_shared>>) offsets(%dma_start3A_229 : memref<80xi32, #tpu.memory_space<vmem>>) semaphore(%arg32 : memref<!tpu.dma_semaphore, #tpu.memory_space<semaphore_mem>>) {add = true}
      %add3A_233 = arith.constant 0 : i32
      %add3A_234 = arith.addi %add3A_104, %add3A_233 : i32
      %dma_wait3A_235 = arith.constant 0 : i32
      %dma_wait3A_236 = tpu.memref_slice %arg7[%add3A_234, %dma_wait3A_235] : memref<250x80xi32, #tpu.memory_space<vmem>> -> memref<1x80xi32, #tpu.memory_space<vmem>>
      %dma_wait3A_237 = tpu.memref_squeeze %dma_wait3A_236 : memref<1x80xi32, #tpu.memory_space<vmem>> -> memref<80xi32, #tpu.memory_space<vmem>>
      %dma_wait3A_238 = arith.constant 0 : i32
      %dma_wait3A_239 = arith.constant 0 : i32
      %dma_wait3A_240 = tpu.memref_slice %arg16[%dma_wait3A_238, %dma_wait3A_239] : memref<10240x64xf32, #tpu.memory_space<vmem_shared>> -> memref<10240x64xf32, #tpu.memory_space<vmem_shared>>
      tpu.wait_indirect_dma semaphore(%arg25 : memref<!tpu.dma_semaphore, #tpu.memory_space<semaphore_mem>>) src(%arg8 : memref<80x64xf32, #tpu.memory_space<vmem>>) dst(%dma_wait3A_240 : memref<10240x64xf32, #tpu.memory_space<vmem_shared>>)
      %add3A_241 = arith.constant 8 : i32
      %add3A_242 = arith.addi %add3A_104, %add3A_241 : i32
      %add3A_243 = arith.constant 0 : i32
      %add3A_244 = arith.addi %add3A_242, %add3A_243 : i32
      %lt3A = arith.constant 250 : i32
      %lt3A_245 = arith.cmpi slt, %add3A_244, %lt3A : i32
      %convert_element_type3A = arith.extui %lt3A_245 : i1 to i32
      %cond3A = arith.constant 0 : i32
      %cond3A_246 = arith.cmpi ne, %convert_element_type3A, %cond3A : i32
      scf.if %cond3A_246 {
        %add3A_366 = arith.constant 8 : i32
        %add3A_367 = arith.addi %add3A_104, %add3A_366 : i32
        %add3A_368 = arith.constant 0 : i32
        %add3A_369 = arith.addi %add3A_367, %add3A_368 : i32
        %mul3A_370 = arith.constant 80 : i32
        %mul3A_371 = arith.muli %add3A_369, %mul3A_370 : i32
        %dma_start3A_372 = tpu.memref_slice %arg6[%mul3A_371] : memref<20000xi32, #tpu.memory_space<vmem>> -> memref<80xi32, #tpu.memory_space<vmem>>
        %dma_start3A_373 = arith.constant 0 : i32
        %dma_start3A_374 = arith.constant 0 : i32
        %dma_start3A_375 = tpu.memref_slice %arg4[%dma_start3A_373, %dma_start3A_374] : memref<20480x64xf32, #tpu.memory_space<hbm>> -> memref<20480x64xf32, #tpu.memory_space<hbm>>
        tpu.enqueue_indirect_dma source(%dma_start3A_375 : memref<20480x64xf32, #tpu.memory_space<hbm>>) target(%arg8 : memref<80x64xf32, #tpu.memory_space<vmem>>) offsets(%dma_start3A_372 : memref<80xi32, #tpu.memory_space<vmem>>) semaphore(%arg17 : memref<!tpu.dma_semaphore, #tpu.memory_space<semaphore_mem>>)
      } else {
      }
      %add3A_247 = arith.constant 1 : i32
      %add3A_248 = arith.addi %add3A_104, %add3A_247 : i32
      %dma_wait3A_249 = arith.constant 0 : i32
      %dma_wait3A_250 = tpu.memref_slice %arg7[%add3A_248, %dma_wait3A_249] : memref<250x80xi32, #tpu.memory_space<vmem>> -> memref<1x80xi32, #tpu.memory_space<vmem>>
      %dma_wait3A_251 = tpu.memref_squeeze %dma_wait3A_250 : memref<1x80xi32, #tpu.memory_space<vmem>> -> memref<80xi32, #tpu.memory_space<vmem>>
      %dma_wait3A_252 = arith.constant 0 : i32
      %dma_wait3A_253 = arith.constant 0 : i32
      %dma_wait3A_254 = tpu.memref_slice %arg16[%dma_wait3A_252, %dma_wait3A_253] : memref<10240x64xf32, #tpu.memory_space<vmem_shared>> -> memref<10240x64xf32, #tpu.memory_space<vmem_shared>>
      tpu.wait_indirect_dma semaphore(%arg26 : memref<!tpu.dma_semaphore, #tpu.memory_space<semaphore_mem>>) src(%arg9 : memref<80x64xf32, #tpu.memory_space<vmem>>) dst(%dma_wait3A_254 : memref<10240x64xf32, #tpu.memory_space<vmem_shared>>)
      %add3A_255 = arith.constant 8 : i32
      %add3A_256 = arith.addi %add3A_104, %add3A_255 : i32
      %add3A_257 = arith.constant 1 : i32
      %add3A_258 = arith.addi %add3A_256, %add3A_257 : i32
      %lt3A_259 = arith.constant 250 : i32
      %lt3A_260 = arith.cmpi slt, %add3A_258, %lt3A_259 : i32
      %convert_element_type3A_261 = arith.extui %lt3A_260 : i1 to i32
      %cond3A_262 = arith.constant 0 : i32
      %cond3A_263 = arith.cmpi ne, %convert_element_type3A_261, %cond3A_262 : i32
      scf.if %cond3A_263 {
        %add3A_366 = arith.constant 8 : i32
        %add3A_367 = arith.addi %add3A_104, %add3A_366 : i32
        %add3A_368 = arith.constant 1 : i32
        %add3A_369 = arith.addi %add3A_367, %add3A_368 : i32
        %mul3A_370 = arith.constant 80 : i32
        %mul3A_371 = arith.muli %add3A_369, %mul3A_370 : i32
        %dma_start3A_372 = tpu.memref_slice %arg6[%mul3A_371] : memref<20000xi32, #tpu.memory_space<vmem>> -> memref<80xi32, #tpu.memory_space<vmem>>
        %dma_start3A_373 = arith.constant 0 : i32
        %dma_start3A_374 = arith.constant 0 : i32
        %dma_start3A_375 = tpu.memref_slice %arg4[%dma_start3A_373, %dma_start3A_374] : memref<20480x64xf32, #tpu.memory_space<hbm>> -> memref<20480x64xf32, #tpu.memory_space<hbm>>
        tpu.enqueue_indirect_dma source(%dma_start3A_375 : memref<20480x64xf32, #tpu.memory_space<hbm>>) target(%arg9 : memref<80x64xf32, #tpu.memory_space<vmem>>) offsets(%dma_start3A_372 : memref<80xi32, #tpu.memory_space<vmem>>) semaphore(%arg18 : memref<!tpu.dma_semaphore, #tpu.memory_space<semaphore_mem>>)
      } else {
      }
      %add3A_264 = arith.constant 2 : i32
      %add3A_265 = arith.addi %add3A_104, %add3A_264 : i32
      %dma_wait3A_266 = arith.constant 0 : i32
      %dma_wait3A_267 = tpu.memref_slice %arg7[%add3A_265, %dma_wait3A_266] : memref<250x80xi32, #tpu.memory_space<vmem>> -> memref<1x80xi32, #tpu.memory_space<vmem>>
      %dma_wait3A_268 = tpu.memref_squeeze %dma_wait3A_267 : memref<1x80xi32, #tpu.memory_space<vmem>> -> memref<80xi32, #tpu.memory_space<vmem>>
      %dma_wait3A_269 = arith.constant 0 : i32
      %dma_wait3A_270 = arith.constant 0 : i32
      %dma_wait3A_271 = tpu.memref_slice %arg16[%dma_wait3A_269, %dma_wait3A_270] : memref<10240x64xf32, #tpu.memory_space<vmem_shared>> -> memref<10240x64xf32, #tpu.memory_space<vmem_shared>>
      tpu.wait_indirect_dma semaphore(%arg27 : memref<!tpu.dma_semaphore, #tpu.memory_space<semaphore_mem>>) src(%arg10 : memref<80x64xf32, #tpu.memory_space<vmem>>) dst(%dma_wait3A_271 : memref<10240x64xf32, #tpu.memory_space<vmem_shared>>)
      %add3A_272 = arith.constant 8 : i32
      %add3A_273 = arith.addi %add3A_104, %add3A_272 : i32
      %add3A_274 = arith.constant 2 : i32
      %add3A_275 = arith.addi %add3A_273, %add3A_274 : i32
      %lt3A_276 = arith.constant 250 : i32
      %lt3A_277 = arith.cmpi slt, %add3A_275, %lt3A_276 : i32
      %convert_element_type3A_278 = arith.extui %lt3A_277 : i1 to i32
      %cond3A_279 = arith.constant 0 : i32
      %cond3A_280 = arith.cmpi ne, %convert_element_type3A_278, %cond3A_279 : i32
      scf.if %cond3A_280 {
        %add3A_366 = arith.constant 8 : i32
        %add3A_367 = arith.addi %add3A_104, %add3A_366 : i32
        %add3A_368 = arith.constant 2 : i32
        %add3A_369 = arith.addi %add3A_367, %add3A_368 : i32
        %mul3A_370 = arith.constant 80 : i32
        %mul3A_371 = arith.muli %add3A_369, %mul3A_370 : i32
        %dma_start3A_372 = tpu.memref_slice %arg6[%mul3A_371] : memref<20000xi32, #tpu.memory_space<vmem>> -> memref<80xi32, #tpu.memory_space<vmem>>
        %dma_start3A_373 = arith.constant 0 : i32
        %dma_start3A_374 = arith.constant 0 : i32
        %dma_start3A_375 = tpu.memref_slice %arg4[%dma_start3A_373, %dma_start3A_374] : memref<20480x64xf32, #tpu.memory_space<hbm>> -> memref<20480x64xf32, #tpu.memory_space<hbm>>
        tpu.enqueue_indirect_dma source(%dma_start3A_375 : memref<20480x64xf32, #tpu.memory_space<hbm>>) target(%arg10 : memref<80x64xf32, #tpu.memory_space<vmem>>) offsets(%dma_start3A_372 : memref<80xi32, #tpu.memory_space<vmem>>) semaphore(%arg19 : memref<!tpu.dma_semaphore, #tpu.memory_space<semaphore_mem>>)
      } else {
      }
      %add3A_281 = arith.constant 3 : i32
      %add3A_282 = arith.addi %add3A_104, %add3A_281 : i32
      %dma_wait3A_283 = arith.constant 0 : i32
      %dma_wait3A_284 = tpu.memref_slice %arg7[%add3A_282, %dma_wait3A_283] : memref<250x80xi32, #tpu.memory_space<vmem>> -> memref<1x80xi32, #tpu.memory_space<vmem>>
      %dma_wait3A_285 = tpu.memref_squeeze %dma_wait3A_284 : memref<1x80xi32, #tpu.memory_space<vmem>> -> memref<80xi32, #tpu.memory_space<vmem>>
      %dma_wait3A_286 = arith.constant 0 : i32
      %dma_wait3A_287 = arith.constant 0 : i32
      %dma_wait3A_288 = tpu.memref_slice %arg16[%dma_wait3A_286, %dma_wait3A_287] : memref<10240x64xf32, #tpu.memory_space<vmem_shared>> -> memref<10240x64xf32, #tpu.memory_space<vmem_shared>>
      tpu.wait_indirect_dma semaphore(%arg28 : memref<!tpu.dma_semaphore, #tpu.memory_space<semaphore_mem>>) src(%arg11 : memref<80x64xf32, #tpu.memory_space<vmem>>) dst(%dma_wait3A_288 : memref<10240x64xf32, #tpu.memory_space<vmem_shared>>)
      %add3A_289 = arith.constant 8 : i32
      %add3A_290 = arith.addi %add3A_104, %add3A_289 : i32
      %add3A_291 = arith.constant 3 : i32
      %add3A_292 = arith.addi %add3A_290, %add3A_291 : i32
      %lt3A_293 = arith.constant 250 : i32
      %lt3A_294 = arith.cmpi slt, %add3A_292, %lt3A_293 : i32
      %convert_element_type3A_295 = arith.extui %lt3A_294 : i1 to i32
      %cond3A_296 = arith.constant 0 : i32
      %cond3A_297 = arith.cmpi ne, %convert_element_type3A_295, %cond3A_296 : i32
      scf.if %cond3A_297 {
        %add3A_366 = arith.constant 8 : i32
        %add3A_367 = arith.addi %add3A_104, %add3A_366 : i32
        %add3A_368 = arith.constant 3 : i32
        %add3A_369 = arith.addi %add3A_367, %add3A_368 : i32
        %mul3A_370 = arith.constant 80 : i32
        %mul3A_371 = arith.muli %add3A_369, %mul3A_370 : i32
        %dma_start3A_372 = tpu.memref_slice %arg6[%mul3A_371] : memref<20000xi32, #tpu.memory_space<vmem>> -> memref<80xi32, #tpu.memory_space<vmem>>
        %dma_start3A_373 = arith.constant 0 : i32
        %dma_start3A_374 = arith.constant 0 : i32
        %dma_start3A_375 = tpu.memref_slice %arg4[%dma_start3A_373, %dma_start3A_374] : memref<20480x64xf32, #tpu.memory_space<hbm>> -> memref<20480x64xf32, #tpu.memory_space<hbm>>
        tpu.enqueue_indirect_dma source(%dma_start3A_375 : memref<20480x64xf32, #tpu.memory_space<hbm>>) target(%arg11 : memref<80x64xf32, #tpu.memory_space<vmem>>) offsets(%dma_start3A_372 : memref<80xi32, #tpu.memory_space<vmem>>) semaphore(%arg20 : memref<!tpu.dma_semaphore, #tpu.memory_space<semaphore_mem>>)
      } else {
      }
      %add3A_298 = arith.constant 4 : i32
      %add3A_299 = arith.addi %add3A_104, %add3A_298 : i32
      %dma_wait3A_300 = arith.constant 0 : i32
      %dma_wait3A_301 = tpu.memref_slice %arg7[%add3A_299, %dma_wait3A_300] : memref<250x80xi32, #tpu.memory_space<vmem>> -> memref<1x80xi32, #tpu.memory_space<vmem>>
      %dma_wait3A_302 = tpu.memref_squeeze %dma_wait3A_301 : memref<1x80xi32, #tpu.memory_space<vmem>> -> memref<80xi32, #tpu.memory_space<vmem>>
      %dma_wait3A_303 = arith.constant 0 : i32
      %dma_wait3A_304 = arith.constant 0 : i32
      %dma_wait3A_305 = tpu.memref_slice %arg16[%dma_wait3A_303, %dma_wait3A_304] : memref<10240x64xf32, #tpu.memory_space<vmem_shared>> -> memref<10240x64xf32, #tpu.memory_space<vmem_shared>>
      tpu.wait_indirect_dma semaphore(%arg29 : memref<!tpu.dma_semaphore, #tpu.memory_space<semaphore_mem>>) src(%arg12 : memref<80x64xf32, #tpu.memory_space<vmem>>) dst(%dma_wait3A_305 : memref<10240x64xf32, #tpu.memory_space<vmem_shared>>)
      %add3A_306 = arith.constant 8 : i32
      %add3A_307 = arith.addi %add3A_104, %add3A_306 : i32
      %add3A_308 = arith.constant 4 : i32
      %add3A_309 = arith.addi %add3A_307, %add3A_308 : i32
      %lt3A_310 = arith.constant 250 : i32
      %lt3A_311 = arith.cmpi slt, %add3A_309, %lt3A_310 : i32
      %convert_element_type3A_312 = arith.extui %lt3A_311 : i1 to i32
      %cond3A_313 = arith.constant 0 : i32
      %cond3A_314 = arith.cmpi ne, %convert_element_type3A_312, %cond3A_313 : i32
      scf.if %cond3A_314 {
        %add3A_366 = arith.constant 8 : i32
        %add3A_367 = arith.addi %add3A_104, %add3A_366 : i32
        %add3A_368 = arith.constant 4 : i32
        %add3A_369 = arith.addi %add3A_367, %add3A_368 : i32
        %mul3A_370 = arith.constant 80 : i32
        %mul3A_371 = arith.muli %add3A_369, %mul3A_370 : i32
        %dma_start3A_372 = tpu.memref_slice %arg6[%mul3A_371] : memref<20000xi32, #tpu.memory_space<vmem>> -> memref<80xi32, #tpu.memory_space<vmem>>
        %dma_start3A_373 = arith.constant 0 : i32
        %dma_start3A_374 = arith.constant 0 : i32
        %dma_start3A_375 = tpu.memref_slice %arg4[%dma_start3A_373, %dma_start3A_374] : memref<20480x64xf32, #tpu.memory_space<hbm>> -> memref<20480x64xf32, #tpu.memory_space<hbm>>
        tpu.enqueue_indirect_dma source(%dma_start3A_375 : memref<20480x64xf32, #tpu.memory_space<hbm>>) target(%arg12 : memref<80x64xf32, #tpu.memory_space<vmem>>) offsets(%dma_start3A_372 : memref<80xi32, #tpu.memory_space<vmem>>) semaphore(%arg21 : memref<!tpu.dma_semaphore, #tpu.memory_space<semaphore_mem>>)
      } else {
      }
      %add3A_315 = arith.constant 5 : i32
      %add3A_316 = arith.addi %add3A_104, %add3A_315 : i32
      %dma_wait3A_317 = arith.constant 0 : i32
      %dma_wait3A_318 = tpu.memref_slice %arg7[%add3A_316, %dma_wait3A_317] : memref<250x80xi32, #tpu.memory_space<vmem>> -> memref<1x80xi32, #tpu.memory_space<vmem>>
      %dma_wait3A_319 = tpu.memref_squeeze %dma_wait3A_318 : memref<1x80xi32, #tpu.memory_space<vmem>> -> memref<80xi32, #tpu.memory_space<vmem>>
      %dma_wait3A_320 = arith.constant 0 : i32
      %dma_wait3A_321 = arith.constant 0 : i32
      %dma_wait3A_322 = tpu.memref_slice %arg16[%dma_wait3A_320, %dma_wait3A_321] : memref<10240x64xf32, #tpu.memory_space<vmem_shared>> -> memref<10240x64xf32, #tpu.memory_space<vmem_shared>>
      tpu.wait_indirect_dma semaphore(%arg30 : memref<!tpu.dma_semaphore, #tpu.memory_space<semaphore_mem>>) src(%arg13 : memref<80x64xf32, #tpu.memory_space<vmem>>) dst(%dma_wait3A_322 : memref<10240x64xf32, #tpu.memory_space<vmem_shared>>)
      %add3A_323 = arith.constant 8 : i32
      %add3A_324 = arith.addi %add3A_104, %add3A_323 : i32
      %add3A_325 = arith.constant 5 : i32
      %add3A_326 = arith.addi %add3A_324, %add3A_325 : i32
      %lt3A_327 = arith.constant 250 : i32
      %lt3A_328 = arith.cmpi slt, %add3A_326, %lt3A_327 : i32
      %convert_element_type3A_329 = arith.extui %lt3A_328 : i1 to i32
      %cond3A_330 = arith.constant 0 : i32
      %cond3A_331 = arith.cmpi ne, %convert_element_type3A_329, %cond3A_330 : i32
      scf.if %cond3A_331 {
        %add3A_366 = arith.constant 8 : i32
        %add3A_367 = arith.addi %add3A_104, %add3A_366 : i32
        %add3A_368 = arith.constant 5 : i32
        %add3A_369 = arith.addi %add3A_367, %add3A_368 : i32
        %mul3A_370 = arith.constant 80 : i32
        %mul3A_371 = arith.muli %add3A_369, %mul3A_370 : i32
        %dma_start3A_372 = tpu.memref_slice %arg6[%mul3A_371] : memref<20000xi32, #tpu.memory_space<vmem>> -> memref<80xi32, #tpu.memory_space<vmem>>
        %dma_start3A_373 = arith.constant 0 : i32
        %dma_start3A_374 = arith.constant 0 : i32
        %dma_start3A_375 = tpu.memref_slice %arg4[%dma_start3A_373, %dma_start3A_374] : memref<20480x64xf32, #tpu.memory_space<hbm>> -> memref<20480x64xf32, #tpu.memory_space<hbm>>
        tpu.enqueue_indirect_dma source(%dma_start3A_375 : memref<20480x64xf32, #tpu.memory_space<hbm>>) target(%arg13 : memref<80x64xf32, #tpu.memory_space<vmem>>) offsets(%dma_start3A_372 : memref<80xi32, #tpu.memory_space<vmem>>) semaphore(%arg22 : memref<!tpu.dma_semaphore, #tpu.memory_space<semaphore_mem>>)
      } else {
      }
      %add3A_332 = arith.constant 6 : i32
      %add3A_333 = arith.addi %add3A_104, %add3A_332 : i32
      %dma_wait3A_334 = arith.constant 0 : i32
      %dma_wait3A_335 = tpu.memref_slice %arg7[%add3A_333, %dma_wait3A_334] : memref<250x80xi32, #tpu.memory_space<vmem>> -> memref<1x80xi32, #tpu.memory_space<vmem>>
      %dma_wait3A_336 = tpu.memref_squeeze %dma_wait3A_335 : memref<1x80xi32, #tpu.memory_space<vmem>> -> memref<80xi32, #tpu.memory_space<vmem>>
      %dma_wait3A_337 = arith.constant 0 : i32
      %dma_wait3A_338 = arith.constant 0 : i32
      %dma_wait3A_339 = tpu.memref_slice %arg16[%dma_wait3A_337, %dma_wait3A_338] : memref<10240x64xf32, #tpu.memory_space<vmem_shared>> -> memref<10240x64xf32, #tpu.memory_space<vmem_shared>>
      tpu.wait_indirect_dma semaphore(%arg31 : memref<!tpu.dma_semaphore, #tpu.memory_space<semaphore_mem>>) src(%arg14 : memref<80x64xf32, #tpu.memory_space<vmem>>) dst(%dma_wait3A_339 : memref<10240x64xf32, #tpu.memory_space<vmem_shared>>)
      %add3A_340 = arith.constant 8 : i32
      %add3A_341 = arith.addi %add3A_104, %add3A_340 : i32
      %add3A_342 = arith.constant 6 : i32
      %add3A_343 = arith.addi %add3A_341, %add3A_342 : i32
      %lt3A_344 = arith.constant 250 : i32
      %lt3A_345 = arith.cmpi slt, %add3A_343, %lt3A_344 : i32
      %convert_element_type3A_346 = arith.extui %lt3A_345 : i1 to i32
      %cond3A_347 = arith.constant 0 : i32
      %cond3A_348 = arith.cmpi ne, %convert_element_type3A_346, %cond3A_347 : i32
      scf.if %cond3A_348 {
        %add3A_366 = arith.constant 8 : i32
        %add3A_367 = arith.addi %add3A_104, %add3A_366 : i32
        %add3A_368 = arith.constant 6 : i32
        %add3A_369 = arith.addi %add3A_367, %add3A_368 : i32
        %mul3A_370 = arith.constant 80 : i32
        %mul3A_371 = arith.muli %add3A_369, %mul3A_370 : i32
        %dma_start3A_372 = tpu.memref_slice %arg6[%mul3A_371] : memref<20000xi32, #tpu.memory_space<vmem>> -> memref<80xi32, #tpu.memory_space<vmem>>
        %dma_start3A_373 = arith.constant 0 : i32
        %dma_start3A_374 = arith.constant 0 : i32
        %dma_start3A_375 = tpu.memref_slice %arg4[%dma_start3A_373, %dma_start3A_374] : memref<20480x64xf32, #tpu.memory_space<hbm>> -> memref<20480x64xf32, #tpu.memory_space<hbm>>
        tpu.enqueue_indirect_dma source(%dma_start3A_375 : memref<20480x64xf32, #tpu.memory_space<hbm>>) target(%arg14 : memref<80x64xf32, #tpu.memory_space<vmem>>) offsets(%dma_start3A_372 : memref<80xi32, #tpu.memory_space<vmem>>) semaphore(%arg23 : memref<!tpu.dma_semaphore, #tpu.memory_space<semaphore_mem>>)
      } else {
      }
      %add3A_349 = arith.constant 7 : i32
      %add3A_350 = arith.addi %add3A_104, %add3A_349 : i32
      %dma_wait3A_351 = arith.constant 0 : i32
      %dma_wait3A_352 = tpu.memref_slice %arg7[%add3A_350, %dma_wait3A_351] : memref<250x80xi32, #tpu.memory_space<vmem>> -> memref<1x80xi32, #tpu.memory_space<vmem>>
      %dma_wait3A_353 = tpu.memref_squeeze %dma_wait3A_352 : memref<1x80xi32, #tpu.memory_space<vmem>> -> memref<80xi32, #tpu.memory_space<vmem>>
      %dma_wait3A_354 = arith.constant 0 : i32
      %dma_wait3A_355 = arith.constant 0 : i32
      %dma_wait3A_356 = tpu.memref_slice %arg16[%dma_wait3A_354, %dma_wait3A_355] : memref<10240x64xf32, #tpu.memory_space<vmem_shared>> -> memref<10240x64xf32, #tpu.memory_space<vmem_shared>>
      tpu.wait_indirect_dma semaphore(%arg32 : memref<!tpu.dma_semaphore, #tpu.memory_space<semaphore_mem>>) src(%arg15 : memref<80x64xf32, #tpu.memory_space<vmem>>) dst(%dma_wait3A_356 : memref<10240x64xf32, #tpu.memory_space<vmem_shared>>)
      %add3A_357 = arith.constant 8 : i32
      %add3A_358 = arith.addi %add3A_104, %add3A_357 : i32
      %add3A_359 = arith.constant 7 : i32
      %add3A_360 = arith.addi %add3A_358, %add3A_359 : i32
      %lt3A_361 = arith.constant 250 : i32
      %lt3A_362 = arith.cmpi slt, %add3A_360, %lt3A_361 : i32
      %convert_element_type3A_363 = arith.extui %lt3A_362 : i1 to i32
      %cond3A_364 = arith.constant 0 : i32
      %cond3A_365 = arith.cmpi ne, %convert_element_type3A_363, %cond3A_364 : i32
      scf.if %cond3A_365 {
        %add3A_366 = arith.constant 8 : i32
        %add3A_367 = arith.addi %add3A_104, %add3A_366 : i32
        %add3A_368 = arith.constant 7 : i32
        %add3A_369 = arith.addi %add3A_367, %add3A_368 : i32
        %mul3A_370 = arith.constant 80 : i32
        %mul3A_371 = arith.muli %add3A_369, %mul3A_370 : i32
        %dma_start3A_372 = tpu.memref_slice %arg6[%mul3A_371] : memref<20000xi32, #tpu.memory_space<vmem>> -> memref<80xi32, #tpu.memory_space<vmem>>
        %dma_start3A_373 = arith.constant 0 : i32
        %dma_start3A_374 = arith.constant 0 : i32
        %dma_start3A_375 = tpu.memref_slice %arg4[%dma_start3A_373, %dma_start3A_374] : memref<20480x64xf32, #tpu.memory_space<hbm>> -> memref<20480x64xf32, #tpu.memory_space<hbm>>
        tpu.enqueue_indirect_dma source(%dma_start3A_375 : memref<20480x64xf32, #tpu.memory_space<hbm>>) target(%arg15 : memref<80x64xf32, #tpu.memory_space<vmem>>) offsets(%dma_start3A_372 : memref<80xi32, #tpu.memory_space<vmem>>) semaphore(%arg24 : memref<!tpu.dma_semaphore, #tpu.memory_space<semaphore_mem>>)
      } else {
      }
    }
    %scan3A_62 = arith.constant 31 : i32
    %dma_wait3A = arith.constant 19840 : i32
    %dma_wait3A_63 = tpu.memref_slice %arg6[%dma_wait3A] : memref<20000xi32, #tpu.memory_space<vmem>> -> memref<80xi32, #tpu.memory_space<vmem>>
    %dma_wait3A_64 = arith.constant 0 : i32
    %dma_wait3A_65 = arith.constant 0 : i32
    %dma_wait3A_66 = tpu.memref_slice %arg4[%dma_wait3A_64, %dma_wait3A_65] : memref<20480x64xf32, #tpu.memory_space<hbm>> -> memref<20480x64xf32, #tpu.memory_space<hbm>>
    tpu.wait_indirect_dma semaphore(%arg17 : memref<!tpu.dma_semaphore, #tpu.memory_space<semaphore_mem>>) src(%dma_wait3A_66 : memref<20480x64xf32, #tpu.memory_space<hbm>>) dst(%arg8 : memref<80x64xf32, #tpu.memory_space<vmem>>)
    %dma_start3A_67 = arith.constant 248 : i32
    %dma_start3A_68 = arith.constant 0 : i32
    %dma_start3A_69 = tpu.memref_slice %arg7[%dma_start3A_67, %dma_start3A_68] : memref<250x80xi32, #tpu.memory_space<vmem>> -> memref<1x80xi32, #tpu.memory_space<vmem>>
    %dma_start3A_70 = tpu.memref_squeeze %dma_start3A_69 : memref<1x80xi32, #tpu.memory_space<vmem>> -> memref<80xi32, #tpu.memory_space<vmem>>
    %dma_start3A_71 = arith.constant 0 : i32
    %dma_start3A_72 = arith.constant 0 : i32
    %dma_start3A_73 = tpu.memref_slice %arg16[%dma_start3A_71, %dma_start3A_72] : memref<10240x64xf32, #tpu.memory_space<vmem_shared>> -> memref<10240x64xf32, #tpu.memory_space<vmem_shared>>
    tpu.enqueue_indirect_dma source(%arg8 : memref<80x64xf32, #tpu.memory_space<vmem>>) target(%dma_start3A_73 : memref<10240x64xf32, #tpu.memory_space<vmem_shared>>) offsets(%dma_start3A_70 : memref<80xi32, #tpu.memory_space<vmem>>) semaphore(%arg25 : memref<!tpu.dma_semaphore, #tpu.memory_space<semaphore_mem>>) {add = true}
    %dma_wait3A_74 = arith.constant 19920 : i32
    %dma_wait3A_75 = tpu.memref_slice %arg6[%dma_wait3A_74] : memref<20000xi32, #tpu.memory_space<vmem>> -> memref<80xi32, #tpu.memory_space<vmem>>
    %dma_wait3A_76 = arith.constant 0 : i32
    %dma_wait3A_77 = arith.constant 0 : i32
    %dma_wait3A_78 = tpu.memref_slice %arg4[%dma_wait3A_76, %dma_wait3A_77] : memref<20480x64xf32, #tpu.memory_space<hbm>> -> memref<20480x64xf32, #tpu.memory_space<hbm>>
    tpu.wait_indirect_dma semaphore(%arg18 : memref<!tpu.dma_semaphore, #tpu.memory_space<semaphore_mem>>) src(%dma_wait3A_78 : memref<20480x64xf32, #tpu.memory_space<hbm>>) dst(%arg9 : memref<80x64xf32, #tpu.memory_space<vmem>>)
    %dma_start3A_79 = arith.constant 249 : i32
    %dma_start3A_80 = arith.constant 0 : i32
    %dma_start3A_81 = tpu.memref_slice %arg7[%dma_start3A_79, %dma_start3A_80] : memref<250x80xi32, #tpu.memory_space<vmem>> -> memref<1x80xi32, #tpu.memory_space<vmem>>
    %dma_start3A_82 = tpu.memref_squeeze %dma_start3A_81 : memref<1x80xi32, #tpu.memory_space<vmem>> -> memref<80xi32, #tpu.memory_space<vmem>>
    %dma_start3A_83 = arith.constant 0 : i32
    %dma_start3A_84 = arith.constant 0 : i32
    %dma_start3A_85 = tpu.memref_slice %arg16[%dma_start3A_83, %dma_start3A_84] : memref<10240x64xf32, #tpu.memory_space<vmem_shared>> -> memref<10240x64xf32, #tpu.memory_space<vmem_shared>>
    tpu.enqueue_indirect_dma source(%arg9 : memref<80x64xf32, #tpu.memory_space<vmem>>) target(%dma_start3A_85 : memref<10240x64xf32, #tpu.memory_space<vmem_shared>>) offsets(%dma_start3A_82 : memref<80xi32, #tpu.memory_space<vmem>>) semaphore(%arg26 : memref<!tpu.dma_semaphore, #tpu.memory_space<semaphore_mem>>) {add = true}
    %dma_wait3A_86 = arith.constant 248 : i32
    %dma_wait3A_87 = arith.constant 0 : i32
    %dma_wait3A_88 = tpu.memref_slice %arg7[%dma_wait3A_86, %dma_wait3A_87] : memref<250x80xi32, #tpu.memory_space<vmem>> -> memref<1x80xi32, #tpu.memory_space<vmem>>
    %dma_wait3A_89 = tpu.memref_squeeze %dma_wait3A_88 : memref<1x80xi32, #tpu.memory_space<vmem>> -> memref<80xi32, #tpu.memory_space<vmem>>
    %dma_wait3A_90 = arith.constant 0 : i32
    %dma_wait3A_91 = arith.constant 0 : i32
    %dma_wait3A_92 = tpu.memref_slice %arg16[%dma_wait3A_90, %dma_wait3A_91] : memref<10240x64xf32, #tpu.memory_space<vmem_shared>> -> memref<10240x64xf32, #tpu.memory_space<vmem_shared>>
    tpu.wait_indirect_dma semaphore(%arg25 : memref<!tpu.dma_semaphore, #tpu.memory_space<semaphore_mem>>) src(%arg8 : memref<80x64xf32, #tpu.memory_space<vmem>>) dst(%dma_wait3A_92 : memref<10240x64xf32, #tpu.memory_space<vmem_shared>>)
    %dma_wait3A_93 = arith.constant 249 : i32
    %dma_wait3A_94 = arith.constant 0 : i32
    %dma_wait3A_95 = tpu.memref_slice %arg7[%dma_wait3A_93, %dma_wait3A_94] : memref<250x80xi32, #tpu.memory_space<vmem>> -> memref<1x80xi32, #tpu.memory_space<vmem>>
    %dma_wait3A_96 = tpu.memref_squeeze %dma_wait3A_95 : memref<1x80xi32, #tpu.memory_space<vmem>> -> memref<80xi32, #tpu.memory_space<vmem>>
    %dma_wait3A_97 = arith.constant 0 : i32
    %dma_wait3A_98 = arith.constant 0 : i32
    %dma_wait3A_99 = tpu.memref_slice %arg16[%dma_wait3A_97, %dma_wait3A_98] : memref<10240x64xf32, #tpu.memory_space<vmem_shared>> -> memref<10240x64xf32, #tpu.memory_space<vmem_shared>>
    tpu.wait_indirect_dma semaphore(%arg26 : memref<!tpu.dma_semaphore, #tpu.memory_space<semaphore_mem>>) src(%arg9 : memref<80x64xf32, #tpu.memory_space<vmem>>) dst(%dma_wait3A_99 : memref<10240x64xf32, #tpu.memory_space<vmem_shared>>)
    %barrier3A_100 = arith.constant 0 : index
    tpu.barrier barrier_id(%barrier3A_100)
    "tpu.region"() ({
      %run_scoped3A = tpu.sem_alloc : memref<!tpu.dma_semaphore, #tpu.memory_space<semaphore_mem>>
      %dma_start3A_101 = arith.constant 0 : i32
      %dma_start3A_102 = tpu.memref_slice %arg5[%arg0, %mul3A_47, %dma_start3A_101] : memref<2x10240x64xf32, #tpu.memory_space<hbm>> -> memref<1x640x64xf32, #tpu.memory_space<hbm>>
      %dma_start3A_103 = tpu.memref_squeeze %dma_start3A_102 : memref<1x640x64xf32, #tpu.memory_space<hbm>> -> memref<640x64xf32, #tpu.memory_space<hbm>>
      %dma_start3A_104 = arith.constant 0 : i32
      %dma_start3A_105 = tpu.memref_slice %arg16[%mul3A_47, %dma_start3A_104] : memref<10240x64xf32, #tpu.memory_space<vmem_shared>> -> memref<640x64xf32, #tpu.memory_space<vmem_shared>>
      tpu.enqueue_dma source(%dma_start3A_105 : memref<640x64xf32, #tpu.memory_space<vmem_shared>>) target(%dma_start3A_103 : memref<640x64xf32, #tpu.memory_space<hbm>>) target_semaphore(%run_scoped3A : memref<!tpu.dma_semaphore, #tpu.memory_space<semaphore_mem>>)
      %dma_wait3A_106 = arith.constant 0 : i32
      %dma_wait3A_107 = tpu.memref_slice %arg5[%arg0, %mul3A_47, %dma_wait3A_106] : memref<2x10240x64xf32, #tpu.memory_space<hbm>> -> memref<1x640x64xf32, #tpu.memory_space<hbm>>
      %dma_wait3A_108 = tpu.memref_squeeze %dma_wait3A_107 : memref<1x640x64xf32, #tpu.memory_space<hbm>> -> memref<640x64xf32, #tpu.memory_space<hbm>>
      %dma_wait3A_109 = arith.constant 0 : i32
      %dma_wait3A_110 = tpu.memref_slice %arg16[%mul3A_47, %dma_wait3A_109] : memref<10240x64xf32, #tpu.memory_space<vmem_shared>> -> memref<640x64xf32, #tpu.memory_space<vmem_shared>>
      tpu.wait_dma2 semaphore(%run_scoped3A : memref<!tpu.dma_semaphore, #tpu.memory_space<semaphore_mem>>) src(%dma_wait3A_110 : memref<640x64xf32, #tpu.memory_space<vmem_shared>>) dst(%dma_wait3A_108 : memref<640x64xf32, #tpu.memory_space<hbm>>)
      tpu.yield
    }) : () -> ()
    return
  }
}

module attributes {stable_mosaic.version = 14 : i64} {
  func.func @_layer1_body(%arg0: i32, %arg1: i32, %arg2: memref<32x1280xf32, #tpu.memory_space<vmem>>, %arg3: memref<1280x128xf32, #tpu.memory_space<vmem>>, %arg4: memref<1x128x64xf32, #tpu.memory_space<vmem>>, %arg5: memref<1280x1xf32, #tpu.memory_space<vmem>>, %arg6: memref<1280x64xf32, #tpu.memory_space<vmem>>) attributes {dimension_semantics = [#tpu.dimension_semantics<arbitrary>, #tpu.dimension_semantics<arbitrary>], iteration_bounds = array<i64: 2, 8>, scalar_prefetch = 0 : i64, scratch_operands = 0 : i64, tpu.core_type = #tpu.core_type<tc>, window_params = [{transform_indices = @transform_0, window_bounds = array<i64: 32, 1280>}, {transform_indices = @transform_1, window_bounds = array<i64: 1280, 128>}, {transform_indices = @transform_2, window_bounds = array<i64: 1, 128, 64>}, {transform_indices = @transform_3, window_bounds = array<i64: 1280, 1>}, {transform_indices = @transform_4, window_bounds = array<i64: 1280, 64>}]} {
    %get3A = arith.constant 0 : index
    %get3A_0 = arith.constant 0 : index
    %get3A_1 = vector.load %arg2[%get3A, %get3A_0] : memref<32x1280xf32, #tpu.memory_space<vmem>>, vector<32x1280xf32>
    %reduce_sum3A = arith.constant dense<0.000000e+00> : vector<1280xf32>
    %reduce_sum3A_2 = vector.multi_reduction <add>, %get3A_1, %reduce_sum3A [0] : vector<32x1280xf32> to vector<1280xf32>
    %add3A = arith.constant 1.000000e+00 : f32
    %add3A_3 = vector.broadcast %add3A : f32 to vector<1280xf32>
    %add3A_4 = arith.addf %reduce_sum3A_2, %add3A_3 : vector<1280xf32>
    %rsqrt3A = math.rsqrt %add3A_4 : vector<1280xf32>
    %broadcast_in_dim3A = vector.shape_cast %rsqrt3A : vector<1280xf32> to vector<1280x1xf32>
    %get3A_5 = arith.constant 0 : index
    %get3A_6 = arith.constant 0 : index
    %get3A_7 = vector.load %arg3[%get3A_5, %get3A_6] : memref<1280x128xf32, #tpu.memory_space<vmem>>, vector<1280x128xf32>
    %get3A_8 = arith.constant 0 : index
    %get3A_9 = arith.constant 0 : index
    %get3A_10 = arith.constant 0 : index
    %get3A_11 = vector.load %arg4[%get3A_8, %get3A_9, %get3A_10] : memref<1x128x64xf32, #tpu.memory_space<vmem>>, vector<1x128x64xf32>
    %get3A_12 = vector.shape_cast %get3A_11 : vector<1x128x64xf32> to vector<128x64xf32>
    %dot_general3A = arith.constant dense<0.000000e+00> : vector<1280x64xf32>
    %dot_general3A_13 = tpu.matmul %get3A_7, %get3A_12, %dot_general3A {dimension_numbers = #tpu.dot_dimension_numbers<[1], [0], [0], [1], [0, 0, 1, 1], [], []>, transpose_lhs_hint = false} : vector<1280x128xf32>, vector<128x64xf32>, vector<1280x64xf32> -> vector<1280x64xf32>
    %swap3A = arith.constant 0 : index
    %swap3A_14 = arith.constant 0 : index
    %swap3A_15 = vector.load %arg5[%swap3A, %swap3A_14] : memref<1280x1xf32, #tpu.memory_space<vmem>>, vector<1280x1xf32>
    tpu.vector_store %arg5[%swap3A, %swap3A_14], %broadcast_in_dim3A {strides = array<i32>} : memref<1280x1xf32, #tpu.memory_space<vmem>>, vector<1280x1xf32>,
    %mul3A = vector.broadcast %broadcast_in_dim3A : vector<1280x1xf32> to vector<1280x64xf32>
    %mul3A_16 = arith.mulf %dot_general3A_13, %mul3A : vector<1280x64xf32>
    %swap3A_17 = arith.constant 0 : index
    %swap3A_18 = arith.constant 0 : index
    %swap3A_19 = vector.load %arg6[%swap3A_17, %swap3A_18] : memref<1280x64xf32, #tpu.memory_space<vmem>>, vector<1280x64xf32>
    tpu.vector_store %arg6[%swap3A_17, %swap3A_18], %mul3A_16 {strides = array<i32>} : memref<1280x64xf32, #tpu.memory_space<vmem>>, vector<1280x64xf32>,
    return
  }
  func.func @transform_0(%arg0: i32, %arg1: i32) -> (i32, i32) {
    %c0_i32 = arith.constant 0 : i32
    %c0_i32_0 = arith.constant 0 : i32
    return %c0_i32, %arg1 : i32, i32
  }
  func.func @transform_1(%arg0: i32, %arg1: i32) -> (i32, i32) {
    %c0_i32 = arith.constant 0 : i32
    %c0_i32_0 = arith.constant 0 : i32
    return %arg1, %c0_i32 : i32, i32
  }
  func.func @transform_2(%arg0: i32, %arg1: i32) -> (i32, i32, i32) {
    %c0_i32 = arith.constant 0 : i32
    %c0_i32_0 = arith.constant 0 : i32
    %c0_i32_1 = arith.constant 0 : i32
    return %arg0, %c0_i32, %c0_i32_0 : i32, i32, i32
  }
  func.func @transform_3(%arg0: i32, %arg1: i32) -> (i32, i32) {
    %c0_i32 = arith.constant 0 : i32
    %c0_i32_0 = arith.constant 0 : i32
    return %arg1, %c0_i32 : i32, i32
  }
  func.func @transform_4(%arg0: i32, %arg1: i32) -> (i32, i32) {
    %mul3A = arith.constant 8 : i32
    %mul3A_0 = arith.muli %arg0, %mul3A : i32
    %add3A = arith.addi %mul3A_0, %arg1 : i32
    %c0_i32 = arith.constant 0 : i32
    %c0_i32_1 = arith.constant 0 : i32
    return %add3A, %c0_i32 : i32, i32
  }
}

module attributes {stable_mosaic.version = 14 : i64} {
  func.func @_mid_body(%arg0: i32, %arg1: i32, %arg2: memref<1x1024x64xf32, #tpu.memory_space<vmem>>, %arg3: memref<1x1024x64xf32, #tpu.memory_space<vmem>>, %arg4: memref<1024x64xf32, #tpu.memory_space<vmem>>, %arg5: memref<1024x64xf32, #tpu.memory_space<vmem>>, %arg6: memref<1024x1xf32, #tpu.memory_space<vmem>>, %arg7: memref<1x128xf32, #tpu.memory_space<vmem>>, %arg8: memref<1x128x64xf32, #tpu.memory_space<vmem>>, %arg9: memref<1024x64xf32, #tpu.memory_space<vmem>>) attributes {dimension_semantics = [#tpu.dimension_semantics<arbitrary>, #tpu.dimension_semantics<arbitrary>], iteration_bounds = array<i64: 2, 10>, scalar_prefetch = 0 : i64, scratch_operands = 0 : i64, tpu.core_type = #tpu.core_type<tc>, window_params = [{transform_indices = @transform_0, window_bounds = array<i64: 1, 1024, 64>}, {transform_indices = @transform_1, window_bounds = array<i64: 1, 1024, 64>}, {transform_indices = @transform_2, window_bounds = array<i64: 1024, 64>}, {transform_indices = @transform_3, window_bounds = array<i64: 1024, 64>}, {transform_indices = @transform_4, window_bounds = array<i64: 1024, 1>}, {pipeline_mode = #tpu.pipeline_mode<synchronous>, transform_indices = @transform_5, window_bounds = array<i64: 1, 128>}, {transform_indices = @transform_6, window_bounds = array<i64: 1, 128, 64>}, {transform_indices = @transform_7, window_bounds = array<i64: 1024, 64>}]} {
    %get3A = arith.constant 0 : index
    %get3A_0 = arith.constant 0 : index
    %get3A_1 = vector.load %arg6[%get3A, %get3A_0] : memref<1024x1xf32, #tpu.memory_space<vmem>>, vector<1024x1xf32>
    %get3A_2 = arith.constant 0 : index
    %get3A_3 = arith.constant 0 : index
    %get3A_4 = vector.load %arg7[%get3A_2, %get3A_3] : memref<1x128xf32, #tpu.memory_space<vmem>>, vector<1x128xf32>
    %get3A_5 = arith.constant 0 : index
    %get3A_6 = arith.constant 0 : index
    %get3A_7 = arith.constant 0 : index
    %get3A_8 = vector.load %arg2[%get3A_5, %get3A_6, %get3A_7] : memref<1x1024x64xf32, #tpu.memory_space<vmem>>, vector<1x1024x64xf32>
    %get3A_9 = vector.shape_cast %get3A_8 : vector<1x1024x64xf32> to vector<1024x64xf32>
    %get3A_10 = arith.constant 0 : index
    %get3A_11 = arith.constant 0 : index
    %get3A_12 = vector.load %arg4[%get3A_10, %get3A_11] : memref<1024x64xf32, #tpu.memory_space<vmem>>, vector<1024x64xf32>
    %add3A = arith.addf %get3A_9, %get3A_12 : vector<1024x64xf32>
    %mul3A = vector.broadcast %get3A_1 : vector<1024x1xf32> to vector<1024x64xf32>
    %mul3A_13 = arith.mulf %add3A, %mul3A : vector<1024x64xf32>
    %slice3A = vector.extract_strided_slice %get3A_4 {offsets = [0, 0], sizes = [1, 64], strides = [1, 1]} : vector<1x128xf32> to vector<1x64xf32>
    %add3A_14 = vector.broadcast %slice3A : vector<1x64xf32> to vector<1024x64xf32>
    %add3A_15 = arith.addf %mul3A_13, %add3A_14 : vector<1024x64xf32>
    %max3A = arith.constant 0.000000e+00 : f32
    %max3A_16 = vector.broadcast %max3A : f32 to vector<1024x64xf32>
    %max3A_17 = arith.maximumf %add3A_15, %max3A_16 : vector<1024x64xf32>
    %get3A_18 = arith.constant 0 : index
    %get3A_19 = arith.constant 0 : index
    %get3A_20 = arith.constant 0 : index
    %get3A_21 = vector.load %arg3[%get3A_18, %get3A_19, %get3A_20] : memref<1x1024x64xf32, #tpu.memory_space<vmem>>, vector<1x1024x64xf32>
    %get3A_22 = vector.shape_cast %get3A_21 : vector<1x1024x64xf32> to vector<1024x64xf32>
    %get3A_23 = arith.constant 0 : index
    %get3A_24 = arith.constant 0 : index
    %get3A_25 = vector.load %arg5[%get3A_23, %get3A_24] : memref<1024x64xf32, #tpu.memory_space<vmem>>, vector<1024x64xf32>
    %add3A_26 = arith.addf %get3A_22, %get3A_25 : vector<1024x64xf32>
    %mul3A_27 = vector.broadcast %get3A_1 : vector<1024x1xf32> to vector<1024x64xf32>
    %mul3A_28 = arith.mulf %add3A_26, %mul3A_27 : vector<1024x64xf32>
    %slice3A_29 = vector.extract_strided_slice %get3A_4 {offsets = [0, 64], sizes = [1, 64], strides = [1, 1]} : vector<1x128xf32> to vector<1x64xf32>
    %add3A_30 = vector.broadcast %slice3A_29 : vector<1x64xf32> to vector<1024x64xf32>
    %add3A_31 = arith.addf %mul3A_28, %add3A_30 : vector<1024x64xf32>
    %max3A_32 = arith.constant 0.000000e+00 : f32
    %max3A_33 = vector.broadcast %max3A_32 : f32 to vector<1024x64xf32>
    %max3A_34 = arith.maximumf %add3A_31, %max3A_33 : vector<1024x64xf32>
    %get3A_35 = arith.constant 0 : index
    %get3A_36 = arith.constant 0 : index
    %get3A_37 = arith.constant 0 : index
    %get3A_38 = vector.load %arg8[%get3A_35, %get3A_36, %get3A_37] : memref<1x128x64xf32, #tpu.memory_space<vmem>>, vector<1x128x64xf32>
    %get3A_39 = vector.shape_cast %get3A_38 : vector<1x128x64xf32> to vector<128x64xf32>
    %slice3A_40 = vector.extract_strided_slice %get3A_39 {offsets = [0, 0], sizes = [64, 64], strides = [1, 1]} : vector<128x64xf32> to vector<64x64xf32>
    %dot_general3A = arith.constant dense<0.000000e+00> : vector<1024x64xf32>
    %dot_general3A_41 = tpu.matmul %max3A_17, %slice3A_40, %dot_general3A {dimension_numbers = #tpu.dot_dimension_numbers<[1], [0], [0], [1], [0, 0, 1, 1], [], []>, transpose_lhs_hint = false} : vector<1024x64xf32>, vector<64x64xf32>, vector<1024x64xf32> -> vector<1024x64xf32>
    %slice3A_42 = vector.extract_strided_slice %get3A_39 {offsets = [64, 0], sizes = [64, 64], strides = [1, 1]} : vector<128x64xf32> to vector<64x64xf32>
    %dot_general3A_43 = arith.constant dense<0.000000e+00> : vector<1024x64xf32>
    %dot_general3A_44 = tpu.matmul %max3A_34, %slice3A_42, %dot_general3A_43 {dimension_numbers = #tpu.dot_dimension_numbers<[1], [0], [0], [1], [0, 0, 1, 1], [], []>, transpose_lhs_hint = false} : vector<1024x64xf32>, vector<64x64xf32>, vector<1024x64xf32> -> vector<1024x64xf32>
    %add3A_45 = arith.addf %dot_general3A_41, %dot_general3A_44 : vector<1024x64xf32>
    %mul3A_46 = vector.broadcast %get3A_1 : vector<1024x1xf32> to vector<1024x64xf32>
    %mul3A_47 = arith.mulf %add3A_45, %mul3A_46 : vector<1024x64xf32>
    %swap3A = arith.constant 0 : index
    %swap3A_48 = arith.constant 0 : index
    %swap3A_49 = vector.load %arg9[%swap3A, %swap3A_48] : memref<1024x64xf32, #tpu.memory_space<vmem>>, vector<1024x64xf32>
    tpu.vector_store %arg9[%swap3A, %swap3A_48], %mul3A_47 {strides = array<i32>} : memref<1024x64xf32, #tpu.memory_space<vmem>>, vector<1024x64xf32>,
    return
  }
  func.func @transform_0(%arg0: i32, %arg1: i32) -> (i32, i32, i32) {
    %c0_i32 = arith.constant 0 : i32
    %c0_i32_0 = arith.constant 0 : i32
    %c0_i32_1 = arith.constant 0 : i32
    return %c0_i32, %arg1, %c0_i32_0 : i32, i32, i32
  }
  func.func @transform_1(%arg0: i32, %arg1: i32) -> (i32, i32, i32) {
    %c1_i32 = arith.constant 1 : i32
    %c0_i32 = arith.constant 0 : i32
    %c0_i32_0 = arith.constant 0 : i32
    return %c1_i32, %arg1, %c0_i32 : i32, i32, i32
  }
  func.func @transform_2(%arg0: i32, %arg1: i32) -> (i32, i32) {
    %c0_i32 = arith.constant 0 : i32
    %c0_i32_0 = arith.constant 0 : i32
    return %arg1, %c0_i32 : i32, i32
  }
  func.func @transform_3(%arg0: i32, %arg1: i32) -> (i32, i32) {
    %add3A = arith.constant 10 : i32
    %add3A_0 = arith.addi %add3A, %arg1 : i32
    %c0_i32 = arith.constant 0 : i32
    %c0_i32_1 = arith.constant 0 : i32
    return %add3A_0, %c0_i32 : i32, i32
  }
  func.func @transform_4(%arg0: i32, %arg1: i32) -> (i32, i32) {
    %c0_i32 = arith.constant 0 : i32
    %c0_i32_0 = arith.constant 0 : i32
    return %arg1, %c0_i32 : i32, i32
  }
  func.func @transform_5(%arg0: i32, %arg1: i32) -> (i32, i32) {
    %c0_i32 = arith.constant 0 : i32
    %c0_i32_0 = arith.constant 0 : i32
    %c0_i32_1 = arith.constant 0 : i32
    return %c0_i32, %c0_i32_0 : i32, i32
  }
  func.func @transform_6(%arg0: i32, %arg1: i32) -> (i32, i32, i32) {
    %c0_i32 = arith.constant 0 : i32
    %c0_i32_0 = arith.constant 0 : i32
    %c0_i32_1 = arith.constant 0 : i32
    return %arg0, %c0_i32, %c0_i32_0 : i32, i32, i32
  }
  func.func @transform_7(%arg0: i32, %arg1: i32) -> (i32, i32) {
    %mul3A = arith.constant 10 : i32
    %mul3A_0 = arith.muli %arg0, %mul3A : i32
    %add3A = arith.addi %mul3A_0, %arg1 : i32
    %c0_i32 = arith.constant 0 : i32
    %c0_i32_1 = arith.constant 0 : i32
    return %add3A, %c0_i32 : i32, i32
  }
}

module attributes {stable_mosaic.version = 14 : i64} {
  func.func @_out_body(%arg0: i32, %arg1: memref<1x1024x64xf32, #tpu.memory_space<vmem>>, %arg2: memref<1x1024x64xf32, #tpu.memory_space<vmem>>, %arg3: memref<1024x64xf32, #tpu.memory_space<vmem>>, %arg4: memref<1024x64xf32, #tpu.memory_space<vmem>>, %arg5: memref<1024x1xf32, #tpu.memory_space<vmem>>, %arg6: memref<1x128xf32, #tpu.memory_space<vmem>>, %arg7: memref<1024x128xf32, #tpu.memory_space<vmem>>) attributes {dimension_semantics = [#tpu.dimension_semantics<arbitrary>], iteration_bounds = array<i64: 10>, scalar_prefetch = 0 : i64, scratch_operands = 0 : i64, tpu.core_type = #tpu.core_type<tc>, window_params = [{transform_indices = @transform_0, window_bounds = array<i64: 1, 1024, 64>}, {transform_indices = @transform_1, window_bounds = array<i64: 1, 1024, 64>}, {transform_indices = @transform_2, window_bounds = array<i64: 1024, 64>}, {transform_indices = @transform_3, window_bounds = array<i64: 1024, 64>}, {transform_indices = @transform_4, window_bounds = array<i64: 1024, 1>}, {pipeline_mode = #tpu.pipeline_mode<synchronous>, transform_indices = @transform_5, window_bounds = array<i64: 1, 128>}, {transform_indices = @transform_6, window_bounds = array<i64: 1024, 128>}]} {
    %get3A = arith.constant 0 : index
    %get3A_0 = arith.constant 0 : index
    %get3A_1 = vector.load %arg5[%get3A, %get3A_0] : memref<1024x1xf32, #tpu.memory_space<vmem>>, vector<1024x1xf32>
    %get3A_2 = arith.constant 0 : index
    %get3A_3 = arith.constant 0 : index
    %get3A_4 = vector.load %arg6[%get3A_2, %get3A_3] : memref<1x128xf32, #tpu.memory_space<vmem>>, vector<1x128xf32>
    %get3A_5 = arith.constant 0 : index
    %get3A_6 = arith.constant 0 : index
    %get3A_7 = arith.constant 0 : index
    %get3A_8 = vector.load %arg1[%get3A_5, %get3A_6, %get3A_7] : memref<1x1024x64xf32, #tpu.memory_space<vmem>>, vector<1x1024x64xf32>
    %get3A_9 = vector.shape_cast %get3A_8 : vector<1x1024x64xf32> to vector<1024x64xf32>
    %get3A_10 = arith.constant 0 : index
    %get3A_11 = arith.constant 0 : index
    %get3A_12 = vector.load %arg3[%get3A_10, %get3A_11] : memref<1024x64xf32, #tpu.memory_space<vmem>>, vector<1024x64xf32>
    %add3A = arith.addf %get3A_9, %get3A_12 : vector<1024x64xf32>
    %mul3A = vector.broadcast %get3A_1 : vector<1024x1xf32> to vector<1024x64xf32>
    %mul3A_13 = arith.mulf %add3A, %mul3A : vector<1024x64xf32>
    %slice3A = vector.extract_strided_slice %get3A_4 {offsets = [0, 0], sizes = [1, 64], strides = [1, 1]} : vector<1x128xf32> to vector<1x64xf32>
    %add3A_14 = vector.broadcast %slice3A : vector<1x64xf32> to vector<1024x64xf32>
    %add3A_15 = arith.addf %mul3A_13, %add3A_14 : vector<1024x64xf32>
    %get3A_16 = arith.constant 0 : index
    %get3A_17 = arith.constant 0 : index
    %get3A_18 = arith.constant 0 : index
    %get3A_19 = vector.load %arg2[%get3A_16, %get3A_17, %get3A_18] : memref<1x1024x64xf32, #tpu.memory_space<vmem>>, vector<1x1024x64xf32>
    %get3A_20 = vector.shape_cast %get3A_19 : vector<1x1024x64xf32> to vector<1024x64xf32>
    %get3A_21 = arith.constant 0 : index
    %get3A_22 = arith.constant 0 : index
    %get3A_23 = vector.load %arg4[%get3A_21, %get3A_22] : memref<1024x64xf32, #tpu.memory_space<vmem>>, vector<1024x64xf32>
    %add3A_24 = arith.addf %get3A_20, %get3A_23 : vector<1024x64xf32>
    %mul3A_25 = vector.broadcast %get3A_1 : vector<1024x1xf32> to vector<1024x64xf32>
    %mul3A_26 = arith.mulf %add3A_24, %mul3A_25 : vector<1024x64xf32>
    %slice3A_27 = vector.extract_strided_slice %get3A_4 {offsets = [0, 64], sizes = [1, 64], strides = [1, 1]} : vector<1x128xf32> to vector<1x64xf32>
    %add3A_28 = vector.broadcast %slice3A_27 : vector<1x64xf32> to vector<1024x64xf32>
    %add3A_29 = arith.addf %mul3A_26, %add3A_28 : vector<1024x64xf32>
    %concatenate3A = tpu.concatenate %add3A_15, %add3A_29 in 1 : vector<1024x64xf32>, vector<1024x64xf32> -> vector<1024x128xf32>
    %swap3A = arith.constant 0 : index
    %swap3A_30 = arith.constant 0 : index
    %swap3A_31 = vector.load %arg7[%swap3A, %swap3A_30] : memref<1024x128xf32, #tpu.memory_space<vmem>>, vector<1024x128xf32>
    tpu.vector_store %arg7[%swap3A, %swap3A_30], %concatenate3A {strides = array<i32>} : memref<1024x128xf32, #tpu.memory_space<vmem>>, vector<1024x128xf32>,
    return
  }
  func.func @transform_0(%arg0: i32) -> (i32, i32, i32) {
    %c0_i32 = arith.constant 0 : i32
    %c0_i32_0 = arith.constant 0 : i32
    %c0_i32_1 = arith.constant 0 : i32
    return %c0_i32, %arg0, %c0_i32_0 : i32, i32, i32
  }
  func.func @transform_1(%arg0: i32) -> (i32, i32, i32) {
    %c1_i32 = arith.constant 1 : i32
    %c0_i32 = arith.constant 0 : i32
    %c0_i32_0 = arith.constant 0 : i32
    return %c1_i32, %arg0, %c0_i32 : i32, i32, i32
  }
  func.func @transform_2(%arg0: i32) -> (i32, i32) {
    %c0_i32 = arith.constant 0 : i32
    %c0_i32_0 = arith.constant 0 : i32
    return %arg0, %c0_i32 : i32, i32
  }
  func.func @transform_3(%arg0: i32) -> (i32, i32) {
    %add3A = arith.constant 10 : i32
    %add3A_0 = arith.addi %add3A, %arg0 : i32
    %c0_i32 = arith.constant 0 : i32
    %c0_i32_1 = arith.constant 0 : i32
    return %add3A_0, %c0_i32 : i32, i32
  }
  func.func @transform_4(%arg0: i32) -> (i32, i32) {
    %c0_i32 = arith.constant 0 : i32
    %c0_i32_0 = arith.constant 0 : i32
    return %arg0, %c0_i32 : i32, i32
  }
  func.func @transform_5(%arg0: i32) -> (i32, i32) {
    %c0_i32 = arith.constant 0 : i32
    %c0_i32_0 = arith.constant 0 : i32
    %c0_i32_1 = arith.constant 0 : i32
    return %c0_i32, %c0_i32_0 : i32, i32
  }
  func.func @transform_6(%arg0: i32) -> (i32, i32) {
    %c0_i32 = arith.constant 0 : i32
    %c0_i32_0 = arith.constant 0 : i32
    return %arg0, %c0_i32 : i32, i32
  }
}

</mosaic_0001>

<sc_bundles>
// kernel: kernel.11.cloned.1.call-start
scs
__scs_entry_jumppad:
0x0: {  	(pc) =	sbr.rel $0x88, $3  }
0x1: {  	(tag) =	ssettag $0x0;
	lr =	simm.s32 $0x1  }
0x2: {  	[smem:$0x3F9B] =	sst lr;
	_ =	strace $0xD0000000  }
0x3: {  	_ = 	snop  }
0x4: {  	_ = 	snop  }
0x5: {  	_ = 	snop  }
0x6: {  	_ = 	snop  }
0x7: {  	_ = 	snop  }
__scs_overlays_trampoline_lowered:
0x8: {  	[smem:$0x3FAA] =	sst s0  }
0x9: {  	[smem:$0x3FAB] =	sst s1  }
0xa: {  	[smem:$0x3FAC] =	sst s2  }
0xb: {  	[smem:$0x3FAD] =	sst s3  }
0xc: {  	[smem:$0x3FAE] =	sst s4  }
0xd: {  	[smem:$0x3FAF] =	sst s5  }
0xe: {  	[smem:$0x3FB0] =	sst s6  }
0xf: {  	[smem:$0x3FB1] =	sst s7  }
0x10: {  	[smem:$0x3FB2] =	sst s8  }
0x11: {  	[smem:$0x3FB3] =	sst s9;
	s0 =	simm.s32 @!p0 $0x0  }
0x12: {  	s1 =	sld [smem:$0x3F99];
	s0 =	simm.s32 @p0 $0x1  }
0x13: {  	[smem:$0x3FB4] =	sst s0;
	s0 =	simm.s32 @!p1 $0x0  }
0x14: {  	s2 =	sld [smem:$0x3F98];
	s0 =	simm.s32 @p1 $0x1  }
0x15: {  	[smem:$0x3FB5] =	sst s0;
	s0 =	simm.s32 @!p2 $0x0  }
0x16: {  	s3 =	sld [smem:$0x3FDB];
	s0 =	simm.s32 @p2 $0x1  }
0x17: {  	s4 =	simm.s32 $0x1BF5;
	[smem:$0x3FB7] =	sst s0  }
0x18: {  	s0 =	sld [smem:$0x3F9A];
	_ =	swait.ge [sflag:s4], $0x0  }
0x19: {  	s7 =	sld [smem:$0x3F9B]  }
0x1a: {  	s8 =	sadd.s32 $0xFFFFE003, lr  }
0x1b: {  	s9 =	sadd.s32 $0xFFFFFEF7, lr;
	s5 =	simm.s32 $0xFFFFFFFF;
	p2 =	slt.u32 s8, $0xFFFFF086  }
0x1c: {  	p1 =	slt.u32 s9, $0xF7A;
	s5 =	simm.s32 @!p2 $0x0  }
0x1d: {  	s5 =	simm.s32 @p1 $0x1;
	p0 =	seq.s32 s7, s2  }
0x1e: {  	s7 =	smul.u32 @!p0 $0xF7A, s2;
	p2 =	seq.s32 @!p0 s5, $0x0  }
0x1f: {  	s9 =	smul.u32 $0xF7A, s1;
	s8 =	simm.s32 @!p0 $0x1BF5;
	p2 =	por !p2, p0  }
0x20: {  	[sflag:s8] =	ssyncset.s32 @!p0 $0xFFFFF086;
	s6 =	sadd.s32 @!p0 s3, s7;
	s7 =	simm.s32 @!p0 $0x108  }
0x21: {  	s3 =	sadd.s32 s3, s9;
	s6 =	sadd.s32 @!p0 $0x88, s6;
	s7 =	simm.s32 @p2 $0x1082  }
0x22: {  	[simem:s7], [sflag:s8] =	dma.local @!p0 [hbm:s6], $0xF7A  }
0x23: {  	s9 =	sor.u32 $0xD0000000, s2;
	s6 =	simm.s32 $0x108;
	_ =	swait.ge @!p0 [sflag:s8], $0x0  }
0x24: {  	s3 =	sadd.s32 $0x88, s3;
	s6 =	simm.s32 @!p1 $0x1082;
	[sflag:s4] =	ssyncset.s32 $0xFFFFF086  }
0x25: {  	[simem:s6], [sflag:s4] =	dma.local [hbm:s3], $0xF7A  }
0x26: {  	[smem:$0x3F9B] =	sst s1;
	(tag) =	ssettag s2;
	_ =	strace s9  }
0x27: {  	s1 =	sld [smem:$0x3FAB]  }
0x28: {  	s2 =	sld [smem:$0x3FAC]  }
0x29: {  	s4 =	sld [smem:$0x3FAE]  }
0x2a: {  	p0 =	seq.s32 s5, $0x0;
	s5 =	sld [smem:$0x3FAF]  }
0x2b: {  	s6 =	sld [smem:$0x3FB0]  }
0x2c: {  	s7 =	sld [smem:$0x3FB1]  }
0x2d: {  	s3 =	simm.s32 $0x108;
	s8 =	sld [smem:$0x3FB2]  }
0x2e: {  	s3 =	simm.s32 @!p0 $0x1082;
	s9 =	sld [smem:$0x3FB3]  }
0x2f: {  	lr =	sadd.s32 s0, s3;
	s0 =	sld [smem:$0x3FAA]  }
0x30: {  	s3 =	sld [smem:$0x3FAD]  }
0x31: {  	[smem:$0x3FB6] =	sst s10  }
0x32: {  	s10 =	sld [smem:$0x3FB4];
	_ =	sdelay $0x3  }
0x33: {  	p0 =	seq.s32 s10, $0x1;
	s10 =	sld [smem:$0x3FB6];
	_ =	sdelay $0x3  }
0x34: {  	[smem:$0x3FB6] =	sst s10  }
0x35: {  	s10 =	sld [smem:$0x3FB5];
	_ =	sdelay $0x3  }
0x36: {  	p1 =	seq.s32 s10, $0x1;
	s10 =	sld [smem:$0x3FB6];
	_ =	sdelay $0x3  }
0x37: {  	[smem:$0x3FB6] =	sst s10  }
0x38: {  	s10 =	sld [smem:$0x3FB7]  }
0x39: {  	_ = 	snop;
	(pc) =	sbr.ind lr, $3  }
0x3a: {  	_ = 	snop  }
0x3b: {  	_ = 	snop  }
0x3c: {  	p2 =	seq.s32 s10, $0x1;
	s10 =	sld [smem:$0x3FB6]  }
0x3d: {  	_ =	shalt  }
0x3e: {  	_ =	shalt  }
0x3f: {  	_ =	shalt  }
0x40: {  	_ =	shalt  }
0x41: {  	_ =	shalt  }
0x42: {  	_ =	shalt  }
0x43: {  	_ =	shalt  }
0x44: {  	_ =	shalt  }
0x45: {  	_ =	shalt  }
0x46: {  	_ =	shalt  }
0x47: {  	_ =	shalt  }
0x48: {  	_ =	shalt  }
0x49: {  	_ =	shalt  }
0x4a: {  	_ =	shalt  }
0x4b: {  	_ =	shalt  }
0x4c: {  	_ =	shalt  }
0x4d: {  	_ =	shalt  }
0x4e: {  	_ =	shalt  }
0x4f: {  	_ =	shalt  }
0x50: {  	_ =	shalt  }
0x51: {  	_ =	shalt  }
0x52: {  	_ =	shalt  }
0x53: {  	_ =	shalt  }
0x54: {  	_ =	shalt  }
0x55: {  	_ =	shalt  }
0x56: {  	_ =	shalt  }
0x57: {  	_ =	shalt  }
0x58: {  	_ =	shalt  }
0x59: {  	_ =	shalt  }
0x5a: {  	_ =	shalt  }
0x5b: {  	_ =	shalt  }
0x5c: {  	_ =	shalt  }
0x5d: {  	_ =	shalt  }
0x5e: {  	_ =	shalt  }
0x5f: {  	_ =	shalt  }
0x60: {  	_ =	shalt  }
0x61: {  	_ =	shalt  }
0x62: {  	_ =	shalt  }
0x63: {  	_ =	shalt  }
0x64: {  	_ =	shalt  }
0x65: {  	_ =	shalt  }
0x66: {  	_ =	shalt  }
0x67: {  	_ =	shalt  }
0x68: {  	_ =	shalt  }
0x69: {  	_ =	shalt  }
0x6a: {  	_ =	shalt  }
0x6b: {  	_ =	shalt  }
0x6c: {  	_ =	shalt  }
0x6d: {  	_ =	shalt  }
0x6e: {  	_ =	shalt  }
0x6f: {  	_ =	shalt  }
0x70: {  	_ =	shalt  }
0x71: {  	_ =	shalt  }
0x72: {  	_ =	shalt  }
0x73: {  	_ =	shalt  }
0x74: {  	_ =	shalt  }
0x75: {  	_ =	shalt  }
0x76: {  	_ =	shalt  }
0x77: {  	_ =	shalt  }
0x78: {  	_ =	shalt  }
0x79: {  	_ =	shalt  }
0x7a: {  	_ =	shalt  }
0x7b: {  	_ =	shalt  }
0x7c: {  	_ =	shalt  }
0x7d: {  	_ =	shalt  }
0x7e: {  	_ =	shalt  }
0x7f: {  	_ =	shalt  }
0x80: {  	_ =	shalt  }
0x81: {  	_ =	shalt  }
0x82: {  	_ =	shalt  }
0x83: {  	_ =	shalt  }
0x84: {  	_ =	shalt  }
0x85: {  	_ =	shalt  }
0x86: {  	_ =	shalt  }
0x87: {  	_ =	shalt  }
.Lfunc_end0:
.L_simem_size_0:
called_computation.1_lowered:
.L_overlay_start_0:
0x88: {  	s2 =	sld [smem:$0x3FD9]  }
0x89: {  	s3 =	sld [smem:$0x3FFE];
	_ =	sdelay $0x1  }
0x8a: {  	s1 =	srdreg.scid  }
0x8b: {  	s0 =	sand.u32 $0x1, s1  }
0x8c: {  	s17 =	sshll.u32 s0, $0xA;
	s2 =	sadd.s32 s3, s2  }
0x8d: {  	s2 =	sadd.s32 s2, s17  }
0x8e: {  	[smem:$0x3FC2] =	sst s2  }
0x8f: {  	_ = 	snop  }
0x90: {  	s2 =	sld [smem:$0x3FD0];
	(tm) =	ssettm $0x1  }
0x91: {  	s18 =	sld [smem:$0x3FFB];
	_ =	sdelay $0x3  }
0x92: {  	_ =	strace s18  }
0x93: {  	s3 =	sld [smem:$0x3FFC];
	_ =	sdelay $0x3  }
0x94: {  	_ =	strace s3  }
0x95: {  	s3 =	sld [smem:$0x3FFD];
	_ =	sdelay $0x3  }
0x96: {  	_ =	strace s3  }
0x97: {  	_ =	strace $0x8FFFFFFF  }
0x98: {  	s19 =	sld [smem:$0x3FDB];
	_ =	sdelay $0x1  }
0x99: {  	s4 =	simm.s32 $_scs_section_size  }
0x9a: {  	s5 =	simm.s32 $_size__tile_overlayer_lowered;
	s6 =	simm.s32 $_tile_overlayer_lowered  }
0x9b: {  	s22 =	simm.s32 $0x1BFF;
	s21 =	sshll.u32 s6, $0x1;
	s3 =	sadd.s32 s4, s19  }
0x9c: {  	s7 =	simm.s32 $0x0;
	s20 =	sshll.u32 s5, $0x1;
	s5 =	sadd.s32 s21, s3  }
0x9d: {  	[timem:s7], [sflag:s22] =	dma.local [hbm:s5], s20  }
0x9e: {  	_ =	swait.ge [sflag:s22], s20  }
0x9f: {  	s4 =	ssub.s32 $0x0, s20;
	[sflag:s22] =	ssyncset.done $0x0  }
0xa0: {  	[sflag:s22] =	ssyncadd.s32 s4;
	_ =	sdelay $0x1  }
0xa1: {  	s23 =	simm.s32 $0x1B8B  }
0xa2: {  	_ =	swait.ge [sflag:s23], $0x1  }
0xa3: {  	[sflag:s23] =	ssyncset.done $0x0  }
0xa4: {  	s25 =	simm.s32 $0x1B8E;
	s24 =	sld [smem:$0x3FFE];
	[sflag:s23] =	ssyncadd.s32 $0xFFFFFFFF  }
0xa5: {  	s26 =	simm.s32 $execute0_lowered;
	[smem:$0x3FD2] =	sst s25  }
0xa6: {  	s5 =	sshll.u32 s26, $0x1;
	_ =	strace $0x80000049;
	[dreg:$0x1] =	wrdreg $0xFFFFFFFF  }
0xa7: {  	s28 =	simm.s32 $_size_execute0_lowered;
	s3 =	sadd.s32 s3, s5;
	[dreg:$0x0] =	wrdreg $0x0  }
0xa8: {  	s5 =	sshll.u32 s28, $0x1;
	[dreg:$0x2] =	wrdreg s3  }
0xa9: {  	[dreg:$0x3] =	wrdreg s5  }
0xaa: {  	[dreg:$0x4] =	wrdreg $0xC0  }
0xab: {  	_ =	task [dreg:s7], $0x5FFFF  }
0xac: {  	[dreg:$0x1] =	wrdreg $0xFFFFFFFF  }
0xad: {  	[dreg:$0x0] =	wrdreg $0x60  }
0xae: {  	[dreg:$0x2] =	wrdreg s24  }
0xaf: {  	[dreg:$0x3] =	wrdreg s2  }
0xb0: {  	[dreg:$0x4] =	wrdreg $0x13C400  }
0xb1: {  	[dreg:$0x5] =	wrdreg $0x9  }
0xb2: {  	_ =	task.clear_ibuf [dreg:s7], $0x6FFFF;
	_ =	strace $0x90000049  }
0xb3: {  	s29 =	simm.s32 $0x9;
	_ =	strace $0x8000004B  }
0xb4: {  	_ =	swait.ge [sflag:s29], $0x1  }
0xb5: {  	[sflag:s29] =	ssyncadd.s32 $0xFFFFFFFF  }
0xb6: {  	_ =	strace $0x9000004B  }
0xb7: {  	_ =	sfence  }
0xb8: {  	s30 =	sld [smem:$0x0];
	_ =	sdelay $0x2  }
0xb9: {  	s31 =	sshll.u32 s1, $0xD;
	s1 =	sshrl.u32 s1, $0x2  }
0xba: {  	s3 =	sand.u32 $0x4000, s31;
	s1 =	sadd.s32 s1, s30  }
0xbb: {  	s0 =	sor.u32 s3, s0;
	s1 =	sshll.u32 s1, $0x11  }
0xbc: {  	s0 =	sor.u32 s1, s0  }
0xbd: {  	s0 =	sadd.s32 $0x8F2B, s0  }
0xbe: {  	[sflag:s0] =	ssyncadd.remote.s32 $0x1  }
0xbf: {  	_ =	sfence.sel $0xFFFF  }
0xc0: {  	[dreg:$0x0] =	wrdreg $0xFFFFFFFF;
	(pc) =	sbr.abs _section_cstart, $3  }
0xc1: {  	[dreg:$0x1] =	wrdreg $0xFFFFFFFF  }
0xc2: {  	_ =	task.clear_ibuf [dreg:s7], $0x2FFFF;
	_ =	strace $0x9FFFFFFF  }
0xc3: {  	(tm) =	ssettm $0x7FFFFFFF  }
tec
execute0_lowered:
.L_overlay_start_1:
0x0: {  	(tag) =	ssettag $0x1  }
0x1: {  	s0 =	rddreg [dreg:$0x0]  }
0x2: {  	s1 =	rddreg [dreg:$0x1];
	s11 =	stileid.u32  }
0x3: {  	s3 =	srdreg.scid;
	s2 =	rddreg [dreg:$0x2];
	s4 =	simm.s32 $0x0  }
0x4: {  	s19 =	simm.s32 $0x50;
	s28 =	simm.s32 $0xEC40;
	s30 =	simm.s32 $0x10040  }
0x5: {  	s29 =	simm.s32 $0x3;
	s31 =	simm.s32 $0x4;
	s5 =	smul.u32 $0x9C4, s11  }
0x6: {  	s12 =	simm.s32 $0xD;
	s13 =	simm.s32 $0xE;
	s7 =	smul.u32 $0xA000, s11  }
0x7: {  	s14 =	simm.s32 $0xF;
	s3 =	sand.u32 $0x1, s3;
	s11 =	smul.u32 $0x28000, s11  }
0x8: {  	[smem:$0x7FF] =	sst s4;
	s4 =	sadd.s32 $0x84600, s0;
	s6 =	smul.u32 $0xA0000, s3  }
0x9: {  	_ =	strace $0x8000004A;
	s9 =	ssub.s32 $0x2, s3;
	s16 =	smul.u32 $0x2800, s3  }
0xa: {  	s3 =	simm.s32 $0x6;
	s8 =	sadd.s32 s5, s0;
	s10 =	sshrl.u32 s9, $0x1  }
0xb: {  	s1 =	sadd.s32 s1, s5;
	s17 =	sshrl.u32 s11, $0x2;
	s18 =	sadd.s32 s7, s2  }
0xc: {  	s5 =	simm.s32 $0x7;
	s8 =	sadd.s32 $0x2800, s8;
	[dreg:$0x5] =	wrdreg s1  }
0xd: {  	s15 =	ssub.s32 s9, s10;
	s1 =	sadd.s32 s17, s2;
	[dreg:$0x4] =	wrdreg s8  }
0xe: {  	s11 =	simm.s32 $0xC;
	s20 =	smax.u32 s15, $0x1;
	[dreg:$0x7] =	wrdreg s1  }
0xf: {  	s6 =	sadd.s32 s7, s6;
	s21 =	sadd.s32 $0x1400, s1;
	[dreg:$0x8] =	wrdreg s20  }
0x10: {  	s17 =	simm.s32 $0x11;
	s22 =	sadd.s32 $0x2800, s1;
	[dreg:$0x9] =	wrdreg s21  }
0x11: {  	s7 =	simm.s32 $0x9;
	s23 =	sadd.s32 $0x3C00, s1;
	[dreg:$0xa] =	wrdreg s22  }
0x12: {  	s9 =	simm.s32 $0xA;
	s24 =	sadd.s32 $0x5000, s1;
	[dreg:$0xb] =	wrdreg s23  }
0x13: {  	s10 =	simm.s32 $0xB;
	s25 =	sadd.s32 $0x6400, s1;
	[dreg:$0xc] =	wrdreg s24  }
0x14: {  	v0 =	vmov s16;
	s16 =	simm.s32 $0x0;
	s26 =	sadd.s32 $0x7800, s1;
	[dreg:$0xd] =	wrdreg s25  }
0x15: {  	s6 =	sshrl.u32 s6, $0x3;
	s1 =	sadd.s32 $0x8C00, s1;
	[dreg:$0xe] =	wrdreg s26  }
0x16: {  	s15 =	simm.s32 $0x10;
	s0 =	sadd.s32 s6, s0;
	[dreg:$0xf] =	wrdreg s1  }
.Ltmp0:
0x17: {  	s20 =	simm.s32 $0xB040;
	s22 =	simm.s32 $0xC440;
	(pc) =	sbr.rel .LBB2_1-.Ltmp0, $4  }
0x18: {  	s25 =	simm.s32 $0xD840;
	s1 =	simm.s32 $0x11440;
	s21 =	simm.s32 $0x9C40  }
0x19: {  	s23 =	simm.s32 $0x1;
	s26 =	simm.s32 $0x2;
	s0 =	sadd.s32 $0xAC600, s0  }
0x1a: {  	s6 =	simm.s32 $0x8;
	[dreg:$0x6] =	wrdreg s0;
	s0 =	sshrl.u32 s18, $0x3  }
0x1b: {  	v1 =	vimm.f32 $0.0e+00;
	s18 =	simm.s32 $0x12840;
	[dreg:$0x10] =	wrdreg s0;
	s0 =	simm.s32 $0x5  }
.LBB2_8:
0x1c: {  	_ =	swait.ge [sflag:s11], $0x1400  }
0x1d: {  	[sflag:s11] =	ssyncset.done $0x0  }
0x1e: {  	[sflag:s11] =	ssyncadd.s32 $0xFFFFEC00  }
0x1f: {  	_ =	swait.ge [sflag:s12], $0x1400  }
0x20: {  	[sflag:s12] =	ssyncset.done $0x0  }
0x21: {  	[sflag:s12] =	ssyncadd.s32 $0xFFFFEC00  }
0x22: {  	_ =	swait.ge [sflag:s13], $0x1400  }
0x23: {  	[sflag:s13] =	ssyncset.done $0x0  }
0x24: {  	[sflag:s13] =	ssyncadd.s32 $0xFFFFEC00  }
0x25: {  	_ =	swait.ge [sflag:s14], $0x1400  }
0x26: {  	[sflag:s14] =	ssyncset.done $0x0  }
0x27: {  	[sflag:s14] =	ssyncadd.s32 $0xFFFFEC00  }
0x28: {  	_ =	swait.ge [sflag:s15], $0x1400  }
0x29: {  	[sflag:s15] =	ssyncset.done $0x0  }
0x2a: {  	[sflag:s15] =	ssyncadd.s32 $0xFFFFEC00  }
0x2b: {  	_ =	swait.ge [sflag:s23], $0x1400  }
0x2c: {  	[sflag:s23] =	ssyncset.done $0x0  }
0x2d: {  	s8 =	simm.s32 $0x9BA0;
	[sflag:s23] =	ssyncadd.s32 $0xFFFFEC00  }
0x2e: {  	[spmem:s2] =	stream.indirect.scatter.add.f32 [tilespmem:s21], [sflag:$0x9], $0x40, s8, s19, $0xb8;
	[tilespmem:$0x1DC40] =	vst v63  }
0x2f: {  	_ =	swait.ge [sflag:s26], $0x1400  }
0x30: {  	[sflag:s26] =	ssyncset.done $0x0  }
0x31: {  	s16 =	simm.s32 $0x9BF0;
	[sflag:s26] =	ssyncadd.s32 $0xFFFFEC00  }
0x32: {  	[spmem:s2] =	stream.indirect.scatter.add.f32 [tilespmem:s20], [sflag:$0xA], $0x40, s16, s19, $0xb8;
	[tilespmem:$0x1DC40] =	vst v63  }
0x33: {  	_ =	swait.ge [sflag:s7], $0x1400  }
0x34: {  	[sflag:s7] =	ssyncset.done $0x0  }
0x35: {  	[sflag:s7] =	ssyncadd.s32 $0xFFFFEC00  }
0x36: {  	_ =	swait.ge [sflag:s9], $0x1400  }
0x37: {  	[sflag:s9] =	ssyncset.done $0x0  }
0x38: {  	[sflag:s9] =	ssyncadd.s32 $0xFFFFEC00  }
0x39: {  	s24 =	stileid.u32;
	[bflag:$0x0] =	sbarrier.arrive $0xFFFF  }
0x3a: {  	s8 =	sshll.u32 s24, $0x6;
	s16 =	rddreg [dreg:$0x6]  }
0x3b: {  	s8 =	sor.u32 $0x1C11, s8;
	s24 =	rddreg [dreg:$0x10]  }
0x3c: {  	[hbm:s16], [sflag:s8] =	dma.local [spmem:s24], $0x1400  }
0x3d: {  	_ =	swait.ge [sflag:s17], $0x1400  }
0x3e: {  	s8 =	rddreg [dreg:$0x11]  }
0x3f: {  	s24 =	rddreg [dreg:$0x8];
	s16 =	sadd.s32 $0x1, s8  }
0x40: {  	p0 =	sne.s32 s16, s24  }
.Ltmp1:
0x41: {  	_ = 	snop;
	(pc) =	sbr.rel @!p0 .LBB2_9-.Ltmp1, $3  }
0x42: {  	_ =	sdelay $0x1  }
0x43: {  	[sflag:s17] =	ssyncset.done $0x0  }
0x44: {  	[sflag:s17] =	ssyncadd.s32 $0xFFFFEC00  }
.LBB2_1:
0x45: {  	[dreg:$0x11] =	wrdreg s16  }
0x46: {  	s8 =	simm.s32 $0x0;
	s24 =	rddreg [dreg:$0x4]  }
0x47: {  	[tilespmem:s8], [sflag:$0x11] =	stream.linear.gather [hbm4b:s24+s8], $0x4E20, $0x38;
	[tilespmem:$0x1DC40] =	vst v63  }
0x48: {  	_ =	swait.ge [sflag:s17], $0x4E20  }
0x49: {  	[sflag:s17] =	ssyncset.done $0x0  }
0x4a: {  	s24 =	simm.s32 $0x4E20;
	s16 =	rddreg [dreg:$0x5];
	[sflag:s17] =	ssyncadd.s32 $0xFFFFB1E0  }
0x4b: {  	[tilespmem:s24], [sflag:$0x11] =	stream.linear.gather [hbm4b:s16+s8], $0x4E20, $0x38;
	[tilespmem:$0x1DC40] =	vst v63  }
0x4c: {  	_ =	swait.ge [sflag:s17], $0x4E20  }
0x4d: {  	[sflag:s17] =	ssyncset.done $0x0  }
0x4e: {  	s8 =	simm.s32 $0x0;
	s24 =	simm.s32 $0x40;
	[sflag:s17] =	ssyncadd.s32 $0xFFFFB1E0  }
.LBB2_2:
0x4f: {  	p0 =	sne.s32 s24, $0x13840;
	v2 =	vld [tilespmem:s8+$0x0];
	_ =	sdelay $0x1  }
.Ltmp2:
0x50: {  	(pc) =	sbr.rel @p0 .LBB2_2-.Ltmp2, $3  }
0x51: {  	_ =	sdelay $0x1  }
0x52: {  	v2 =	vadd.s32 v0, v2  }
0x53: {  	[tilespmem:s8+$0x0] =	vst v2;
	s8 =	sshra.s32 s24, $0x2;
	s24 =	sadd.s32 $0x40, s24  }
0x54: {  	v2 =	vld [tilespmem:s8+$0x0];
	_ =	sdelay $0x4  }
0x55: {  	v2 =	vadd.s32 v0, v2  }
0x56: {  	[tilespmem:s8+$0x0] =	vst v2  }
0x57: {  	[tilespmem:s20], [sflag:$0x2] =	stream.indirect.gather [hbm4b:s4+s19], $0x40, s19, s19, $0xb8;
	[tilespmem:$0x1DC40] =	vst v63  }
0x58: {  	s16 =	simm.s32 $0xA0  }
0x59: {  	[tilespmem:s22], [sflag:$0x3] =	stream.indirect.gather [hbm4b:s4+s19], $0x40, s16, s19, $0xb8;
	[tilespmem:$0x1DC40] =	vst v63  }
0x5a: {  	s24 =	simm.s32 $0xF0  }
0x5b: {  	[tilespmem:s25], [sflag:$0x4] =	stream.indirect.gather [hbm4b:s4+s19], $0x40, s24, s19, $0xb8;
	[tilespmem:$0x1DC40] =	vst v63  }
0x5c: {  	s16 =	simm.s32 $0x140  }
0x5d: {  	[tilespmem:s28], [sflag:$0x5] =	stream.indirect.gather [hbm4b:s4+s19], $0x40, s16, s19, $0xb8;
	[tilespmem:$0x1DC40] =	vst v63  }
0x5e: {  	s24 =	simm.s32 $0x190  }
0x5f: {  	[tilespmem:s30], [sflag:$0x6] =	stream.indirect.gather [hbm4b:s4+s19], $0x40, s24, s19, $0xb8;
	[tilespmem:$0x1DC40] =	vst v63  }
0x60: {  	s16 =	simm.s32 $0x1E0  }
0x61: {  	[tilespmem:s1], [sflag:$0x7] =	stream.indirect.gather [hbm4b:s4+s19], $0x40, s16, s19, $0xb8;
	[tilespmem:$0x1DC40] =	vst v63  }
0x62: {  	s24 =	simm.s32 $0x230  }
0x63: {  	[tilespmem:s18], [sflag:$0x8] =	stream.indirect.gather [hbm4b:s4+s19], $0x40, s24, s19, $0xb8;
	[tilespmem:$0x1DC40] =	vst v63  }
0x64: {  	s8 =	simm.s32 $0x0;
	s24 =	simm.s32 $0x100  }
.LBB2_4:
0x65: {  	p0 =	sne.s32 s24, $0x4F00;
	[tilespmem:s8+$0x9C70] =	vst v1;
	s16 =	smov.u32 s24;
	s24 =	sadd.s32 $0x100, s24  }
.Ltmp3:
0x66: {  	[tilespmem:s8+$0x9C60] =	vst v1;
	(pc) =	sbr.rel @p0 .LBB2_4-.Ltmp3, $3  }
0x67: {  	[tilespmem:s8+$0x9C40] =	vst v1  }
0x68: {  	[tilespmem:s8+$0x9C50] =	vst v1;
	_ =	sdelay $0x1  }
0x69: {  	s8 =	sshra.s32 s16, $0x2  }
0x6a: {  	[tilespmem:s8+$0x9C70] =	vst v1  }
0x6b: {  	[tilespmem:s8+$0x9C60] =	vst v1  }
0x6c: {  	[tilespmem:s8+$0x9C40] =	vst v1  }
0x6d: {  	[tilespmem:s8+$0x9C50] =	vst v1;
	s16 =	rddreg [dreg:$0x7]  }
0x6e: {  	[spmem:s16] =	stream.linear.scatter [tilespmem:s21], [sflag:$0x11], $0x1400, $0x38;
	[tilespmem:$0x1DC40] =	vst v63  }
0x6f: {  	_ =	swait.ge [sflag:s17], $0x1400  }
0x70: {  	[sflag:s17] =	ssyncset.done $0x0  }
0x71: {  	s24 =	rddreg [dreg:$0x9];
	[sflag:s17] =	ssyncadd.s32 $0xFFFFEC00  }
0x72: {  	[spmem:s24] =	stream.linear.scatter [tilespmem:s21], [sflag:$0x11], $0x1400, $0x38;
	[tilespmem:$0x1DC40] =	vst v63  }
0x73: {  	_ =	swait.ge [sflag:s17], $0x1400  }
0x74: {  	[sflag:s17] =	ssyncset.done $0x0  }
0x75: {  	s16 =	rddreg [dreg:$0xa];
	[sflag:s17] =	ssyncadd.s32 $0xFFFFEC00  }
0x76: {  	[spmem:s16] =	stream.linear.scatter [tilespmem:s21], [sflag:$0x11], $0x1400, $0x38;
	[tilespmem:$0x1DC40] =	vst v63  }
0x77: {  	_ =	swait.ge [sflag:s17], $0x1400  }
0x78: {  	[sflag:s17] =	ssyncset.done $0x0  }
0x79: {  	s24 =	rddreg [dreg:$0xb];
	[sflag:s17] =	ssyncadd.s32 $0xFFFFEC00  }
0x7a: {  	[spmem:s24] =	stream.linear.scatter [tilespmem:s21], [sflag:$0x11], $0x1400, $0x38;
	[tilespmem:$0x1DC40] =	vst v63  }
0x7b: {  	_ =	swait.ge [sflag:s17], $0x1400  }
0x7c: {  	[sflag:s17] =	ssyncset.done $0x0  }
0x7d: {  	s16 =	rddreg [dreg:$0xc];
	[sflag:s17] =	ssyncadd.s32 $0xFFFFEC00  }
0x7e: {  	[spmem:s16] =	stream.linear.scatter [tilespmem:s21], [sflag:$0x11], $0x1400, $0x38;
	[tilespmem:$0x1DC40] =	vst v63  }
0x7f: {  	_ =	swait.ge [sflag:s17], $0x1400  }
0x80: {  	[sflag:s17] =	ssyncset.done $0x0  }
0x81: {  	s24 =	rddreg [dreg:$0xd];
	[sflag:s17] =	ssyncadd.s32 $0xFFFFEC00  }
0x82: {  	[spmem:s24] =	stream.linear.scatter [tilespmem:s21], [sflag:$0x11], $0x1400, $0x38;
	[tilespmem:$0x1DC40] =	vst v63  }
0x83: {  	_ =	swait.ge [sflag:s17], $0x1400  }
0x84: {  	[sflag:s17] =	ssyncset.done $0x0  }
0x85: {  	s16 =	rddreg [dreg:$0xe];
	[sflag:s17] =	ssyncadd.s32 $0xFFFFEC00  }
0x86: {  	[spmem:s16] =	stream.linear.scatter [tilespmem:s21], [sflag:$0x11], $0x1400, $0x38;
	[tilespmem:$0x1DC40] =	vst v63  }
0x87: {  	_ =	swait.ge [sflag:s17], $0x1400  }
0x88: {  	[sflag:s17] =	ssyncset.done $0x0  }
0x89: {  	s24 =	rddreg [dreg:$0xf];
	[sflag:s17] =	ssyncadd.s32 $0xFFFFEC00  }
0x8a: {  	[spmem:s24] =	stream.linear.scatter [tilespmem:s21], [sflag:$0x11], $0x1400, $0x38;
	[tilespmem:$0x1DC40] =	vst v63  }
0x8b: {  	_ =	swait.ge [sflag:s17], $0x1400  }
0x8c: {  	[sflag:s17] =	ssyncset.done $0x0  }
0x8d: {  	s24 =	simm.s32 $0x0;
	[sflag:s17] =	ssyncadd.s32 $0xFFFFEC00  }
0x8e: {  	[tilespmem:s21], [sflag:$0x1] =	stream.indirect.gather [hbm4b:s4+s19], $0x40, s24, s19, $0xb8;
	[tilespmem:$0x1DC40] =	vst v63  }
0x8f: {  	[bflag:$0x0] =	sbarrier.arrive $0xFFFF  }
.LBB2_6:
0x90: {  	_ =	swait.ge [sflag:s23], $0x1400  }
0x91: {  	s8 =	sshra.s32 s24, $0x2;
	[sflag:s23] =	ssyncset.done $0x0  }
0x92: {  	s16 =	sadd.s32 $0x4E20, s8;
	[sflag:s23] =	ssyncadd.s32 $0xFFFFEC00  }
0x93: {  	[spmem:s2] =	stream.indirect.scatter.add.f32 [tilespmem:s21], [sflag:$0x9], $0x40, s16, s19, $0xb8;
	[tilespmem:$0x1DC40] =	vst v63  }
0x94: {  	_ =	swait.ge [sflag:s26], $0x1400  }
0x95: {  	[sflag:s26] =	ssyncset.done $0x0  }
0x96: {  	s16 =	sadd.s32 $0x4E70, s8;
	[sflag:s26] =	ssyncadd.s32 $0xFFFFEC00  }
0x97: {  	[spmem:s2] =	stream.indirect.scatter.add.f32 [tilespmem:s20], [sflag:$0xA], $0x40, s16, s19, $0xb8;
	[tilespmem:$0x1DC40] =	vst v63  }
0x98: {  	_ =	swait.ge [sflag:s29], $0x1400  }
0x99: {  	[sflag:s29] =	ssyncset.done $0x0  }
0x9a: {  	s16 =	sadd.s32 $0x4EC0, s8;
	[sflag:s29] =	ssyncadd.s32 $0xFFFFEC00  }
0x9b: {  	[spmem:s2] =	stream.indirect.scatter.add.f32 [tilespmem:s22], [sflag:$0xB], $0x40, s16, s19, $0xb8;
	[tilespmem:$0x1DC40] =	vst v63  }
0x9c: {  	_ =	swait.ge [sflag:s31], $0x1400  }
0x9d: {  	[sflag:s31] =	ssyncset.done $0x0  }
0x9e: {  	s16 =	sadd.s32 $0x4F10, s8;
	[sflag:s31] =	ssyncadd.s32 $0xFFFFEC00  }
0x9f: {  	[spmem:s2] =	stream.indirect.scatter.add.f32 [tilespmem:s25], [sflag:$0xC], $0x40, s16, s19, $0xb8;
	[tilespmem:$0x1DC40] =	vst v63  }
0xa0: {  	_ =	swait.ge [sflag:s0], $0x1400  }
0xa1: {  	[sflag:s0] =	ssyncset.done $0x0  }
0xa2: {  	s16 =	sadd.s32 $0x4F60, s8;
	[sflag:s0] =	ssyncadd.s32 $0xFFFFEC00  }
0xa3: {  	[spmem:s2] =	stream.indirect.scatter.add.f32 [tilespmem:s28], [sflag:$0xD], $0x40, s16, s19, $0xb8;
	[tilespmem:$0x1DC40] =	vst v63  }
0xa4: {  	_ =	swait.ge [sflag:s3], $0x1400  }
0xa5: {  	[sflag:s3] =	ssyncset.done $0x0  }
0xa6: {  	s16 =	sadd.s32 $0x4FB0, s8;
	[sflag:s3] =	ssyncadd.s32 $0xFFFFEC00  }
0xa7: {  	[spmem:s2] =	stream.indirect.scatter.add.f32 [tilespmem:s30], [sflag:$0xE], $0x40, s16, s19, $0xb8;
	[tilespmem:$0x1DC40] =	vst v63  }
0xa8: {  	_ =	swait.ge [sflag:s5], $0x1400  }
0xa9: {  	[sflag:s5] =	ssyncset.done $0x0  }
0xaa: {  	s16 =	sadd.s32 $0x5000, s8;
	[sflag:s5] =	ssyncadd.s32 $0xFFFFEC00  }
0xab: {  	[spmem:s2] =	stream.indirect.scatter.add.f32 [tilespmem:s1], [sflag:$0xF], $0x40, s16, s19, $0xb8;
	[tilespmem:$0x1DC40] =	vst v63  }
0xac: {  	_ =	swait.ge [sflag:s6], $0x1400  }
0xad: {  	[sflag:s6] =	ssyncset.done $0x0  }
0xae: {  	s16 =	sadd.s32 $0x5050, s8;
	[sflag:s6] =	ssyncadd.s32 $0xFFFFEC00  }
0xaf: {  	[spmem:s2] =	stream.indirect.scatter.add.f32 [tilespmem:s18], [sflag:$0x10], $0x40, s16, s19, $0xb8;
	[tilespmem:$0x1DC40] =	vst v63  }
0xb0: {  	_ =	swait.ge [sflag:s7], $0x1400  }
0xb1: {  	[sflag:s7] =	ssyncset.done $0x0  }
0xb2: {  	s16 =	sadd.s32 $0x280, s8;
	[sflag:s7] =	ssyncadd.s32 $0xFFFFEC00  }
0xb3: {  	[tilespmem:s21], [sflag:$0x1] =	stream.indirect.gather [hbm4b:s4+s19], $0x40, s16, s19, $0xb8;
	[tilespmem:$0x1DC40] =	vst v63  }
0xb4: {  	_ =	swait.ge [sflag:s9], $0x1400  }
0xb5: {  	p0 =	seq.s32 s24, $0x12C00;
	[sflag:s9] =	ssyncset.done $0x0  }
.Ltmp4:
0xb6: {  	s16 =	sadd.s32 $0x2D0, s8;
	[sflag:s9] =	ssyncadd.s32 $0xFFFFEC00;
	(pc) =	sbr.rel @p0 .LBB2_8-.Ltmp4, $4  }
0xb7: {  	[tilespmem:s20], [sflag:$0x2] =	stream.indirect.gather [hbm4b:s4+s19], $0x40, s16, s19, $0xb8;
	[tilespmem:$0x1DC40] =	vst v63  }
0xb8: {  	_ =	swait.ge [sflag:s10], $0x1400  }
0xb9: {  	[sflag:s10] =	ssyncset.done $0x0  }
0xba: {  	[sflag:s10] =	ssyncadd.s32 $0xFFFFEC00  }
0xbb: {  	s16 =	sadd.s32 $0x320, s8  }
0xbc: {  	[tilespmem:s22], [sflag:$0x3] =	stream.indirect.gather [hbm4b:s4+s19], $0x40, s16, s19, $0xb8;
	[tilespmem:$0x1DC40] =	vst v63  }
0xbd: {  	_ =	swait.ge [sflag:s11], $0x1400  }
0xbe: {  	[sflag:s11] =	ssyncset.done $0x0  }
0xbf: {  	s16 =	sadd.s32 $0x370, s8;
	[sflag:s11] =	ssyncadd.s32 $0xFFFFEC00  }
0xc0: {  	[tilespmem:s25], [sflag:$0x4] =	stream.indirect.gather [hbm4b:s4+s19], $0x40, s16, s19, $0xb8;
	[tilespmem:$0x1DC40] =	vst v63  }
0xc1: {  	_ =	swait.ge [sflag:s12], $0x1400  }
0xc2: {  	[sflag:s12] =	ssyncset.done $0x0  }
0xc3: {  	s16 =	sadd.s32 $0x3C0, s8;
	[sflag:s12] =	ssyncadd.s32 $0xFFFFEC00  }
0xc4: {  	[tilespmem:s28], [sflag:$0x5] =	stream.indirect.gather [hbm4b:s4+s19], $0x40, s16, s19, $0xb8;
	[tilespmem:$0x1DC40] =	vst v63  }
0xc5: {  	_ =	swait.ge [sflag:s13], $0x1400  }
0xc6: {  	[sflag:s13] =	ssyncset.done $0x0  }
0xc7: {  	s16 =	sadd.s32 $0x410, s8;
	[sflag:s13] =	ssyncadd.s32 $0xFFFFEC00  }
0xc8: {  	[tilespmem:s30], [sflag:$0x6] =	stream.indirect.gather [hbm4b:s4+s19], $0x40, s16, s19, $0xb8;
	[tilespmem:$0x1DC40] =	vst v63  }
0xc9: {  	_ =	swait.ge [sflag:s14], $0x1400  }
0xca: {  	[sflag:s14] =	ssyncset.done $0x0  }
0xcb: {  	s16 =	sadd.s32 $0x460, s8;
	[sflag:s14] =	ssyncadd.s32 $0xFFFFEC00  }
0xcc: {  	[tilespmem:s1], [sflag:$0x7] =	stream.indirect.gather [hbm4b:s4+s19], $0x40, s16, s19, $0xb8;
	[tilespmem:$0x1DC40] =	vst v63  }
.Ltmp5:
0xcd: {  	_ = 	snop;
	(pc) =	sbr.rel .LBB2_6-.Ltmp5, $4  }
0xce: {  	_ =	swait.ge [sflag:s15], $0x1400  }
0xcf: {  	[sflag:s15] =	ssyncset.done $0x0  }
0xd0: {  	s24 =	sadd.s32 $0xA00, s24;
	s16 =	sadd.s32 $0x4B0, s8;
	[sflag:s15] =	ssyncadd.s32 $0xFFFFEC00  }
0xd1: {  	[tilespmem:s18], [sflag:$0x8] =	stream.indirect.gather [hbm4b:s4+s19], $0x40, s16, s19, $0xb8;
	[tilespmem:$0x1DC40] =	vst v63  }
.LBB2_9:
0xd2: {  	_ =	sfence.sel $0x180000  }
0xd3: {  	[bflag:$0x0] =	sbarrier.arrive $0xFFFF  }
0xd4: {  	_ =	strace $0x9000004A  }
0xd5: {  	s0 =	stileid.u32;
	[bflag:$0x2] =	sbarrier.arrive $0xFFFF  }
0xd6: {  	p0 =	sne.s32 s0, $0x0;
	s0 =	rddreg [dreg:$0x3]  }
0xd7: {  	s0 =	sadd.s32 @!p0 $0x100000, s0  }
0xd8: {  	[sflag:s0] =	ssyncadd.tile.s32 @!p0 $0x1;
	_ =	shalt  }
.Lfunc_end2:
_tile_overlayer_lowered:
.L_overlay_start_2:
0xd9: {  	(tag) =	ssettag $0x2  }
0xda: {  	s0 =	rddreg [dreg:$0x0];
	s2 =	stileid.u32  }
0xdb: {  	s1 =	rddreg [dreg:$0x1];
	p0 =	sne.s32 s2, $0x0  }
0xdc: {  	s3 =	rddreg [dreg:$0x2];
	[bflag:$0x3] =	sbarrier.arrive $0xFFFF;
	s2 =	simm.s32 @!p0 $0x1C11  }
0xdd: {  	[timem:s3], [sflag:s2] =	dma.local @!p0 [hbm:s0], s1  }
0xde: {  	s0 =	simm.s32 @!p0 $0x11  }
0xdf: {  	_ =	swait.ge @!p0 [sflag:s0], s1  }
0xe0: {  	s1 =	ssub.s32 @!p0 $0x0, s1;
	[sflag:s0] =	ssyncset.done @!p0 $0x0  }
0xe1: {  	[sflag:s0] =	ssyncadd.s32 @!p0 s1  }
0xe2: {  	[bflag:$0x3] =	sbarrier.arrive $0xFFFF  }
0xe3: {  	_ =	shalt  }

// kernel: kernel.14.cloned.1.call-start
scs
__scs_entry_jumppad:
0x0: {  	(pc) =	sbr.rel $0x88, $3  }
0x1: {  	(tag) =	ssettag $0x0;
	lr =	simm.s32 $0x1  }
0x2: {  	[smem:$0x3F9B] =	sst lr;
	_ =	strace $0xD0000000  }
0x3: {  	_ = 	snop  }
0x4: {  	_ = 	snop  }
0x5: {  	_ = 	snop  }
0x6: {  	_ = 	snop  }
0x7: {  	_ = 	snop  }
__scs_overlays_trampoline_lowered:
0x8: {  	[smem:$0x3FAA] =	sst s0  }
0x9: {  	[smem:$0x3FAB] =	sst s1  }
0xa: {  	[smem:$0x3FAC] =	sst s2  }
0xb: {  	[smem:$0x3FAD] =	sst s3  }
0xc: {  	[smem:$0x3FAE] =	sst s4  }
0xd: {  	[smem:$0x3FAF] =	sst s5  }
0xe: {  	[smem:$0x3FB0] =	sst s6  }
0xf: {  	[smem:$0x3FB1] =	sst s7  }
0x10: {  	[smem:$0x3FB2] =	sst s8  }
0x11: {  	[smem:$0x3FB3] =	sst s9;
	s0 =	simm.s32 @!p0 $0x0  }
0x12: {  	s1 =	sld [smem:$0x3F99];
	s0 =	simm.s32 @p0 $0x1  }
0x13: {  	[smem:$0x3FB4] =	sst s0;
	s0 =	simm.s32 @!p1 $0x0  }
0x14: {  	s2 =	sld [smem:$0x3F98];
	s0 =	simm.s32 @p1 $0x1  }
0x15: {  	[smem:$0x3FB5] =	sst s0;
	s0 =	simm.s32 @!p2 $0x0  }
0x16: {  	s3 =	sld [smem:$0x3FDB];
	s0 =	simm.s32 @p2 $0x1  }
0x17: {  	s4 =	simm.s32 $0x1BF5;
	[smem:$0x3FB7] =	sst s0  }
0x18: {  	s0 =	sld [smem:$0x3F9A];
	_ =	swait.ge [sflag:s4], $0x0  }
0x19: {  	s7 =	sld [smem:$0x3F9B]  }
0x1a: {  	s8 =	sadd.s32 $0xFFFFE003, lr  }
0x1b: {  	s9 =	sadd.s32 $0xFFFFFEF7, lr;
	s5 =	simm.s32 $0xFFFFFFFF;
	p2 =	slt.u32 s8, $0xFFFFF086  }
0x1c: {  	p1 =	slt.u32 s9, $0xF7A;
	s5 =	simm.s32 @!p2 $0x0  }
0x1d: {  	s5 =	simm.s32 @p1 $0x1;
	p0 =	seq.s32 s7, s2  }
0x1e: {  	s7 =	smul.u32 @!p0 $0xF7A, s2;
	p2 =	seq.s32 @!p0 s5, $0x0  }
0x1f: {  	s9 =	smul.u32 $0xF7A, s1;
	s8 =	simm.s32 @!p0 $0x1BF5;
	p2 =	por !p2, p0  }
0x20: {  	[sflag:s8] =	ssyncset.s32 @!p0 $0xFFFFF086;
	s6 =	sadd.s32 @!p0 s3, s7;
	s7 =	simm.s32 @!p0 $0x108  }
0x21: {  	s3 =	sadd.s32 s3, s9;
	s6 =	sadd.s32 @!p0 $0x88, s6;
	s7 =	simm.s32 @p2 $0x1082  }
0x22: {  	[simem:s7], [sflag:s8] =	dma.local @!p0 [hbm:s6], $0xF7A  }
0x23: {  	s9 =	sor.u32 $0xD0000000, s2;
	s6 =	simm.s32 $0x108;
	_ =	swait.ge @!p0 [sflag:s8], $0x0  }
0x24: {  	s3 =	sadd.s32 $0x88, s3;
	s6 =	simm.s32 @!p1 $0x1082;
	[sflag:s4] =	ssyncset.s32 $0xFFFFF086  }
0x25: {  	[simem:s6], [sflag:s4] =	dma.local [hbm:s3], $0xF7A  }
0x26: {  	[smem:$0x3F9B] =	sst s1;
	(tag) =	ssettag s2;
	_ =	strace s9  }
0x27: {  	s1 =	sld [smem:$0x3FAB]  }
0x28: {  	s2 =	sld [smem:$0x3FAC]  }
0x29: {  	s4 =	sld [smem:$0x3FAE]  }
0x2a: {  	p0 =	seq.s32 s5, $0x0;
	s5 =	sld [smem:$0x3FAF]  }
0x2b: {  	s6 =	sld [smem:$0x3FB0]  }
0x2c: {  	s7 =	sld [smem:$0x3FB1]  }
0x2d: {  	s3 =	simm.s32 $0x108;
	s8 =	sld [smem:$0x3FB2]  }
0x2e: {  	s3 =	simm.s32 @!p0 $0x1082;
	s9 =	sld [smem:$0x3FB3]  }
0x2f: {  	lr =	sadd.s32 s0, s3;
	s0 =	sld [smem:$0x3FAA]  }
0x30: {  	s3 =	sld [smem:$0x3FAD]  }
0x31: {  	[smem:$0x3FB6] =	sst s10  }
0x32: {  	s10 =	sld [smem:$0x3FB4];
	_ =	sdelay $0x3  }
0x33: {  	p0 =	seq.s32 s10, $0x1;
	s10 =	sld [smem:$0x3FB6];
	_ =	sdelay $0x3  }
0x34: {  	[smem:$0x3FB6] =	sst s10  }
0x35: {  	s10 =	sld [smem:$0x3FB5];
	_ =	sdelay $0x3  }
0x36: {  	p1 =	seq.s32 s10, $0x1;
	s10 =	sld [smem:$0x3FB6];
	_ =	sdelay $0x3  }
0x37: {  	[smem:$0x3FB6] =	sst s10  }
0x38: {  	s10 =	sld [smem:$0x3FB7]  }
0x39: {  	_ = 	snop;
	(pc) =	sbr.ind lr, $3  }
0x3a: {  	_ = 	snop  }
0x3b: {  	_ = 	snop  }
0x3c: {  	p2 =	seq.s32 s10, $0x1;
	s10 =	sld [smem:$0x3FB6]  }
0x3d: {  	_ =	shalt  }
0x3e: {  	_ =	shalt  }
0x3f: {  	_ =	shalt  }
0x40: {  	_ =	shalt  }
0x41: {  	_ =	shalt  }
0x42: {  	_ =	shalt  }
0x43: {  	_ =	shalt  }
0x44: {  	_ =	shalt  }
0x45: {  	_ =	shalt  }
0x46: {  	_ =	shalt  }
0x47: {  	_ =	shalt  }
0x48: {  	_ =	shalt  }
0x49: {  	_ =	shalt  }
0x4a: {  	_ =	shalt  }
0x4b: {  	_ =	shalt  }
0x4c: {  	_ =	shalt  }
0x4d: {  	_ =	shalt  }
0x4e: {  	_ =	shalt  }
0x4f: {  	_ =	shalt  }
0x50: {  	_ =	shalt  }
0x51: {  	_ =	shalt  }
0x52: {  	_ =	shalt  }
0x53: {  	_ =	shalt  }
0x54: {  	_ =	shalt  }
0x55: {  	_ =	shalt  }
0x56: {  	_ =	shalt  }
0x57: {  	_ =	shalt  }
0x58: {  	_ =	shalt  }
0x59: {  	_ =	shalt  }
0x5a: {  	_ =	shalt  }
0x5b: {  	_ =	shalt  }
0x5c: {  	_ =	shalt  }
0x5d: {  	_ =	shalt  }
0x5e: {  	_ =	shalt  }
0x5f: {  	_ =	shalt  }
0x60: {  	_ =	shalt  }
0x61: {  	_ =	shalt  }
0x62: {  	_ =	shalt  }
0x63: {  	_ =	shalt  }
0x64: {  	_ =	shalt  }
0x65: {  	_ =	shalt  }
0x66: {  	_ =	shalt  }
0x67: {  	_ =	shalt  }
0x68: {  	_ =	shalt  }
0x69: {  	_ =	shalt  }
0x6a: {  	_ =	shalt  }
0x6b: {  	_ =	shalt  }
0x6c: {  	_ =	shalt  }
0x6d: {  	_ =	shalt  }
0x6e: {  	_ =	shalt  }
0x6f: {  	_ =	shalt  }
0x70: {  	_ =	shalt  }
0x71: {  	_ =	shalt  }
0x72: {  	_ =	shalt  }
0x73: {  	_ =	shalt  }
0x74: {  	_ =	shalt  }
0x75: {  	_ =	shalt  }
0x76: {  	_ =	shalt  }
0x77: {  	_ =	shalt  }
0x78: {  	_ =	shalt  }
0x79: {  	_ =	shalt  }
0x7a: {  	_ =	shalt  }
0x7b: {  	_ =	shalt  }
0x7c: {  	_ =	shalt  }
0x7d: {  	_ =	shalt  }
0x7e: {  	_ =	shalt  }
0x7f: {  	_ =	shalt  }
0x80: {  	_ =	shalt  }
0x81: {  	_ =	shalt  }
0x82: {  	_ =	shalt  }
0x83: {  	_ =	shalt  }
0x84: {  	_ =	shalt  }
0x85: {  	_ =	shalt  }
0x86: {  	_ =	shalt  }
0x87: {  	_ =	shalt  }
.Lfunc_end0:
.L_simem_size_0:
called_computation.2_lowered:
.L_overlay_start_0:
0x88: {  	s2 =	sld [smem:$0x3FD9]  }
0x89: {  	s3 =	sld [smem:$0x3FFE];
	_ =	sdelay $0x1  }
0x8a: {  	s1 =	srdreg.scid  }
0x8b: {  	s0 =	sand.u32 $0x1, s1  }
0x8c: {  	s17 =	sshll.u32 s0, $0xA;
	s2 =	sadd.s32 s3, s2  }
0x8d: {  	s2 =	sadd.s32 s2, s17  }
0x8e: {  	[smem:$0x3FC2] =	sst s2  }
0x8f: {  	_ = 	snop  }
0x90: {  	s2 =	sld [smem:$0x3FD0];
	(tm) =	ssettm $0x1  }
0x91: {  	s18 =	sld [smem:$0x3FFB];
	_ =	sdelay $0x3  }
0x92: {  	_ =	strace s18  }
0x93: {  	s3 =	sld [smem:$0x3FFC];
	_ =	sdelay $0x3  }
0x94: {  	_ =	strace s3  }
0x95: {  	s3 =	sld [smem:$0x3FFD];
	_ =	sdelay $0x3  }
0x96: {  	_ =	strace s3  }
0x97: {  	_ =	strace $0x8FFFFFFF  }
0x98: {  	s19 =	sld [smem:$0x3FDB];
	_ =	sdelay $0x1  }
0x99: {  	s4 =	simm.s32 $_scs_section_size  }
0x9a: {  	s5 =	simm.s32 $_size__tile_overlayer_lowered;
	s6 =	simm.s32 $_tile_overlayer_lowered  }
0x9b: {  	s22 =	simm.s32 $0x1BFF;
	s21 =	sshll.u32 s6, $0x1;
	s3 =	sadd.s32 s4, s19  }
0x9c: {  	s7 =	simm.s32 $0x0;
	s20 =	sshll.u32 s5, $0x1;
	s5 =	sadd.s32 s21, s3  }
0x9d: {  	[timem:s7], [sflag:s22] =	dma.local [hbm:s5], s20  }
0x9e: {  	_ =	swait.ge [sflag:s22], s20  }
0x9f: {  	s4 =	ssub.s32 $0x0, s20;
	[sflag:s22] =	ssyncset.done $0x0  }
0xa0: {  	[sflag:s22] =	ssyncadd.s32 s4;
	_ =	sdelay $0x1  }
0xa1: {  	s23 =	simm.s32 $0x1B8B  }
0xa2: {  	_ =	swait.ge [sflag:s23], $0x1  }
0xa3: {  	[sflag:s23] =	ssyncset.done $0x0  }
0xa4: {  	s25 =	simm.s32 $0x1B8E;
	s24 =	sld [smem:$0x3FFE];
	[sflag:s23] =	ssyncadd.s32 $0xFFFFFFFF  }
0xa5: {  	s26 =	simm.s32 $execute0_lowered;
	[smem:$0x3FD2] =	sst s25  }
0xa6: {  	s5 =	sshll.u32 s26, $0x1;
	_ =	strace $0x8000004C;
	[dreg:$0x1] =	wrdreg $0xFFFFFFFF  }
0xa7: {  	s28 =	simm.s32 $_size_execute0_lowered;
	s3 =	sadd.s32 s3, s5;
	[dreg:$0x0] =	wrdreg $0x0  }
0xa8: {  	s5 =	sshll.u32 s28, $0x1;
	[dreg:$0x2] =	wrdreg s3  }
0xa9: {  	[dreg:$0x3] =	wrdreg s5  }
0xaa: {  	[dreg:$0x4] =	wrdreg $0xC0  }
0xab: {  	_ =	task [dreg:s7], $0x5FFFF  }
0xac: {  	[dreg:$0x1] =	wrdreg $0xFFFFFFFF  }
0xad: {  	[dreg:$0x0] =	wrdreg $0x60  }
0xae: {  	[dreg:$0x2] =	wrdreg s24  }
0xaf: {  	[dreg:$0x3] =	wrdreg s2  }
0xb0: {  	[dreg:$0x4] =	wrdreg $0x13C400  }
0xb1: {  	[dreg:$0x5] =	wrdreg $0x9  }
0xb2: {  	_ =	task.clear_ibuf [dreg:s7], $0x6FFFF;
	_ =	strace $0x9000004C  }
0xb3: {  	s29 =	simm.s32 $0x9;
	_ =	strace $0x8000004E  }
0xb4: {  	_ =	swait.ge [sflag:s29], $0x1  }
0xb5: {  	[sflag:s29] =	ssyncadd.s32 $0xFFFFFFFF  }
0xb6: {  	_ =	strace $0x9000004E  }
0xb7: {  	_ =	sfence  }
0xb8: {  	s30 =	sld [smem:$0x0];
	_ =	sdelay $0x2  }
0xb9: {  	s31 =	sshll.u32 s1, $0xD;
	s1 =	sshrl.u32 s1, $0x2  }
0xba: {  	s3 =	sand.u32 $0x4000, s31;
	s1 =	sadd.s32 s1, s30  }
0xbb: {  	s0 =	sor.u32 s3, s0;
	s1 =	sshll.u32 s1, $0x11  }
0xbc: {  	s0 =	sor.u32 s1, s0  }
0xbd: {  	s0 =	sadd.s32 $0x8F2B, s0  }
0xbe: {  	[sflag:s0] =	ssyncadd.remote.s32 $0x1  }
0xbf: {  	_ =	sfence.sel $0xFFFF  }
0xc0: {  	[dreg:$0x0] =	wrdreg $0xFFFFFFFF;
	(pc) =	sbr.abs _section_cstart, $3  }
0xc1: {  	[dreg:$0x1] =	wrdreg $0xFFFFFFFF  }
0xc2: {  	_ =	task.clear_ibuf [dreg:s7], $0x2FFFF;
	_ =	strace $0x9FFFFFFF  }
0xc3: {  	(tm) =	ssettm $0x7FFFFFFF  }
tec
execute0_lowered:
.L_overlay_start_1:
0x0: {  	(tag) =	ssettag $0x1  }
0x1: {  	s0 =	rddreg [dreg:$0x0]  }
0x2: {  	s1 =	rddreg [dreg:$0x1];
	s11 =	stileid.u32  }
0x3: {  	s3 =	srdreg.scid;
	s2 =	rddreg [dreg:$0x2];
	s4 =	simm.s32 $0x0  }
0x4: {  	s19 =	simm.s32 $0x50;
	s28 =	simm.s32 $0xEC40;
	s30 =	simm.s32 $0x10040  }
0x5: {  	s29 =	simm.s32 $0x3;
	s31 =	simm.s32 $0x4;
	s5 =	smul.u32 $0x9C4, s11  }
0x6: {  	s12 =	simm.s32 $0xD;
	s13 =	simm.s32 $0xE;
	s7 =	smul.u32 $0xA000, s11  }
0x7: {  	s14 =	simm.s32 $0xF;
	s3 =	sand.u32 $0x1, s3;
	s11 =	smul.u32 $0x28000, s11  }
0x8: {  	[smem:$0x7FF] =	sst s4;
	s4 =	sadd.s32 $0x84600, s0;
	s6 =	smul.u32 $0xA0000, s3  }
0x9: {  	_ =	strace $0x8000004D;
	s9 =	ssub.s32 $0x2, s3;
	s16 =	smul.u32 $0x2800, s3  }
0xa: {  	s3 =	simm.s32 $0x6;
	s8 =	sadd.s32 s5, s0;
	s10 =	sshrl.u32 s9, $0x1  }
0xb: {  	s1 =	sadd.s32 s1, s5;
	s17 =	sshrl.u32 s11, $0x2;
	s18 =	sadd.s32 s7, s2  }
0xc: {  	s5 =	simm.s32 $0x7;
	s8 =	sadd.s32 $0x2800, s8;
	[dreg:$0x5] =	wrdreg s1  }
0xd: {  	s15 =	ssub.s32 s9, s10;
	s1 =	sadd.s32 s17, s2;
	[dreg:$0x4] =	wrdreg s8  }
0xe: {  	s11 =	simm.s32 $0xC;
	s20 =	smax.u32 s15, $0x1;
	[dreg:$0x7] =	wrdreg s1  }
0xf: {  	s6 =	sadd.s32 s7, s6;
	s21 =	sadd.s32 $0x1400, s1;
	[dreg:$0x8] =	wrdreg s20  }
0x10: {  	s17 =	simm.s32 $0x11;
	s22 =	sadd.s32 $0x2800, s1;
	[dreg:$0x9] =	wrdreg s21  }
0x11: {  	s7 =	simm.s32 $0x9;
	s23 =	sadd.s32 $0x3C00, s1;
	[dreg:$0xa] =	wrdreg s22  }
0x12: {  	s9 =	simm.s32 $0xA;
	s24 =	sadd.s32 $0x5000, s1;
	[dreg:$0xb] =	wrdreg s23  }
0x13: {  	s10 =	simm.s32 $0xB;
	s25 =	sadd.s32 $0x6400, s1;
	[dreg:$0xc] =	wrdreg s24  }
0x14: {  	v0 =	vmov s16;
	s16 =	simm.s32 $0x0;
	s26 =	sadd.s32 $0x7800, s1;
	[dreg:$0xd] =	wrdreg s25  }
0x15: {  	s6 =	sshrl.u32 s6, $0x3;
	s1 =	sadd.s32 $0x8C00, s1;
	[dreg:$0xe] =	wrdreg s26  }
0x16: {  	s15 =	simm.s32 $0x10;
	s0 =	sadd.s32 s6, s0;
	[dreg:$0xf] =	wrdreg s1  }
.Ltmp0:
0x17: {  	s20 =	simm.s32 $0xB040;
	s22 =	simm.s32 $0xC440;
	(pc) =	sbr.rel .LBB2_1-.Ltmp0, $4  }
0x18: {  	s25 =	simm.s32 $0xD840;
	s1 =	simm.s32 $0x11440;
	s21 =	simm.s32 $0x9C40  }
0x19: {  	s23 =	simm.s32 $0x1;
	s26 =	simm.s32 $0x2;
	s0 =	sadd.s32 $0xAC600, s0  }
0x1a: {  	s6 =	simm.s32 $0x8;
	[dreg:$0x6] =	wrdreg s0;
	s0 =	sshrl.u32 s18, $0x3  }
0x1b: {  	v1 =	vimm.f32 $0.0e+00;
	s18 =	simm.s32 $0x12840;
	[dreg:$0x10] =	wrdreg s0;
	s0 =	simm.s32 $0x5  }
.LBB2_8:
0x1c: {  	_ =	swait.ge [sflag:s11], $0x1400  }
0x1d: {  	[sflag:s11] =	ssyncset.done $0x0  }
0x1e: {  	[sflag:s11] =	ssyncadd.s32 $0xFFFFEC00  }
0x1f: {  	_ =	swait.ge [sflag:s12], $0x1400  }
0x20: {  	[sflag:s12] =	ssyncset.done $0x0  }
0x21: {  	[sflag:s12] =	ssyncadd.s32 $0xFFFFEC00  }
0x22: {  	_ =	swait.ge [sflag:s13], $0x1400  }
0x23: {  	[sflag:s13] =	ssyncset.done $0x0  }
0x24: {  	[sflag:s13] =	ssyncadd.s32 $0xFFFFEC00  }
0x25: {  	_ =	swait.ge [sflag:s14], $0x1400  }
0x26: {  	[sflag:s14] =	ssyncset.done $0x0  }
0x27: {  	[sflag:s14] =	ssyncadd.s32 $0xFFFFEC00  }
0x28: {  	_ =	swait.ge [sflag:s15], $0x1400  }
0x29: {  	[sflag:s15] =	ssyncset.done $0x0  }
0x2a: {  	[sflag:s15] =	ssyncadd.s32 $0xFFFFEC00  }
0x2b: {  	_ =	swait.ge [sflag:s23], $0x1400  }
0x2c: {  	[sflag:s23] =	ssyncset.done $0x0  }
0x2d: {  	s8 =	simm.s32 $0x9BA0;
	[sflag:s23] =	ssyncadd.s32 $0xFFFFEC00  }
0x2e: {  	[spmem:s2] =	stream.indirect.scatter.add.f32 [tilespmem:s21], [sflag:$0x9], $0x40, s8, s19, $0xb8;
	[tilespmem:$0x1DC40] =	vst v63  }
0x2f: {  	_ =	swait.ge [sflag:s26], $0x1400  }
0x30: {  	[sflag:s26] =	ssyncset.done $0x0  }
0x31: {  	s16 =	simm.s32 $0x9BF0;
	[sflag:s26] =	ssyncadd.s32 $0xFFFFEC00  }
0x32: {  	[spmem:s2] =	stream.indirect.scatter.add.f32 [tilespmem:s20], [sflag:$0xA], $0x40, s16, s19, $0xb8;
	[tilespmem:$0x1DC40] =	vst v63  }
0x33: {  	_ =	swait.ge [sflag:s7], $0x1400  }
0x34: {  	[sflag:s7] =	ssyncset.done $0x0  }
0x35: {  	[sflag:s7] =	ssyncadd.s32 $0xFFFFEC00  }
0x36: {  	_ =	swait.ge [sflag:s9], $0x1400  }
0x37: {  	[sflag:s9] =	ssyncset.done $0x0  }
0x38: {  	[sflag:s9] =	ssyncadd.s32 $0xFFFFEC00  }
0x39: {  	s24 =	stileid.u32;
	[bflag:$0x0] =	sbarrier.arrive $0xFFFF  }
0x3a: {  	s8 =	sshll.u32 s24, $0x6;
	s16 =	rddreg [dreg:$0x6]  }
0x3b: {  	s8 =	sor.u32 $0x1C11, s8;
	s24 =	rddreg [dreg:$0x10]  }
0x3c: {  	[hbm:s16], [sflag:s8] =	dma.local [spmem:s24], $0x1400  }
0x3d: {  	_ =	swait.ge [sflag:s17], $0x1400  }
0x3e: {  	s8 =	rddreg [dreg:$0x11]  }
0x3f: {  	s24 =	rddreg [dreg:$0x8];
	s16 =	sadd.s32 $0x1, s8  }
0x40: {  	p0 =	sne.s32 s16, s24  }
.Ltmp1:
0x41: {  	_ = 	snop;
	(pc) =	sbr.rel @!p0 .LBB2_9-.Ltmp1, $3  }
0x42: {  	_ =	sdelay $0x1  }
0x43: {  	[sflag:s17] =	ssyncset.done $0x0  }
0x44: {  	[sflag:s17] =	ssyncadd.s32 $0xFFFFEC00  }
.LBB2_1:
0x45: {  	[dreg:$0x11] =	wrdreg s16  }
0x46: {  	s8 =	simm.s32 $0x0;
	s24 =	rddreg [dreg:$0x4]  }
0x47: {  	[tilespmem:s8], [sflag:$0x11] =	stream.linear.gather [hbm4b:s24+s8], $0x4E20, $0x38;
	[tilespmem:$0x1DC40] =	vst v63  }
0x48: {  	_ =	swait.ge [sflag:s17], $0x4E20  }
0x49: {  	[sflag:s17] =	ssyncset.done $0x0  }
0x4a: {  	s24 =	simm.s32 $0x4E20;
	s16 =	rddreg [dreg:$0x5];
	[sflag:s17] =	ssyncadd.s32 $0xFFFFB1E0  }
0x4b: {  	[tilespmem:s24], [sflag:$0x11] =	stream.linear.gather [hbm4b:s16+s8], $0x4E20, $0x38;
	[tilespmem:$0x1DC40] =	vst v63  }
0x4c: {  	_ =	swait.ge [sflag:s17], $0x4E20  }
0x4d: {  	[sflag:s17] =	ssyncset.done $0x0  }
0x4e: {  	s8 =	simm.s32 $0x0;
	s24 =	simm.s32 $0x40;
	[sflag:s17] =	ssyncadd.s32 $0xFFFFB1E0  }
.LBB2_2:
0x4f: {  	p0 =	sne.s32 s24, $0x13840;
	v2 =	vld [tilespmem:s8+$0x0];
	_ =	sdelay $0x1  }
.Ltmp2:
0x50: {  	(pc) =	sbr.rel @p0 .LBB2_2-.Ltmp2, $3  }
0x51: {  	_ =	sdelay $0x1  }
0x52: {  	v2 =	vadd.s32 v0, v2  }
0x53: {  	[tilespmem:s8+$0x0] =	vst v2;
	s8 =	sshra.s32 s24, $0x2;
	s24 =	sadd.s32 $0x40, s24  }
0x54: {  	v2 =	vld [tilespmem:s8+$0x0];
	_ =	sdelay $0x4  }
0x55: {  	v2 =	vadd.s32 v0, v2  }
0x56: {  	[tilespmem:s8+$0x0] =	vst v2  }
0x57: {  	[tilespmem:s20], [sflag:$0x2] =	stream.indirect.gather [hbm4b:s4+s19], $0x40, s19, s19, $0xb8;
	[tilespmem:$0x1DC40] =	vst v63  }
0x58: {  	s16 =	simm.s32 $0xA0  }
0x59: {  	[tilespmem:s22], [sflag:$0x3] =	stream.indirect.gather [hbm4b:s4+s19], $0x40, s16, s19, $0xb8;
	[tilespmem:$0x1DC40] =	vst v63  }
0x5a: {  	s24 =	simm.s32 $0xF0  }
0x5b: {  	[tilespmem:s25], [sflag:$0x4] =	stream.indirect.gather [hbm4b:s4+s19], $0x40, s24, s19, $0xb8;
	[tilespmem:$0x1DC40] =	vst v63  }
0x5c: {  	s16 =	simm.s32 $0x140  }
0x5d: {  	[tilespmem:s28], [sflag:$0x5] =	stream.indirect.gather [hbm4b:s4+s19], $0x40, s16, s19, $0xb8;
	[tilespmem:$0x1DC40] =	vst v63  }
0x5e: {  	s24 =	simm.s32 $0x190  }
0x5f: {  	[tilespmem:s30], [sflag:$0x6] =	stream.indirect.gather [hbm4b:s4+s19], $0x40, s24, s19, $0xb8;
	[tilespmem:$0x1DC40] =	vst v63  }
0x60: {  	s16 =	simm.s32 $0x1E0  }
0x61: {  	[tilespmem:s1], [sflag:$0x7] =	stream.indirect.gather [hbm4b:s4+s19], $0x40, s16, s19, $0xb8;
	[tilespmem:$0x1DC40] =	vst v63  }
0x62: {  	s24 =	simm.s32 $0x230  }
0x63: {  	[tilespmem:s18], [sflag:$0x8] =	stream.indirect.gather [hbm4b:s4+s19], $0x40, s24, s19, $0xb8;
	[tilespmem:$0x1DC40] =	vst v63  }
0x64: {  	s8 =	simm.s32 $0x0;
	s24 =	simm.s32 $0x100  }
.LBB2_4:
0x65: {  	p0 =	sne.s32 s24, $0x4F00;
	[tilespmem:s8+$0x9C70] =	vst v1;
	s16 =	smov.u32 s24;
	s24 =	sadd.s32 $0x100, s24  }
.Ltmp3:
0x66: {  	[tilespmem:s8+$0x9C60] =	vst v1;
	(pc) =	sbr.rel @p0 .LBB2_4-.Ltmp3, $3  }
0x67: {  	[tilespmem:s8+$0x9C40] =	vst v1  }
0x68: {  	[tilespmem:s8+$0x9C50] =	vst v1;
	_ =	sdelay $0x1  }
0x69: {  	s8 =	sshra.s32 s16, $0x2  }
0x6a: {  	[tilespmem:s8+$0x9C70] =	vst v1  }
0x6b: {  	[tilespmem:s8+$0x9C60] =	vst v1  }
0x6c: {  	[tilespmem:s8+$0x9C40] =	vst v1  }
0x6d: {  	[tilespmem:s8+$0x9C50] =	vst v1;
	s16 =	rddreg [dreg:$0x7]  }
0x6e: {  	[spmem:s16] =	stream.linear.scatter [tilespmem:s21], [sflag:$0x11], $0x1400, $0x38;
	[tilespmem:$0x1DC40] =	vst v63  }
0x6f: {  	_ =	swait.ge [sflag:s17], $0x1400  }
0x70: {  	[sflag:s17] =	ssyncset.done $0x0  }
0x71: {  	s24 =	rddreg [dreg:$0x9];
	[sflag:s17] =	ssyncadd.s32 $0xFFFFEC00  }
0x72: {  	[spmem:s24] =	stream.linear.scatter [tilespmem:s21], [sflag:$0x11], $0x1400, $0x38;
	[tilespmem:$0x1DC40] =	vst v63  }
0x73: {  	_ =	swait.ge [sflag:s17], $0x1400  }
0x74: {  	[sflag:s17] =	ssyncset.done $0x0  }
0x75: {  	s16 =	rddreg [dreg:$0xa];
	[sflag:s17] =	ssyncadd.s32 $0xFFFFEC00  }
0x76: {  	[spmem:s16] =	stream.linear.scatter [tilespmem:s21], [sflag:$0x11], $0x1400, $0x38;
	[tilespmem:$0x1DC40] =	vst v63  }
0x77: {  	_ =	swait.ge [sflag:s17], $0x1400  }
0x78: {  	[sflag:s17] =	ssyncset.done $0x0  }
0x79: {  	s24 =	rddreg [dreg:$0xb];
	[sflag:s17] =	ssyncadd.s32 $0xFFFFEC00  }
0x7a: {  	[spmem:s24] =	stream.linear.scatter [tilespmem:s21], [sflag:$0x11], $0x1400, $0x38;
	[tilespmem:$0x1DC40] =	vst v63  }
0x7b: {  	_ =	swait.ge [sflag:s17], $0x1400  }
0x7c: {  	[sflag:s17] =	ssyncset.done $0x0  }
0x7d: {  	s16 =	rddreg [dreg:$0xc];
	[sflag:s17] =	ssyncadd.s32 $0xFFFFEC00  }
0x7e: {  	[spmem:s16] =	stream.linear.scatter [tilespmem:s21], [sflag:$0x11], $0x1400, $0x38;
	[tilespmem:$0x1DC40] =	vst v63  }
0x7f: {  	_ =	swait.ge [sflag:s17], $0x1400  }
0x80: {  	[sflag:s17] =	ssyncset.done $0x0  }
0x81: {  	s24 =	rddreg [dreg:$0xd];
	[sflag:s17] =	ssyncadd.s32 $0xFFFFEC00  }
0x82: {  	[spmem:s24] =	stream.linear.scatter [tilespmem:s21], [sflag:$0x11], $0x1400, $0x38;
	[tilespmem:$0x1DC40] =	vst v63  }
0x83: {  	_ =	swait.ge [sflag:s17], $0x1400  }
0x84: {  	[sflag:s17] =	ssyncset.done $0x0  }
0x85: {  	s16 =	rddreg [dreg:$0xe];
	[sflag:s17] =	ssyncadd.s32 $0xFFFFEC00  }
0x86: {  	[spmem:s16] =	stream.linear.scatter [tilespmem:s21], [sflag:$0x11], $0x1400, $0x38;
	[tilespmem:$0x1DC40] =	vst v63  }
0x87: {  	_ =	swait.ge [sflag:s17], $0x1400  }
0x88: {  	[sflag:s17] =	ssyncset.done $0x0  }
0x89: {  	s24 =	rddreg [dreg:$0xf];
	[sflag:s17] =	ssyncadd.s32 $0xFFFFEC00  }
0x8a: {  	[spmem:s24] =	stream.linear.scatter [tilespmem:s21], [sflag:$0x11], $0x1400, $0x38;
	[tilespmem:$0x1DC40] =	vst v63  }
0x8b: {  	_ =	swait.ge [sflag:s17], $0x1400  }
0x8c: {  	[sflag:s17] =	ssyncset.done $0x0  }
0x8d: {  	s24 =	simm.s32 $0x0;
	[sflag:s17] =	ssyncadd.s32 $0xFFFFEC00  }
0x8e: {  	[tilespmem:s21], [sflag:$0x1] =	stream.indirect.gather [hbm4b:s4+s19], $0x40, s24, s19, $0xb8;
	[tilespmem:$0x1DC40] =	vst v63  }
0x8f: {  	[bflag:$0x0] =	sbarrier.arrive $0xFFFF  }
.LBB2_6:
0x90: {  	_ =	swait.ge [sflag:s23], $0x1400  }
0x91: {  	s8 =	sshra.s32 s24, $0x2;
	[sflag:s23] =	ssyncset.done $0x0  }
0x92: {  	s16 =	sadd.s32 $0x4E20, s8;
	[sflag:s23] =	ssyncadd.s32 $0xFFFFEC00  }
0x93: {  	[spmem:s2] =	stream.indirect.scatter.add.f32 [tilespmem:s21], [sflag:$0x9], $0x40, s16, s19, $0xb8;
	[tilespmem:$0x1DC40] =	vst v63  }
0x94: {  	_ =	swait.ge [sflag:s26], $0x1400  }
0x95: {  	[sflag:s26] =	ssyncset.done $0x0  }
0x96: {  	s16 =	sadd.s32 $0x4E70, s8;
	[sflag:s26] =	ssyncadd.s32 $0xFFFFEC00  }
0x97: {  	[spmem:s2] =	stream.indirect.scatter.add.f32 [tilespmem:s20], [sflag:$0xA], $0x40, s16, s19, $0xb8;
	[tilespmem:$0x1DC40] =	vst v63  }
0x98: {  	_ =	swait.ge [sflag:s29], $0x1400  }
0x99: {  	[sflag:s29] =	ssyncset.done $0x0  }
0x9a: {  	s16 =	sadd.s32 $0x4EC0, s8;
	[sflag:s29] =	ssyncadd.s32 $0xFFFFEC00  }
0x9b: {  	[spmem:s2] =	stream.indirect.scatter.add.f32 [tilespmem:s22], [sflag:$0xB], $0x40, s16, s19, $0xb8;
	[tilespmem:$0x1DC40] =	vst v63  }
0x9c: {  	_ =	swait.ge [sflag:s31], $0x1400  }
0x9d: {  	[sflag:s31] =	ssyncset.done $0x0  }
0x9e: {  	s16 =	sadd.s32 $0x4F10, s8;
	[sflag:s31] =	ssyncadd.s32 $0xFFFFEC00  }
0x9f: {  	[spmem:s2] =	stream.indirect.scatter.add.f32 [tilespmem:s25], [sflag:$0xC], $0x40, s16, s19, $0xb8;
	[tilespmem:$0x1DC40] =	vst v63  }
0xa0: {  	_ =	swait.ge [sflag:s0], $0x1400  }
0xa1: {  	[sflag:s0] =	ssyncset.done $0x0  }
0xa2: {  	s16 =	sadd.s32 $0x4F60, s8;
	[sflag:s0] =	ssyncadd.s32 $0xFFFFEC00  }
0xa3: {  	[spmem:s2] =	stream.indirect.scatter.add.f32 [tilespmem:s28], [sflag:$0xD], $0x40, s16, s19, $0xb8;
	[tilespmem:$0x1DC40] =	vst v63  }
0xa4: {  	_ =	swait.ge [sflag:s3], $0x1400  }
0xa5: {  	[sflag:s3] =	ssyncset.done $0x0  }
0xa6: {  	s16 =	sadd.s32 $0x4FB0, s8;
	[sflag:s3] =	ssyncadd.s32 $0xFFFFEC00  }
0xa7: {  	[spmem:s2] =	stream.indirect.scatter.add.f32 [tilespmem:s30], [sflag:$0xE], $0x40, s16, s19, $0xb8;
	[tilespmem:$0x1DC40] =	vst v63  }
0xa8: {  	_ =	swait.ge [sflag:s5], $0x1400  }
0xa9: {  	[sflag:s5] =	ssyncset.done $0x0  }
0xaa: {  	s16 =	sadd.s32 $0x5000, s8;
	[sflag:s5] =	ssyncadd.s32 $0xFFFFEC00  }
0xab: {  	[spmem:s2] =	stream.indirect.scatter.add.f32 [tilespmem:s1], [sflag:$0xF], $0x40, s16, s19, $0xb8;
	[tilespmem:$0x1DC40] =	vst v63  }
0xac: {  	_ =	swait.ge [sflag:s6], $0x1400  }
0xad: {  	[sflag:s6] =	ssyncset.done $0x0  }
0xae: {  	s16 =	sadd.s32 $0x5050, s8;
	[sflag:s6] =	ssyncadd.s32 $0xFFFFEC00  }
0xaf: {  	[spmem:s2] =	stream.indirect.scatter.add.f32 [tilespmem:s18], [sflag:$0x10], $0x40, s16, s19, $0xb8;
	[tilespmem:$0x1DC40] =	vst v63  }
0xb0: {  	_ =	swait.ge [sflag:s7], $0x1400  }
0xb1: {  	[sflag:s7] =	ssyncset.done $0x0  }
0xb2: {  	s16 =	sadd.s32 $0x280, s8;
	[sflag:s7] =	ssyncadd.s32 $0xFFFFEC00  }
0xb3: {  	[tilespmem:s21], [sflag:$0x1] =	stream.indirect.gather [hbm4b:s4+s19], $0x40, s16, s19, $0xb8;
	[tilespmem:$0x1DC40] =	vst v63  }
0xb4: {  	_ =	swait.ge [sflag:s9], $0x1400  }
0xb5: {  	p0 =	seq.s32 s24, $0x12C00;
	[sflag:s9] =	ssyncset.done $0x0  }
.Ltmp4:
0xb6: {  	s16 =	sadd.s32 $0x2D0, s8;
	[sflag:s9] =	ssyncadd.s32 $0xFFFFEC00;
	(pc) =	sbr.rel @p0 .LBB2_8-.Ltmp4, $4  }
0xb7: {  	[tilespmem:s20], [sflag:$0x2] =	stream.indirect.gather [hbm4b:s4+s19], $0x40, s16, s19, $0xb8;
	[tilespmem:$0x1DC40] =	vst v63  }
0xb8: {  	_ =	swait.ge [sflag:s10], $0x1400  }
0xb9: {  	[sflag:s10] =	ssyncset.done $0x0  }
0xba: {  	[sflag:s10] =	ssyncadd.s32 $0xFFFFEC00  }
0xbb: {  	s16 =	sadd.s32 $0x320, s8  }
0xbc: {  	[tilespmem:s22], [sflag:$0x3] =	stream.indirect.gather [hbm4b:s4+s19], $0x40, s16, s19, $0xb8;
	[tilespmem:$0x1DC40] =	vst v63  }
0xbd: {  	_ =	swait.ge [sflag:s11], $0x1400  }
0xbe: {  	[sflag:s11] =	ssyncset.done $0x0  }
0xbf: {  	s16 =	sadd.s32 $0x370, s8;
	[sflag:s11] =	ssyncadd.s32 $0xFFFFEC00  }
0xc0: {  	[tilespmem:s25], [sflag:$0x4] =	stream.indirect.gather [hbm4b:s4+s19], $0x40, s16, s19, $0xb8;
	[tilespmem:$0x1DC40] =	vst v63  }
0xc1: {  	_ =	swait.ge [sflag:s12], $0x1400  }
0xc2: {  	[sflag:s12] =	ssyncset.done $0x0  }
0xc3: {  	s16 =	sadd.s32 $0x3C0, s8;
	[sflag:s12] =	ssyncadd.s32 $0xFFFFEC00  }
0xc4: {  	[tilespmem:s28], [sflag:$0x5] =	stream.indirect.gather [hbm4b:s4+s19], $0x40, s16, s19, $0xb8;
	[tilespmem:$0x1DC40] =	vst v63  }
0xc5: {  	_ =	swait.ge [sflag:s13], $0x1400  }
0xc6: {  	[sflag:s13] =	ssyncset.done $0x0  }
0xc7: {  	s16 =	sadd.s32 $0x410, s8;
	[sflag:s13] =	ssyncadd.s32 $0xFFFFEC00  }
0xc8: {  	[tilespmem:s30], [sflag:$0x6] =	stream.indirect.gather [hbm4b:s4+s19], $0x40, s16, s19, $0xb8;
	[tilespmem:$0x1DC40] =	vst v63  }
0xc9: {  	_ =	swait.ge [sflag:s14], $0x1400  }
0xca: {  	[sflag:s14] =	ssyncset.done $0x0  }
0xcb: {  	s16 =	sadd.s32 $0x460, s8;
	[sflag:s14] =	ssyncadd.s32 $0xFFFFEC00  }
0xcc: {  	[tilespmem:s1], [sflag:$0x7] =	stream.indirect.gather [hbm4b:s4+s19], $0x40, s16, s19, $0xb8;
	[tilespmem:$0x1DC40] =	vst v63  }
.Ltmp5:
0xcd: {  	_ = 	snop;
	(pc) =	sbr.rel .LBB2_6-.Ltmp5, $4  }
0xce: {  	_ =	swait.ge [sflag:s15], $0x1400  }
0xcf: {  	[sflag:s15] =	ssyncset.done $0x0  }
0xd0: {  	s24 =	sadd.s32 $0xA00, s24;
	s16 =	sadd.s32 $0x4B0, s8;
	[sflag:s15] =	ssyncadd.s32 $0xFFFFEC00  }
0xd1: {  	[tilespmem:s18], [sflag:$0x8] =	stream.indirect.gather [hbm4b:s4+s19], $0x40, s16, s19, $0xb8;
	[tilespmem:$0x1DC40] =	vst v63  }
.LBB2_9:
0xd2: {  	_ =	sfence.sel $0x180000  }
0xd3: {  	[bflag:$0x0] =	sbarrier.arrive $0xFFFF  }
0xd4: {  	_ =	strace $0x9000004D  }
0xd5: {  	s0 =	stileid.u32;
	[bflag:$0x2] =	sbarrier.arrive $0xFFFF  }
0xd6: {  	p0 =	sne.s32 s0, $0x0;
	s0 =	rddreg [dreg:$0x3]  }
0xd7: {  	s0 =	sadd.s32 @!p0 $0x100000, s0  }
0xd8: {  	[sflag:s0] =	ssyncadd.tile.s32 @!p0 $0x1;
	_ =	shalt  }
.Lfunc_end2:
_tile_overlayer_lowered:
.L_overlay_start_2:
0xd9: {  	(tag) =	ssettag $0x2  }
0xda: {  	s0 =	rddreg [dreg:$0x0];
	s2 =	stileid.u32  }
0xdb: {  	s1 =	rddreg [dreg:$0x1];
	p0 =	sne.s32 s2, $0x0  }
0xdc: {  	s3 =	rddreg [dreg:$0x2];
	[bflag:$0x3] =	sbarrier.arrive $0xFFFF;
	s2 =	simm.s32 @!p0 $0x1C11  }
0xdd: {  	[timem:s3], [sflag:s2] =	dma.local @!p0 [hbm:s0], s1  }
0xde: {  	s0 =	simm.s32 @!p0 $0x11  }
0xdf: {  	_ =	swait.ge @!p0 [sflag:s0], s1  }
0xe0: {  	s1 =	ssub.s32 @!p0 $0x0, s1;
	[sflag:s0] =	ssyncset.done @!p0 $0x0  }
0xe1: {  	[sflag:s0] =	ssyncadd.s32 @!p0 s1  }
0xe2: {  	[bflag:$0x3] =	sbarrier.arrive $0xFFFF  }
0xe3: {  	_ =	shalt  }

// kernel: kernel.8.cloned.1.call-start
scs
__scs_entry_jumppad:
0x0: {  	(pc) =	sbr.rel $0x88, $3  }
0x1: {  	(tag) =	ssettag $0x0;
	lr =	simm.s32 $0x1  }
0x2: {  	[smem:$0x3F9B] =	sst lr;
	_ =	strace $0xD0000000  }
0x3: {  	_ = 	snop  }
0x4: {  	_ = 	snop  }
0x5: {  	_ = 	snop  }
0x6: {  	_ = 	snop  }
0x7: {  	_ = 	snop  }
__scs_overlays_trampoline_lowered:
0x8: {  	[smem:$0x3FAA] =	sst s0  }
0x9: {  	[smem:$0x3FAB] =	sst s1  }
0xa: {  	[smem:$0x3FAC] =	sst s2  }
0xb: {  	[smem:$0x3FAD] =	sst s3  }
0xc: {  	[smem:$0x3FAE] =	sst s4  }
0xd: {  	[smem:$0x3FAF] =	sst s5  }
0xe: {  	[smem:$0x3FB0] =	sst s6  }
0xf: {  	[smem:$0x3FB1] =	sst s7  }
0x10: {  	[smem:$0x3FB2] =	sst s8  }
0x11: {  	[smem:$0x3FB3] =	sst s9;
	s0 =	simm.s32 @!p0 $0x0  }
0x12: {  	s1 =	sld [smem:$0x3F99];
	s0 =	simm.s32 @p0 $0x1  }
0x13: {  	[smem:$0x3FB4] =	sst s0;
	s0 =	simm.s32 @!p1 $0x0  }
0x14: {  	s2 =	sld [smem:$0x3F98];
	s0 =	simm.s32 @p1 $0x1  }
0x15: {  	[smem:$0x3FB5] =	sst s0;
	s0 =	simm.s32 @!p2 $0x0  }
0x16: {  	s3 =	sld [smem:$0x3FDB];
	s0 =	simm.s32 @p2 $0x1  }
0x17: {  	s4 =	simm.s32 $0x1BF5;
	[smem:$0x3FB7] =	sst s0  }
0x18: {  	s0 =	sld [smem:$0x3F9A];
	_ =	swait.ge [sflag:s4], $0x0  }
0x19: {  	s7 =	sld [smem:$0x3F9B]  }
0x1a: {  	s8 =	sadd.s32 $0xFFFFE003, lr  }
0x1b: {  	s9 =	sadd.s32 $0xFFFFFEF7, lr;
	s5 =	simm.s32 $0xFFFFFFFF;
	p2 =	slt.u32 s8, $0xFFFFF086  }
0x1c: {  	p1 =	slt.u32 s9, $0xF7A;
	s5 =	simm.s32 @!p2 $0x0  }
0x1d: {  	s5 =	simm.s32 @p1 $0x1;
	p0 =	seq.s32 s7, s2  }
0x1e: {  	s7 =	smul.u32 @!p0 $0xF7A, s2;
	p2 =	seq.s32 @!p0 s5, $0x0  }
0x1f: {  	s9 =	smul.u32 $0xF7A, s1;
	s8 =	simm.s32 @!p0 $0x1BF5;
	p2 =	por !p2, p0  }
0x20: {  	[sflag:s8] =	ssyncset.s32 @!p0 $0xFFFFF086;
	s6 =	sadd.s32 @!p0 s3, s7;
	s7 =	simm.s32 @!p0 $0x108  }
0x21: {  	s3 =	sadd.s32 s3, s9;
	s6 =	sadd.s32 @!p0 $0x88, s6;
	s7 =	simm.s32 @p2 $0x1082  }
0x22: {  	[simem:s7], [sflag:s8] =	dma.local @!p0 [hbm:s6], $0xF7A  }
0x23: {  	s9 =	sor.u32 $0xD0000000, s2;
	s6 =	simm.s32 $0x108;
	_ =	swait.ge @!p0 [sflag:s8], $0x0  }
0x24: {  	s3 =	sadd.s32 $0x88, s3;
	s6 =	simm.s32 @!p1 $0x1082;
	[sflag:s4] =	ssyncset.s32 $0xFFFFF086  }
0x25: {  	[simem:s6], [sflag:s4] =	dma.local [hbm:s3], $0xF7A  }
0x26: {  	[smem:$0x3F9B] =	sst s1;
	(tag) =	ssettag s2;
	_ =	strace s9  }
0x27: {  	s1 =	sld [smem:$0x3FAB]  }
0x28: {  	s2 =	sld [smem:$0x3FAC]  }
0x29: {  	s4 =	sld [smem:$0x3FAE]  }
0x2a: {  	p0 =	seq.s32 s5, $0x0;
	s5 =	sld [smem:$0x3FAF]  }
0x2b: {  	s6 =	sld [smem:$0x3FB0]  }
0x2c: {  	s7 =	sld [smem:$0x3FB1]  }
0x2d: {  	s3 =	simm.s32 $0x108;
	s8 =	sld [smem:$0x3FB2]  }
0x2e: {  	s3 =	simm.s32 @!p0 $0x1082;
	s9 =	sld [smem:$0x3FB3]  }
0x2f: {  	lr =	sadd.s32 s0, s3;
	s0 =	sld [smem:$0x3FAA]  }
0x30: {  	s3 =	sld [smem:$0x3FAD]  }
0x31: {  	[smem:$0x3FB6] =	sst s10  }
0x32: {  	s10 =	sld [smem:$0x3FB4];
	_ =	sdelay $0x3  }
0x33: {  	p0 =	seq.s32 s10, $0x1;
	s10 =	sld [smem:$0x3FB6];
	_ =	sdelay $0x3  }
0x34: {  	[smem:$0x3FB6] =	sst s10  }
0x35: {  	s10 =	sld [smem:$0x3FB5];
	_ =	sdelay $0x3  }
0x36: {  	p1 =	seq.s32 s10, $0x1;
	s10 =	sld [smem:$0x3FB6];
	_ =	sdelay $0x3  }
0x37: {  	[smem:$0x3FB6] =	sst s10  }
0x38: {  	s10 =	sld [smem:$0x3FB7]  }
0x39: {  	_ = 	snop;
	(pc) =	sbr.ind lr, $3  }
0x3a: {  	_ = 	snop  }
0x3b: {  	_ = 	snop  }
0x3c: {  	p2 =	seq.s32 s10, $0x1;
	s10 =	sld [smem:$0x3FB6]  }
0x3d: {  	_ =	shalt  }
0x3e: {  	_ =	shalt  }
0x3f: {  	_ =	shalt  }
0x40: {  	_ =	shalt  }
0x41: {  	_ =	shalt  }
0x42: {  	_ =	shalt  }
0x43: {  	_ =	shalt  }
0x44: {  	_ =	shalt  }
0x45: {  	_ =	shalt  }
0x46: {  	_ =	shalt  }
0x47: {  	_ =	shalt  }
0x48: {  	_ =	shalt  }
0x49: {  	_ =	shalt  }
0x4a: {  	_ =	shalt  }
0x4b: {  	_ =	shalt  }
0x4c: {  	_ =	shalt  }
0x4d: {  	_ =	shalt  }
0x4e: {  	_ =	shalt  }
0x4f: {  	_ =	shalt  }
0x50: {  	_ =	shalt  }
0x51: {  	_ =	shalt  }
0x52: {  	_ =	shalt  }
0x53: {  	_ =	shalt  }
0x54: {  	_ =	shalt  }
0x55: {  	_ =	shalt  }
0x56: {  	_ =	shalt  }
0x57: {  	_ =	shalt  }
0x58: {  	_ =	shalt  }
0x59: {  	_ =	shalt  }
0x5a: {  	_ =	shalt  }
0x5b: {  	_ =	shalt  }
0x5c: {  	_ =	shalt  }
0x5d: {  	_ =	shalt  }
0x5e: {  	_ =	shalt  }
0x5f: {  	_ =	shalt  }
0x60: {  	_ =	shalt  }
0x61: {  	_ =	shalt  }
0x62: {  	_ =	shalt  }
0x63: {  	_ =	shalt  }
0x64: {  	_ =	shalt  }
0x65: {  	_ =	shalt  }
0x66: {  	_ =	shalt  }
0x67: {  	_ =	shalt  }
0x68: {  	_ =	shalt  }
0x69: {  	_ =	shalt  }
0x6a: {  	_ =	shalt  }
0x6b: {  	_ =	shalt  }
0x6c: {  	_ =	shalt  }
0x6d: {  	_ =	shalt  }
0x6e: {  	_ =	shalt  }
0x6f: {  	_ =	shalt  }
0x70: {  	_ =	shalt  }
0x71: {  	_ =	shalt  }
0x72: {  	_ =	shalt  }
0x73: {  	_ =	shalt  }
0x74: {  	_ =	shalt  }
0x75: {  	_ =	shalt  }
0x76: {  	_ =	shalt  }
0x77: {  	_ =	shalt  }
0x78: {  	_ =	shalt  }
0x79: {  	_ =	shalt  }
0x7a: {  	_ =	shalt  }
0x7b: {  	_ =	shalt  }
0x7c: {  	_ =	shalt  }
0x7d: {  	_ =	shalt  }
0x7e: {  	_ =	shalt  }
0x7f: {  	_ =	shalt  }
0x80: {  	_ =	shalt  }
0x81: {  	_ =	shalt  }
0x82: {  	_ =	shalt  }
0x83: {  	_ =	shalt  }
0x84: {  	_ =	shalt  }
0x85: {  	_ =	shalt  }
0x86: {  	_ =	shalt  }
0x87: {  	_ =	shalt  }
.Lfunc_end0:
.L_simem_size_0:
called_computation_lowered:
.L_overlay_start_0:
0x88: {  	s2 =	sld [smem:$0x3FD9]  }
0x89: {  	s3 =	sld [smem:$0x3FFE];
	_ =	sdelay $0x1  }
0x8a: {  	s1 =	srdreg.scid  }
0x8b: {  	s0 =	sand.u32 $0x1, s1  }
0x8c: {  	s17 =	sshll.u32 s0, $0xA;
	s2 =	sadd.s32 s3, s2  }
0x8d: {  	s2 =	sadd.s32 s2, s17  }
0x8e: {  	[smem:$0x3FC2] =	sst s2  }
0x8f: {  	_ = 	snop  }
0x90: {  	s2 =	sld [smem:$0x3FD0];
	(tm) =	ssettm $0x1  }
0x91: {  	s18 =	sld [smem:$0x3FFB];
	_ =	sdelay $0x3  }
0x92: {  	_ =	strace s18  }
0x93: {  	s3 =	sld [smem:$0x3FFC];
	_ =	sdelay $0x3  }
0x94: {  	_ =	strace s3  }
0x95: {  	s3 =	sld [smem:$0x3FFD];
	_ =	sdelay $0x3  }
0x96: {  	_ =	strace s3  }
0x97: {  	_ =	strace $0x8FFFFFFF  }
0x98: {  	s19 =	sld [smem:$0x3FDB];
	_ =	sdelay $0x1  }
0x99: {  	s4 =	simm.s32 $_scs_section_size  }
0x9a: {  	s5 =	simm.s32 $_size__tile_overlayer_lowered;
	s6 =	simm.s32 $_tile_overlayer_lowered  }
0x9b: {  	s22 =	simm.s32 $0x1BFF;
	s21 =	sshll.u32 s6, $0x1;
	s3 =	sadd.s32 s4, s19  }
0x9c: {  	s7 =	simm.s32 $0x0;
	s20 =	sshll.u32 s5, $0x1;
	s5 =	sadd.s32 s21, s3  }
0x9d: {  	[timem:s7], [sflag:s22] =	dma.local [hbm:s5], s20  }
0x9e: {  	_ =	swait.ge [sflag:s22], s20  }
0x9f: {  	s4 =	ssub.s32 $0x0, s20;
	[sflag:s22] =	ssyncset.done $0x0  }
0xa0: {  	[sflag:s22] =	ssyncadd.s32 s4;
	_ =	sdelay $0x1  }
0xa1: {  	s23 =	simm.s32 $0x1B8B  }
0xa2: {  	_ =	swait.ge [sflag:s23], $0x1  }
0xa3: {  	[sflag:s23] =	ssyncset.done $0x0  }
0xa4: {  	s25 =	simm.s32 $0x1B8E;
	s24 =	sld [smem:$0x3FFE];
	[sflag:s23] =	ssyncadd.s32 $0xFFFFFFFF  }
0xa5: {  	s26 =	simm.s32 $execute0_lowered;
	[smem:$0x3FD2] =	sst s25  }
0xa6: {  	s5 =	sshll.u32 s26, $0x1;
	_ =	strace $0x80000046;
	[dreg:$0x1] =	wrdreg $0xFFFFFFFF  }
0xa7: {  	s28 =	simm.s32 $_size_execute0_lowered;
	s3 =	sadd.s32 s3, s5;
	[dreg:$0x0] =	wrdreg $0x0  }
0xa8: {  	s5 =	sshll.u32 s28, $0x1;
	[dreg:$0x2] =	wrdreg s3  }
0xa9: {  	[dreg:$0x3] =	wrdreg s5  }
0xaa: {  	[dreg:$0x4] =	wrdreg $0xC0  }
0xab: {  	_ =	task [dreg:s7], $0x5FFFF  }
0xac: {  	[dreg:$0x1] =	wrdreg $0xFFFFFFFF  }
0xad: {  	[dreg:$0x0] =	wrdreg $0x60  }
0xae: {  	[dreg:$0x2] =	wrdreg s2  }
0xaf: {  	[dreg:$0x3] =	wrdreg s24  }
0xb0: {  	[dreg:$0x4] =	wrdreg $0x9  }
0xb1: {  	_ =	task.clear_ibuf [dreg:s7], $0x5FFFF;
	_ =	strace $0x90000046  }
0xb2: {  	s29 =	simm.s32 $0x9;
	_ =	strace $0x80000048  }
0xb3: {  	_ =	swait.ge [sflag:s29], $0x1  }
0xb4: {  	[sflag:s29] =	ssyncadd.s32 $0xFFFFFFFF  }
0xb5: {  	_ =	strace $0x90000048  }
0xb6: {  	_ =	sfence  }
0xb7: {  	s30 =	sld [smem:$0x0];
	_ =	sdelay $0x2  }
0xb8: {  	s31 =	sshll.u32 s1, $0xD;
	s1 =	sshrl.u32 s1, $0x2  }
0xb9: {  	s3 =	sand.u32 $0x4000, s31;
	s1 =	sadd.s32 s1, s30  }
0xba: {  	s0 =	sor.u32 s3, s0;
	s1 =	sshll.u32 s1, $0x11  }
0xbb: {  	s0 =	sor.u32 s1, s0  }
0xbc: {  	s0 =	sadd.s32 $0x8F2B, s0  }
0xbd: {  	[sflag:s0] =	ssyncadd.remote.s32 $0x1  }
0xbe: {  	_ =	sfence.sel $0xFFFF  }
0xbf: {  	[dreg:$0x0] =	wrdreg $0xFFFFFFFF;
	(pc) =	sbr.abs _section_cstart, $3  }
0xc0: {  	[dreg:$0x1] =	wrdreg $0xFFFFFFFF  }
0xc1: {  	_ =	task.clear_ibuf [dreg:s7], $0x2FFFF;
	_ =	strace $0x9FFFFFFF  }
0xc2: {  	(tm) =	ssettm $0x7FFFFFFF  }
0xc3: {  	_ =	shalt  }
tec
execute0_lowered:
.L_overlay_start_1:
0x0: {  	(tag) =	ssettag $0x1  }
0x1: {  	s3 =	rddreg [dreg:$0x0];
	s1 =	srdreg.scid  }
0x2: {  	s0 =	stileid.u32;
	s4 =	rddreg [dreg:$0x1]  }
0x3: {  	s8 =	simm.s32 $0x0;
	s5 =	sand.u32 $0x1, s1;
	s2 =	sshll.u32 s0, $0x1  }
0x4: {  	s6 =	sor.u32 s5, s2;
	s2 =	simm.s32 $0x0;
	s5 =	ssub.s32 $0x2, s5  }
0x5: {  	s6 =	smul.u32 $0x4E2, s6;
	[smem:$0x7FF] =	sst s2;
	s7 =	sshrl.u32 s5, $0x1  }
0x6: {  	s1 =	rddreg [dreg:$0x2];
	_ =	strace $0x80000047;
	s5 =	ssub.s32 s5, s7  }
0x7: {  	s7 =	simm.s32 $0x2710;
	s4 =	sadd.s32 s6, s4;
	s3 =	sadd.s32 s3, s6  }
0x8: {  	v0 =	vimm.f32 $0.0e+00;
	v1 =	vimm.f32 $1.000000000e+00;
	s5 =	smax.u32 s5, $0x1;
	s6 =	simm.s32 $0x1;
	s4 =	sadd.s32 $0xC600, s4  }
.LBB2_1:
0x9: {  	s9 =	simm.s32 $0x40;
	s10 =	simm.s32 $0x0  }
.LBB2_2:
0xa: {  	p0 =	sne.s32 s9, $0x9C00;
	[tilespmem:s10+$0x2710] =	vst v0;
	s10 =	smov.u32 s9;
	s9 =	sadd.s32 $0x40, s9  }
.Ltmp0:
0xb: {  	(pc) =	sbr.rel @p0 .LBB2_2-.Ltmp0, $2  }
0xc: {  	_ =	sdelay $0x2  }
0xd: {  	s10 =	sshra.s32 s10, $0x2  }
0xe: {  	[tilespmem:s10+$0x2710] =	vst v0;
	s9 =	simm.s32 $0x0  }
0xf: {  	[tilespmem:s9], [sflag:$0x1] =	stream.linear.gather [hbm4b:s3+s9], $0x2710, $0x38;
	[tilespmem:$0x4E20] =	vst v63  }
0x10: {  	_ =	swait.ge [sflag:s6], $0x2710  }
0x11: {  	[sflag:s6] =	ssyncset.done $0x0  }
0x12: {  	s10 =	simm.s32 $0x0;
	s9 =	simm.s32 $0x40;
	[sflag:s6] =	ssyncadd.s32 $0xFFFFD8F0  }
.LBB2_4:
0x13: {  	p0 =	sne.s32 s9, $0x9C00;
	v2 =	vld [tilespmem:s10+$0x0];
	_ =	sdelay $0x3  }
.Ltmp1:
0x14: {  	(pc) =	sbr.rel @p0 .LBB2_4-.Ltmp1, $2  }
0x15: {  	_ =	sdelay $0x2  }
0x16: {  	s10 =	sshra.s32 s9, $0x2;
	s9 =	sadd.s32 $0x40, s9;
	[tilespmem:v2+s7+$0x0] =	vst.idx.add.f32.msk $0xffff, v1  }
0x17: {  	v2 =	vld [tilespmem:s10+$0x0];
	_ =	sdelay $0x5  }
0x18: {  	s8 =	sadd.s32 $0x1, s8  }
0x19: {  	p0 =	sne.s32 s8, s5  }
.Ltmp2:
0x1a: {  	[tilespmem:v2+s7+$0x0] =	vst.idx.add.f32.msk $0xffff, v1;
	(pc) =	sbr.rel @p0 .LBB2_1-.Ltmp2, $4  }
0x1b: {  	[hbm4b:s4+s2] =	stream.linear.scatter [tilespmem:s7], [sflag:$0x1], $0x2710, $0x38;
	[tilespmem:$0x4E20] =	vst v63  }
0x1c: {  	_ =	swait.ge [sflag:s6], $0x2710  }
0x1d: {  	[sflag:s6] =	ssyncset.done $0x0  }
0x1e: {  	[sflag:s6] =	ssyncadd.s32 $0xFFFFD8F0  }
0x1f: {  	_ =	sfence.sel $0x180000  }
0x20: {  	[bflag:$0x0] =	sbarrier.arrive $0xFFFF  }
0x21: {  	p0 =	sne.s32 s0, $0x0;
	_ =	strace $0x90000047  }
0x22: {  	s0 =	sadd.s32 @!p0 $0x100000, s1;
	[bflag:$0x2] =	sbarrier.arrive $0xFFFF  }
0x23: {  	[sflag:s0] =	ssyncadd.tile.s32 @!p0 $0x1;
	_ =	shalt  }
.Lfunc_end2:
_tile_overlayer_lowered:
.L_overlay_start_2:
0x24: {  	(tag) =	ssettag $0x2  }
0x25: {  	s0 =	rddreg [dreg:$0x0];
	s2 =	stileid.u32  }
0x26: {  	s1 =	rddreg [dreg:$0x1];
	p0 =	sne.s32 s2, $0x0  }
0x27: {  	s3 =	rddreg [dreg:$0x2];
	[bflag:$0x3] =	sbarrier.arrive $0xFFFF;
	s2 =	simm.s32 @!p0 $0x1C01  }
0x28: {  	[timem:s3], [sflag:s2] =	dma.local @!p0 [hbm:s0], s1  }
0x29: {  	s0 =	simm.s32 @!p0 $0x1  }
0x2a: {  	_ =	swait.ge @!p0 [sflag:s0], s1  }
0x2b: {  	s1 =	ssub.s32 @!p0 $0x0, s1;
	[sflag:s0] =	ssyncset.done @!p0 $0x0  }
0x2c: {  	[sflag:s0] =	ssyncadd.s32 @!p0 s1  }
0x2d: {  	[bflag:$0x3] =	sbarrier.arrive $0xFFFF  }
0x2e: {  	_ =	shalt  }

</sc_bundles>
